<compile_context>
chip_gen: v7x
topology: tpu7x:2x2x1
jax: 0.10.2.dev20260603
libtpu: 0.0.44.dev20260713+nightly
codegen_flags: <defaults>
</compile_context>

<pallas_src>
import jax
import jax.numpy as jnp
from jax import lax
from jax.experimental import pallas as pl
from jax.experimental.pallas import tpu as pltpu
from jax.experimental.pallas import tpu_sc as plsc

_BATCH = 4096
_HIST = 200
_D = 64
_B = _BATCH * _HIST
_NC = 2
_NS = 16
_NW = _NC * _NS
_PER_W = _B // _NW
_IDXW = 128
_SUB = 4
_C = _SUB * _IDXW
_SEGS = _BATCH // _C
_NCHUNK = _PER_W // _C
_T = _NCHUNK // 2


def _emb_body(ids_hbm, emb_hbm, mask_hbm, out_hbm, mout_hbm,
              idx_v0, idx_v1, rows_v0, rows_v1, mrows_v0, mrows_v1,
              sem_i0, sem_i1, sem_g0, sem_g1, sem_w0, sem_w1):
    wid = lax.axis_index("s") * _NC + lax.axis_index("c")
    chunk_base = wid * _NCHUNK
    mask1d = mask_hbm.at[0]
    idx_v = (idx_v0, idx_v1)
    rows_v = (rows_v0, rows_v1)
    mrows_v = (mrows_v0, mrows_v1)
    sem_i = (sem_i0, sem_i1)
    sem_g = (sem_g0, sem_g1)
    sem_w = (sem_w0, sem_w1)

    def idx_desc(g, b):
        f = chunk_base + g
        h = f // _SEGS
        b0 = (f % _SEGS) * _C
        return pltpu.make_async_copy(
            ids_hbm.at[pl.ds(h, 1), pl.ds(b0, _C)], idx_v[b], sem_i[b])

    def fire_gathers(b):
        copies = []
        for j in range(_SUB):
            iv = idx_v[b].at[0, pl.ds(j * _IDXW, _IDXW)]
            copies.append(pltpu.async_copy(
                emb_hbm.at[iv],
                rows_v[b].at[0, pl.ds(j * _IDXW, _IDXW), :], sem_g[b]))
            copies.append(pltpu.async_copy(
                mask1d.at[iv],
                mrows_v[b].at[0, pl.ds(j * _IDXW, _IDXW)], sem_g[b]))
        return copies

    def wb_descs(g, b):
        f = chunk_base + g
        h = f // _SEGS
        b0 = (f % _SEGS) * _C
        off = f * _C
        return (
            pltpu.make_async_copy(rows_v[b],
                                  out_hbm.at[pl.ds(h, 1), pl.ds(b0, _C),
                                             pl.ds(0, _D)],
                                  sem_w[b]),
            pltpu.make_async_copy(mrows_v[b],
                                  mout_hbm.at[pl.ds(h, 1), pl.ds(b0, _C)],
                                  sem_w[b]),
        )

    def fire_wb(g, b):
        for dsc in wb_descs(g, b):
            dsc.start()

    def wait_wb(g, b):
        for dsc in wb_descs(g, b):
            dsc.wait()

    idx_desc(0, 0).start()
    idx_desc(1, 1).start()
    idx_desc(0, 0).wait()
    d0 = fire_gathers(0)
    idx_desc(1, 1).wait()
    d1 = fire_gathers(1)
    for dsc in d0:
        dsc.wait()
    fire_wb(0, 0)
    idx_desc(2, 0).start()
    for dsc in d1:
        dsc.wait()
    fire_wb(1, 1)
    idx_desc(3, 1).start()

    def step(t, carry):
        ga = 2 * t
        gb = 2 * t + 1
        na = jnp.minimum(ga + 2, _NCHUNK - 1)
        nb = jnp.minimum(gb + 2, _NCHUNK - 1)
        wait_wb(ga - 2, 0)
        idx_desc(ga, 0).wait()
        da = fire_gathers(0)
        wait_wb(gb - 2, 1)
        idx_desc(gb, 1).wait()
        db = fire_gathers(1)
        for dsc in da:
            dsc.wait()
        fire_wb(ga, 0)
        idx_desc(na, 0).start()
        for dsc in db:
            dsc.wait()
        fire_wb(gb, 1)
        idx_desc(nb, 1).start()
        return carry

    lax.fori_loop(1, _T, step, 0)

    wait_wb(2 * _T - 2, 0)
    wait_wb(2 * _T - 1, 1)
    idx_desc(_NCHUNK - 1, 0).wait()
    idx_desc(_NCHUNK - 1, 1).wait()


def kernel(input_ids, emb_table, mask_table):
    ids_t = input_ids.T
    mask_t = mask_table.T
    mesh = plsc.VectorSubcoreMesh(
        core_axis_name="c", subcore_axis_name="s",
        num_cores=_NC, num_subcores=_NS)
    emb_flat, mask2d = pl.kernel(
        _emb_body,
        out_type=(
            jax.ShapeDtypeStruct((_HIST, _BATCH, 2 * _D), jnp.float32),
            jax.ShapeDtypeStruct((_HIST, _BATCH), jnp.float32),
        ),
        mesh=mesh,
        compiler_params=pltpu.CompilerParams(use_tc_tiling_on_sc=False),
        scratch_types=[
            pltpu.VMEM((1, _C), jnp.int32),
            pltpu.VMEM((1, _C), jnp.int32),
            pltpu.VMEM((1, _C, _D), jnp.float32),
            pltpu.VMEM((1, _C, _D), jnp.float32),
            pltpu.VMEM((1, _C), jnp.float32),
            pltpu.VMEM((1, _C), jnp.float32),
            pltpu.SemaphoreType.DMA,
            pltpu.SemaphoreType.DMA,
            pltpu.SemaphoreType.DMA,
            pltpu.SemaphoreType.DMA,
            pltpu.SemaphoreType.DMA,
            pltpu.SemaphoreType.DMA,
        ],
    )(ids_t, emb_table, mask_t)
    embedding = emb_flat[:, :, :_D].transpose(1, 0, 2)
    mask = mask2d.T.astype(jnp.bool_)
    return (embedding, mask)

# --- scband reference (transcript-rebuilt; emitter-appended) ---
"""Pipeline reference for scband-single-modality-embedding-37769942401847 (READ-ONLY COPY).

The authoritative reference and input builder live on the scoring server;
editing this copy changes nothing except your own understanding.
"""

import jax, jax.numpy as jnp
import numpy as np

ITEM_NUM = 1000000
EMBED_DIM = 64
VOCAB = ITEM_NUM + 3
BATCH = 4096
HIST = 200


def setup_inputs(seed: int = 0) -> dict:
    key = jax.random.key(seed)
    k1, k2, k3 = jax.random.split(key, 3)
    input_ids = jax.random.randint(k1, (BATCH, HIST), 0, VOCAB, dtype=jnp.int32)
    emb_table = jax.random.normal(k2, (VOCAB, EMBED_DIM), dtype=jnp.float32) * 0.02
    emb_table = emb_table.at[0].set(0.0)  # padding_idx=0
    mask_table = (jax.random.uniform(k3, (VOCAB, 1)) > 0.1).astype(jnp.float32)
    mask_table = mask_table.at[0].set(0.0)  # padding_idx=0
    mask_table = mask_table.at[1].set(1.0)
    mask_table = mask_table.at[2].set(1.0)
    return {"input_ids": input_ids, "emb_table": emb_table, "mask_table": mask_table}


def reference(input_ids, emb_table, mask_table):
    # embedding = self.embeddings(input_ids)
    embedding = jnp.take(emb_table, input_ids, axis=0)
    # mask = self.mask(input_ids); squeeze(-1); to bool
    mask = jnp.take(mask_table, input_ids, axis=0)
    mask = jnp.squeeze(mask, -1).astype(jnp.bool_)
    # .detach() on both outputs
    return (jax.lax.stop_gradient(embedding), jax.lax.stop_gradient(mask))

if __name__ == "__main__":
    import jax
    _d = setup_inputs()
    print(jax.jit(kernel)(*tuple(_d.values())))

</pallas_src>

<mosaic_0001>
#map = affine_map<(d0, d1) -> (0, 0)>
#map1 = affine_map<(d0, d1) -> (0, 0, 0)>
module attributes {stable_mosaic.version = 14 : i64} {
  func.func @_emb_body(%arg0: i32, %arg1: i32, %arg2: memref<200x4096xi32, #tpu.memory_space<hbm>>, %arg3: memref<1000003x64xf32, #tpu.memory_space<hbm>>, %arg4: memref<1x1000003xf32, #tpu.memory_space<hbm>>, %arg5: memref<200x4096x128xf32, #tpu.memory_space<hbm>>, %arg6: memref<200x4096xf32, #tpu.memory_space<hbm>>, %arg7: memref<1x512xi32, #tpu.memory_space<vmem>>, %arg8: memref<1x512xi32, #tpu.memory_space<vmem>>, %arg9: memref<1x512x64xf32, #tpu.memory_space<vmem>>, %arg10: memref<1x512x64xf32, #tpu.memory_space<vmem>>, %arg11: memref<1x512xf32, #tpu.memory_space<vmem>>, %arg12: memref<1x512xf32, #tpu.memory_space<vmem>>, %arg13: memref<!tpu.dma_semaphore, #tpu.memory_space<semaphore_mem>>, %arg14: memref<!tpu.dma_semaphore, #tpu.memory_space<semaphore_mem>>, %arg15: memref<!tpu.dma_semaphore, #tpu.memory_space<semaphore_mem>>, %arg16: memref<!tpu.dma_semaphore, #tpu.memory_space<semaphore_mem>>, %arg17: memref<!tpu.dma_semaphore, #tpu.memory_space<semaphore_mem>>, %arg18: memref<!tpu.dma_semaphore, #tpu.memory_space<semaphore_mem>>) attributes {dimension_semantics = [#tpu.dimension_semantics<core_parallel>, #tpu.dimension_semantics<subcore_parallel>], iteration_bounds = array<i64: 2, 16>, scalar_prefetch = 0 : i64, scratch_operands = 12 : i64, tpu.core_type = #tpu.core_type<sc_vector_subcore>, window_params = [{transform_indices = #map}, {transform_indices = #map}, {transform_indices = #map}, {transform_indices = #map1}, {transform_indices = #map}]} {
    %mul3A = arith.constant 2 : i32
    %mul3A_0 = arith.muli %arg1, %mul3A : i32
    %add3A = arith.addi %mul3A_0, %arg0 : i32
    %mul3A_1 = arith.constant 50 : i32
    %mul3A_2 = arith.muli %add3A, %mul3A_1 : i32
    %add3A_3 = arith.constant 0 : i32
    %add3A_4 = arith.addi %mul3A_2, %add3A_3 : i32
    %jit3A = arith.constant 8 : i32
    %div3A = arith.divsi %add3A_4, %jit3A : i32
    %sign3A = arith.constant 0 : i32
    %sign3A_5 = arith.cmpi sgt, %add3A_4, %sign3A : i32
    %sign3A_6 = arith.extui %sign3A_5 : i1 to i32
    %sign3A_7 = arith.constant 0 : i32
    %sign3A_8 = arith.cmpi slt, %add3A_4, %sign3A_7 : i32
    %sign3A_9 = arith.extui %sign3A_8 : i1 to i32
    %sign3A_10 = arith.subi %sign3A_6, %sign3A_9 : i32
    %sign3A_11 = arith.constant 0 : i32
    %sign3A_12 = arith.cmpi sgt, %jit3A, %sign3A_11 : i32
    %sign3A_13 = arith.extui %sign3A_12 : i1 to i32
    %sign3A_14 = arith.constant 0 : i32
    %sign3A_15 = arith.cmpi slt, %jit3A, %sign3A_14 : i32
    %sign3A_16 = arith.extui %sign3A_15 : i1 to i32
    %sign3A_17 = arith.subi %sign3A_13, %sign3A_16 : i32
    %ne3A = arith.cmpi ne, %sign3A_10, %sign3A_17 : i32
    %rem3A = arith.remsi %add3A_4, %jit3A : i32
    %ne3A_18 = arith.constant 0 : i32
    %ne3A_19 = arith.cmpi ne, %rem3A, %ne3A_18 : i32
    %and3A = arith.andi %ne3A, %ne3A_19 : i1
    %sub3A = arith.constant 1 : i32
    %sub3A_20 = arith.subi %div3A, %sub3A : i32
    %select_n3A = arith.select %and3A, %sub3A_20, %div3A : i32
    %jit3A_21 = arith.constant 8 : i32
    %eq3A = arith.constant 0 : i32
    %eq3A_22 = arith.cmpi eq, %jit3A_21, %eq3A : i32
    %jit3A_23 = arith.constant 1 : i32
    %select_n3A_24 = arith.select %eq3A_22, %jit3A_23, %jit3A_21 : i32
    %rem3A_25 = arith.remsi %add3A_4, %select_n3A_24 : i32
    %ne3A_26 = arith.constant 0 : i32
    %ne3A_27 = arith.cmpi ne, %rem3A_25, %ne3A_26 : i32
    %lt3A = arith.constant 0 : i32
    %lt3A_28 = arith.cmpi slt, %rem3A_25, %lt3A : i32
    %lt3A_29 = arith.constant 0 : i32
    %lt3A_30 = arith.cmpi slt, %select_n3A_24, %lt3A_29 : i32
    %ne3A_31 = arith.xori %lt3A_28, %lt3A_30 : i1
    %and3A_32 = arith.andi %ne3A_31, %ne3A_27 : i1
    %add3A_33 = arith.addi %rem3A_25, %select_n3A_24 : i32
    %select_n3A_34 = arith.select %and3A_32, %add3A_33, %rem3A_25 : i32
    %mul3A_35 = arith.constant 512 : i32
    %mul3A_36 = arith.muli %select_n3A_34, %mul3A_35 : i32
    %dma_start3A = tpu.memref_slice %arg2[%select_n3A, %mul3A_36] : memref<200x4096xi32, #tpu.memory_space<hbm>> -> memref<1x512xi32, #tpu.memory_space<hbm>>
    %dma_start3A_37 = tpu.memref_slice %arg2[%select_n3A, %mul3A_36] : memref<200x4096xi32, #tpu.memory_space<hbm>> -> memref<1x512xi32, #tpu.memory_space<hbm>>
    tpu.enqueue_dma source(%dma_start3A_37 : memref<1x512xi32, #tpu.memory_space<hbm>>) target(%arg7 : memref<1x512xi32, #tpu.memory_space<vmem>>) target_semaphore(%arg13 : memref<!tpu.dma_semaphore, #tpu.memory_space<semaphore_mem>>)
    %add3A_38 = arith.constant 1 : i32
    %add3A_39 = arith.addi %mul3A_2, %add3A_38 : i32
    %jit3A_40 = arith.constant 8 : i32
    %div3A_41 = arith.divsi %add3A_39, %jit3A_40 : i32
    %sign3A_42 = arith.constant 0 : i32
    %sign3A_43 = arith.cmpi sgt, %add3A_39, %sign3A_42 : i32
    %sign3A_44 = arith.extui %sign3A_43 : i1 to i32
    %sign3A_45 = arith.constant 0 : i32
    %sign3A_46 = arith.cmpi slt, %add3A_39, %sign3A_45 : i32
    %sign3A_47 = arith.extui %sign3A_46 : i1 to i32
    %sign3A_48 = arith.subi %sign3A_44, %sign3A_47 : i32
    %sign3A_49 = arith.constant 0 : i32
    %sign3A_50 = arith.cmpi sgt, %jit3A_40, %sign3A_49 : i32
    %sign3A_51 = arith.extui %sign3A_50 : i1 to i32
    %sign3A_52 = arith.constant 0 : i32
    %sign3A_53 = arith.cmpi slt, %jit3A_40, %sign3A_52 : i32
    %sign3A_54 = arith.extui %sign3A_53 : i1 to i32
    %sign3A_55 = arith.subi %sign3A_51, %sign3A_54 : i32
    %ne3A_56 = arith.cmpi ne, %sign3A_48, %sign3A_55 : i32
    %rem3A_57 = arith.remsi %add3A_39, %jit3A_40 : i32
    %ne3A_58 = arith.constant 0 : i32
    %ne3A_59 = arith.cmpi ne, %rem3A_57, %ne3A_58 : i32
    %and3A_60 = arith.andi %ne3A_56, %ne3A_59 : i1
    %sub3A_61 = arith.constant 1 : i32
    %sub3A_62 = arith.subi %div3A_41, %sub3A_61 : i32
    %select_n3A_63 = arith.select %and3A_60, %sub3A_62, %div3A_41 : i32
    %jit3A_64 = arith.constant 8 : i32
    %eq3A_65 = arith.constant 0 : i32
    %eq3A_66 = arith.cmpi eq, %jit3A_64, %eq3A_65 : i32
    %jit3A_67 = arith.constant 1 : i32
    %select_n3A_68 = arith.select %eq3A_66, %jit3A_67, %jit3A_64 : i32
    %rem3A_69 = arith.remsi %add3A_39, %select_n3A_68 : i32
    %ne3A_70 = arith.constant 0 : i32
    %ne3A_71 = arith.cmpi ne, %rem3A_69, %ne3A_70 : i32
    %lt3A_72 = arith.constant 0 : i32
    %lt3A_73 = arith.cmpi slt, %rem3A_69, %lt3A_72 : i32
    %lt3A_74 = arith.constant 0 : i32
    %lt3A_75 = arith.cmpi slt, %select_n3A_68, %lt3A_74 : i32
    %ne3A_76 = arith.xori %lt3A_73, %lt3A_75 : i1
    %and3A_77 = arith.andi %ne3A_76, %ne3A_71 : i1
    %add3A_78 = arith.addi %rem3A_69, %select_n3A_68 : i32
    %select_n3A_79 = arith.select %and3A_77, %add3A_78, %rem3A_69 : i32
    %mul3A_80 = arith.constant 512 : i32
    %mul3A_81 = arith.muli %select_n3A_79, %mul3A_80 : i32
    %dma_start3A_82 = tpu.memref_slice %arg2[%select_n3A_63, %mul3A_81] : memref<200x4096xi32, #tpu.memory_space<hbm>> -> memref<1x512xi32, #tpu.memory_space<hbm>>
    %dma_start3A_83 = tpu.memref_slice %arg2[%select_n3A_63, %mul3A_81] : memref<200x4096xi32, #tpu.memory_space<hbm>> -> memref<1x512xi32, #tpu.memory_space<hbm>>
    tpu.enqueue_dma source(%dma_start3A_83 : memref<1x512xi32, #tpu.memory_space<hbm>>) target(%arg8 : memref<1x512xi32, #tpu.memory_space<vmem>>) target_semaphore(%arg14 : memref<!tpu.dma_semaphore, #tpu.memory_space<semaphore_mem>>)
    %add3A_84 = arith.constant 0 : i32
    %add3A_85 = arith.addi %mul3A_2, %add3A_84 : i32
    %jit3A_86 = arith.constant 8 : i32
    %div3A_87 = arith.divsi %add3A_85, %jit3A_86 : i32
    %sign3A_88 = arith.constant 0 : i32
    %sign3A_89 = arith.cmpi sgt, %add3A_85, %sign3A_88 : i32
    %sign3A_90 = arith.extui %sign3A_89 : i1 to i32
    %sign3A_91 = arith.constant 0 : i32
    %sign3A_92 = arith.cmpi slt, %add3A_85, %sign3A_91 : i32
    %sign3A_93 = arith.extui %sign3A_92 : i1 to i32
    %sign3A_94 = arith.subi %sign3A_90, %sign3A_93 : i32
    %sign3A_95 = arith.constant 0 : i32
    %sign3A_96 = arith.cmpi sgt, %jit3A_86, %sign3A_95 : i32
    %sign3A_97 = arith.extui %sign3A_96 : i1 to i32
    %sign3A_98 = arith.constant 0 : i32
    %sign3A_99 = arith.cmpi slt, %jit3A_86, %sign3A_98 : i32
    %sign3A_100 = arith.extui %sign3A_99 : i1 to i32
    %sign3A_101 = arith.subi %sign3A_97, %sign3A_100 : i32
    %ne3A_102 = arith.cmpi ne, %sign3A_94, %sign3A_101 : i32
    %rem3A_103 = arith.remsi %add3A_85, %jit3A_86 : i32
    %ne3A_104 = arith.constant 0 : i32
    %ne3A_105 = arith.cmpi ne, %rem3A_103, %ne3A_104 : i32
    %and3A_106 = arith.andi %ne3A_102, %ne3A_105 : i1
    %sub3A_107 = arith.constant 1 : i32
    %sub3A_108 = arith.subi %div3A_87, %sub3A_107 : i32
    %select_n3A_109 = arith.select %and3A_106, %sub3A_108, %div3A_87 : i32
    %jit3A_110 = arith.constant 8 : i32
    %eq3A_111 = arith.constant 0 : i32
    %eq3A_112 = arith.cmpi eq, %jit3A_110, %eq3A_111 : i32
    %jit3A_113 = arith.constant 1 : i32
    %select_n3A_114 = arith.select %eq3A_112, %jit3A_113, %jit3A_110 : i32
    %rem3A_115 = arith.remsi %add3A_85, %select_n3A_114 : i32
    %ne3A_116 = arith.constant 0 : i32
    %ne3A_117 = arith.cmpi ne, %rem3A_115, %ne3A_116 : i32
    %lt3A_118 = arith.constant 0 : i32
    %lt3A_119 = arith.cmpi slt, %rem3A_115, %lt3A_118 : i32
    %lt3A_120 = arith.constant 0 : i32
    %lt3A_121 = arith.cmpi slt, %select_n3A_114, %lt3A_120 : i32
    %ne3A_122 = arith.xori %lt3A_119, %lt3A_121 : i1
    %and3A_123 = arith.andi %ne3A_122, %ne3A_117 : i1
    %add3A_124 = arith.addi %rem3A_115, %select_n3A_114 : i32
    %select_n3A_125 = arith.select %and3A_123, %add3A_124, %rem3A_115 : i32
    %mul3A_126 = arith.constant 512 : i32
    %mul3A_127 = arith.muli %select_n3A_125, %mul3A_126 : i32
    %dma_wait3A = tpu.memref_slice %arg2[%select_n3A_109, %mul3A_127] : memref<200x4096xi32, #tpu.memory_space<hbm>> -> memref<1x512xi32, #tpu.memory_space<hbm>>
    %dma_wait3A_128 = tpu.memref_slice %arg2[%select_n3A_109, %mul3A_127] : memref<200x4096xi32, #tpu.memory_space<hbm>> -> memref<1x512xi32, #tpu.memory_space<hbm>>
    tpu.wait_dma2 semaphore(%arg13 : memref<!tpu.dma_semaphore, #tpu.memory_space<semaphore_mem>>) src(%dma_wait3A_128 : memref<1x512xi32, #tpu.memory_space<hbm>>) dst(%arg7 : memref<1x512xi32, #tpu.memory_space<vmem>>)
    %dma_start3A_129 = arith.constant 0 : i32
    %dma_start3A_130 = arith.constant 0 : i32
    %dma_start3A_131 = arith.constant 0 : i32
    %dma_start3A_132 = arith.constant 0 : i32
    %dma_start3A_133 = tpu.memref_slice %arg9[%dma_start3A_130, %dma_start3A_131, %dma_start3A_132] : memref<1x512x64xf32, #tpu.memory_space<vmem>> -> memref<1x128x64xf32, #tpu.memory_space<vmem>>
    %dma_start3A_134 = tpu.memref_squeeze %dma_start3A_133 : memref<1x128x64xf32, #tpu.memory_space<vmem>> -> memref<128x64xf32, #tpu.memory_space<vmem>>
    %dma_start3A_135 = arith.constant 0 : i32
    %dma_start3A_136 = tpu.memref_slice %arg7[%dma_start3A_129, %dma_start3A_135] : memref<1x512xi32, #tpu.memory_space<vmem>> -> memref<1x128xi32, #tpu.memory_space<vmem>>
    %dma_start3A_137 = tpu.memref_squeeze %dma_start3A_136 : memref<1x128xi32, #tpu.memory_space<vmem>> -> memref<128xi32, #tpu.memory_space<vmem>>
    %dma_start3A_138 = arith.constant 0 : i32
    %dma_start3A_139 = arith.constant 0 : i32
    %dma_start3A_140 = tpu.memref_slice %arg3[%dma_start3A_138, %dma_start3A_139] : memref<1000003x64xf32, #tpu.memory_space<hbm>> -> memref<1000003x64xf32, #tpu.memory_space<hbm>>
    tpu.enqueue_indirect_dma source(%dma_start3A_140 : memref<1000003x64xf32, #tpu.memory_space<hbm>>) target(%dma_start3A_134 : memref<128x64xf32, #tpu.memory_space<vmem>>) offsets(%dma_start3A_137 : memref<128xi32, #tpu.memory_space<vmem>>) semaphore(%arg15 : memref<!tpu.dma_semaphore, #tpu.memory_space<semaphore_mem>>)
    %dma_start3A_141 = arith.constant 0 : i32
    %dma_start3A_142 = arith.constant 0 : i32
    %dma_start3A_143 = arith.constant 0 : i32
    %dma_start3A_144 = arith.constant 0 : i32
    %dma_start3A_145 = tpu.memref_slice %arg11[%dma_start3A_143, %dma_start3A_144] : memref<1x512xf32, #tpu.memory_space<vmem>> -> memref<1x128xf32, #tpu.memory_space<vmem>>
    %dma_start3A_146 = tpu.memref_squeeze %dma_start3A_145 : memref<1x128xf32, #tpu.memory_space<vmem>> -> memref<128xf32, #tpu.memory_space<vmem>>
    %dma_start3A_147 = arith.constant 0 : i32
    %dma_start3A_148 = tpu.memref_slice %arg7[%dma_start3A_142, %dma_start3A_147] : memref<1x512xi32, #tpu.memory_space<vmem>> -> memref<1x128xi32, #tpu.memory_space<vmem>>
    %dma_start3A_149 = tpu.memref_squeeze %dma_start3A_148 : memref<1x128xi32, #tpu.memory_space<vmem>> -> memref<128xi32, #tpu.memory_space<vmem>>
    %dma_start3A_150 = arith.constant 0 : i32
    %dma_start3A_151 = tpu.memref_slice %arg4[%dma_start3A_141, %dma_start3A_150] : memref<1x1000003xf32, #tpu.memory_space<hbm>> -> memref<1x1000003xf32, #tpu.memory_space<hbm>>
    %dma_start3A_152 = tpu.memref_squeeze %dma_start3A_151 : memref<1x1000003xf32, #tpu.memory_space<hbm>> -> memref<1000003xf32, #tpu.memory_space<hbm>>
    %dma_start3A_153 = arith.constant 0 : i32
    %dma_start3A_154 = tpu.memref_slice %dma_start3A_152[%dma_start3A_153] : memref<1000003xf32, #tpu.memory_space<hbm>> -> memref<1000003xf32, #tpu.memory_space<hbm>>
    tpu.enqueue_indirect_dma source(%dma_start3A_154 : memref<1000003xf32, #tpu.memory_space<hbm>>) target(%dma_start3A_146 : memref<128xf32, #tpu.memory_space<vmem>>) offsets(%dma_start3A_149 : memref<128xi32, #tpu.memory_space<vmem>>) semaphore(%arg15 : memref<!tpu.dma_semaphore, #tpu.memory_space<semaphore_mem>>)
    %dma_start3A_155 = arith.constant 0 : i32
    %dma_start3A_156 = arith.constant 0 : i32
    %dma_start3A_157 = arith.constant 128 : i32
    %dma_start3A_158 = arith.constant 0 : i32
    %dma_start3A_159 = tpu.memref_slice %arg9[%dma_start3A_156, %dma_start3A_157, %dma_start3A_158] : memref<1x512x64xf32, #tpu.memory_space<vmem>> -> memref<1x128x64xf32, #tpu.memory_space<vmem>>
    %dma_start3A_160 = tpu.memref_squeeze %dma_start3A_159 : memref<1x128x64xf32, #tpu.memory_space<vmem>> -> memref<128x64xf32, #tpu.memory_space<vmem>>
    %dma_start3A_161 = arith.constant 128 : i32
    %dma_start3A_162 = tpu.memref_slice %arg7[%dma_start3A_155, %dma_start3A_161] : memref<1x512xi32, #tpu.memory_space<vmem>> -> memref<1x128xi32, #tpu.memory_space<vmem>>
    %dma_start3A_163 = tpu.memref_squeeze %dma_start3A_162 : memref<1x128xi32, #tpu.memory_space<vmem>> -> memref<128xi32, #tpu.memory_space<vmem>>
    %dma_start3A_164 = arith.constant 0 : i32
    %dma_start3A_165 = arith.constant 0 : i32
    %dma_start3A_166 = tpu.memref_slice %arg3[%dma_start3A_164, %dma_start3A_165] : memref<1000003x64xf32, #tpu.memory_space<hbm>> -> memref<1000003x64xf32, #tpu.memory_space<hbm>>
    tpu.enqueue_indirect_dma source(%dma_start3A_166 : memref<1000003x64xf32, #tpu.memory_space<hbm>>) target(%dma_start3A_160 : memref<128x64xf32, #tpu.memory_space<vmem>>) offsets(%dma_start3A_163 : memref<128xi32, #tpu.memory_space<vmem>>) semaphore(%arg15 : memref<!tpu.dma_semaphore, #tpu.memory_space<semaphore_mem>>)
    %dma_start3A_167 = arith.constant 0 : i32
    %dma_start3A_168 = arith.constant 0 : i32
    %dma_start3A_169 = arith.constant 0 : i32
    %dma_start3A_170 = arith.constant 128 : i32
    %dma_start3A_171 = tpu.memref_slice %arg11[%dma_start3A_169, %dma_start3A_170] : memref<1x512xf32, #tpu.memory_space<vmem>> -> memref<1x128xf32, #tpu.memory_space<vmem>>
    %dma_start3A_172 = tpu.memref_squeeze %dma_start3A_171 : memref<1x128xf32, #tpu.memory_space<vmem>> -> memref<128xf32, #tpu.memory_space<vmem>>
    %dma_start3A_173 = arith.constant 128 : i32
    %dma_start3A_174 = tpu.memref_slice %arg7[%dma_start3A_168, %dma_start3A_173] : memref<1x512xi32, #tpu.memory_space<vmem>> -> memref<1x128xi32, #tpu.memory_space<vmem>>
    %dma_start3A_175 = tpu.memref_squeeze %dma_start3A_174 : memref<1x128xi32, #tpu.memory_space<vmem>> -> memref<128xi32, #tpu.memory_space<vmem>>
    %dma_start3A_176 = arith.constant 0 : i32
    %dma_start3A_177 = tpu.memref_slice %arg4[%dma_start3A_167, %dma_start3A_176] : memref<1x1000003xf32, #tpu.memory_space<hbm>> -> memref<1x1000003xf32, #tpu.memory_space<hbm>>
    %dma_start3A_178 = tpu.memref_squeeze %dma_start3A_177 : memref<1x1000003xf32, #tpu.memory_space<hbm>> -> memref<1000003xf32, #tpu.memory_space<hbm>>
    %dma_start3A_179 = arith.constant 0 : i32
    %dma_start3A_180 = tpu.memref_slice %dma_start3A_178[%dma_start3A_179] : memref<1000003xf32, #tpu.memory_space<hbm>> -> memref<1000003xf32, #tpu.memory_space<hbm>>
    tpu.enqueue_indirect_dma source(%dma_start3A_180 : memref<1000003xf32, #tpu.memory_space<hbm>>) target(%dma_start3A_172 : memref<128xf32, #tpu.memory_space<vmem>>) offsets(%dma_start3A_175 : memref<128xi32, #tpu.memory_space<vmem>>) semaphore(%arg15 : memref<!tpu.dma_semaphore, #tpu.memory_space<semaphore_mem>>)
    %dma_start3A_181 = arith.constant 0 : i32
    %dma_start3A_182 = arith.constant 0 : i32
    %dma_start3A_183 = arith.constant 256 : i32
    %dma_start3A_184 = arith.constant 0 : i32
    %dma_start3A_185 = tpu.memref_slice %arg9[%dma_start3A_182, %dma_start3A_183, %dma_start3A_184] : memref<1x512x64xf32, #tpu.memory_space<vmem>> -> memref<1x128x64xf32, #tpu.memory_space<vmem>>
    %dma_start3A_186 = tpu.memref_squeeze %dma_start3A_185 : memref<1x128x64xf32, #tpu.memory_space<vmem>> -> memref<128x64xf32, #tpu.memory_space<vmem>>
    %dma_start3A_187 = arith.constant 256 : i32
    %dma_start3A_188 = tpu.memref_slice %arg7[%dma_start3A_181, %dma_start3A_187] : memref<1x512xi32, #tpu.memory_space<vmem>> -> memref<1x128xi32, #tpu.memory_space<vmem>>
    %dma_start3A_189 = tpu.memref_squeeze %dma_start3A_188 : memref<1x128xi32, #tpu.memory_space<vmem>> -> memref<128xi32, #tpu.memory_space<vmem>>
    %dma_start3A_190 = arith.constant 0 : i32
    %dma_start3A_191 = arith.constant 0 : i32
    %dma_start3A_192 = tpu.memref_slice %arg3[%dma_start3A_190, %dma_start3A_191] : memref<1000003x64xf32, #tpu.memory_space<hbm>> -> memref<1000003x64xf32, #tpu.memory_space<hbm>>
    tpu.enqueue_indirect_dma source(%dma_start3A_192 : memref<1000003x64xf32, #tpu.memory_space<hbm>>) target(%dma_start3A_186 : memref<128x64xf32, #tpu.memory_space<vmem>>) offsets(%dma_start3A_189 : memref<128xi32, #tpu.memory_space<vmem>>) semaphore(%arg15 : memref<!tpu.dma_semaphore, #tpu.memory_space<semaphore_mem>>)
    %dma_start3A_193 = arith.constant 0 : i32
    %dma_start3A_194 = arith.constant 0 : i32
    %dma_start3A_195 = arith.constant 0 : i32
    %dma_start3A_196 = arith.constant 256 : i32
    %dma_start3A_197 = tpu.memref_slice %arg11[%dma_start3A_195, %dma_start3A_196] : memref<1x512xf32, #tpu.memory_space<vmem>> -> memref<1x128xf32, #tpu.memory_space<vmem>>
    %dma_start3A_198 = tpu.memref_squeeze %dma_start3A_197 : memref<1x128xf32, #tpu.memory_space<vmem>> -> memref<128xf32, #tpu.memory_space<vmem>>
    %dma_start3A_199 = arith.constant 256 : i32
    %dma_start3A_200 = tpu.memref_slice %arg7[%dma_start3A_194, %dma_start3A_199] : memref<1x512xi32, #tpu.memory_space<vmem>> -> memref<1x128xi32, #tpu.memory_space<vmem>>
    %dma_start3A_201 = tpu.memref_squeeze %dma_start3A_200 : memref<1x128xi32, #tpu.memory_space<vmem>> -> memref<128xi32, #tpu.memory_space<vmem>>
    %dma_start3A_202 = arith.constant 0 : i32
    %dma_start3A_203 = tpu.memref_slice %arg4[%dma_start3A_193, %dma_start3A_202] : memref<1x1000003xf32, #tpu.memory_space<hbm>> -> memref<1x1000003xf32, #tpu.memory_space<hbm>>
    %dma_start3A_204 = tpu.memref_squeeze %dma_start3A_203 : memref<1x1000003xf32, #tpu.memory_space<hbm>> -> memref<1000003xf32, #tpu.memory_space<hbm>>
    %dma_start3A_205 = arith.constant 0 : i32
    %dma_start3A_206 = tpu.memref_slice %dma_start3A_204[%dma_start3A_205] : memref<1000003xf32, #tpu.memory_space<hbm>> -> memref<1000003xf32, #tpu.memory_space<hbm>>
    tpu.enqueue_indirect_dma source(%dma_start3A_206 : memref<1000003xf32, #tpu.memory_space<hbm>>) target(%dma_start3A_198 : memref<128xf32, #tpu.memory_space<vmem>>) offsets(%dma_start3A_201 : memref<128xi32, #tpu.memory_space<vmem>>) semaphore(%arg15 : memref<!tpu.dma_semaphore, #tpu.memory_space<semaphore_mem>>)
    %dma_start3A_207 = arith.constant 0 : i32
    %dma_start3A_208 = arith.constant 0 : i32
    %dma_start3A_209 = arith.constant 384 : i32
    %dma_start3A_210 = arith.constant 0 : i32
    %dma_start3A_211 = tpu.memref_slice %arg9[%dma_start3A_208, %dma_start3A_209, %dma_start3A_210] : memref<1x512x64xf32, #tpu.memory_space<vmem>> -> memref<1x128x64xf32, #tpu.memory_space<vmem>>
    %dma_start3A_212 = tpu.memref_squeeze %dma_start3A_211 : memref<1x128x64xf32, #tpu.memory_space<vmem>> -> memref<128x64xf32, #tpu.memory_space<vmem>>
    %dma_start3A_213 = arith.constant 384 : i32
    %dma_start3A_214 = tpu.memref_slice %arg7[%dma_start3A_207, %dma_start3A_213] : memref<1x512xi32, #tpu.memory_space<vmem>> -> memref<1x128xi32, #tpu.memory_space<vmem>>
    %dma_start3A_215 = tpu.memref_squeeze %dma_start3A_214 : memref<1x128xi32, #tpu.memory_space<vmem>> -> memref<128xi32, #tpu.memory_space<vmem>>
    %dma_start3A_216 = arith.constant 0 : i32
    %dma_start3A_217 = arith.constant 0 : i32
    %dma_start3A_218 = tpu.memref_slice %arg3[%dma_start3A_216, %dma_start3A_217] : memref<1000003x64xf32, #tpu.memory_space<hbm>> -> memref<1000003x64xf32, #tpu.memory_space<hbm>>
    tpu.enqueue_indirect_dma source(%dma_start3A_218 : memref<1000003x64xf32, #tpu.memory_space<hbm>>) target(%dma_start3A_212 : memref<128x64xf32, #tpu.memory_space<vmem>>) offsets(%dma_start3A_215 : memref<128xi32, #tpu.memory_space<vmem>>) semaphore(%arg15 : memref<!tpu.dma_semaphore, #tpu.memory_space<semaphore_mem>>)
    %dma_start3A_219 = arith.constant 0 : i32
    %dma_start3A_220 = arith.constant 0 : i32
    %dma_start3A_221 = arith.constant 0 : i32
    %dma_start3A_222 = arith.constant 384 : i32
    %dma_start3A_223 = tpu.memref_slice %arg11[%dma_start3A_221, %dma_start3A_222] : memref<1x512xf32, #tpu.memory_space<vmem>> -> memref<1x128xf32, #tpu.memory_space<vmem>>
    %dma_start3A_224 = tpu.memref_squeeze %dma_start3A_223 : memref<1x128xf32, #tpu.memory_space<vmem>> -> memref<128xf32, #tpu.memory_space<vmem>>
    %dma_start3A_225 = arith.constant 384 : i32
    %dma_start3A_226 = tpu.memref_slice %arg7[%dma_start3A_220, %dma_start3A_225] : memref<1x512xi32, #tpu.memory_space<vmem>> -> memref<1x128xi32, #tpu.memory_space<vmem>>
    %dma_start3A_227 = tpu.memref_squeeze %dma_start3A_226 : memref<1x128xi32, #tpu.memory_space<vmem>> -> memref<128xi32, #tpu.memory_space<vmem>>
    %dma_start3A_228 = arith.constant 0 : i32
    %dma_start3A_229 = tpu.memref_slice %arg4[%dma_start3A_219, %dma_start3A_228] : memref<1x1000003xf32, #tpu.memory_space<hbm>> -> memref<1x1000003xf32, #tpu.memory_space<hbm>>
    %dma_start3A_230 = tpu.memref_squeeze %dma_start3A_229 : memref<1x1000003xf32, #tpu.memory_space<hbm>> -> memref<1000003xf32, #tpu.memory_space<hbm>>
    %dma_start3A_231 = arith.constant 0 : i32
    %dma_start3A_232 = tpu.memref_slice %dma_start3A_230[%dma_start3A_231] : memref<1000003xf32, #tpu.memory_space<hbm>> -> memref<1000003xf32, #tpu.memory_space<hbm>>
    tpu.enqueue_indirect_dma source(%dma_start3A_232 : memref<1000003xf32, #tpu.memory_space<hbm>>) target(%dma_start3A_224 : memref<128xf32, #tpu.memory_space<vmem>>) offsets(%dma_start3A_227 : memref<128xi32, #tpu.memory_space<vmem>>) semaphore(%arg15 : memref<!tpu.dma_semaphore, #tpu.memory_space<semaphore_mem>>)
    %add3A_233 = arith.constant 1 : i32
    %add3A_234 = arith.addi %mul3A_2, %add3A_233 : i32
    %jit3A_235 = arith.constant 8 : i32
    %div3A_236 = arith.divsi %add3A_234, %jit3A_235 : i32
    %sign3A_237 = arith.constant 0 : i32
    %sign3A_238 = arith.cmpi sgt, %add3A_234, %sign3A_237 : i32
    %sign3A_239 = arith.extui %sign3A_238 : i1 to i32
    %sign3A_240 = arith.constant 0 : i32
    %sign3A_241 = arith.cmpi slt, %add3A_234, %sign3A_240 : i32
    %sign3A_242 = arith.extui %sign3A_241 : i1 to i32
    %sign3A_243 = arith.subi %sign3A_239, %sign3A_242 : i32
    %sign3A_244 = arith.constant 0 : i32
    %sign3A_245 = arith.cmpi sgt, %jit3A_235, %sign3A_244 : i32
    %sign3A_246 = arith.extui %sign3A_245 : i1 to i32
    %sign3A_247 = arith.constant 0 : i32
    %sign3A_248 = arith.cmpi slt, %jit3A_235, %sign3A_247 : i32
    %sign3A_249 = arith.extui %sign3A_248 : i1 to i32
    %sign3A_250 = arith.subi %sign3A_246, %sign3A_249 : i32
    %ne3A_251 = arith.cmpi ne, %sign3A_243, %sign3A_250 : i32
    %rem3A_252 = arith.remsi %add3A_234, %jit3A_235 : i32
    %ne3A_253 = arith.constant 0 : i32
    %ne3A_254 = arith.cmpi ne, %rem3A_252, %ne3A_253 : i32
    %and3A_255 = arith.andi %ne3A_251, %ne3A_254 : i1
    %sub3A_256 = arith.constant 1 : i32
    %sub3A_257 = arith.subi %div3A_236, %sub3A_256 : i32
    %select_n3A_258 = arith.select %and3A_255, %sub3A_257, %div3A_236 : i32
    %jit3A_259 = arith.constant 8 : i32
    %eq3A_260 = arith.constant 0 : i32
    %eq3A_261 = arith.cmpi eq, %jit3A_259, %eq3A_260 : i32
    %jit3A_262 = arith.constant 1 : i32
    %select_n3A_263 = arith.select %eq3A_261, %jit3A_262, %jit3A_259 : i32
    %rem3A_264 = arith.remsi %add3A_234, %select_n3A_263 : i32
    %ne3A_265 = arith.constant 0 : i32
    %ne3A_266 = arith.cmpi ne, %rem3A_264, %ne3A_265 : i32
    %lt3A_267 = arith.constant 0 : i32
    %lt3A_268 = arith.cmpi slt, %rem3A_264, %lt3A_267 : i32
    %lt3A_269 = arith.constant 0 : i32
    %lt3A_270 = arith.cmpi slt, %select_n3A_263, %lt3A_269 : i32
    %ne3A_271 = arith.xori %lt3A_268, %lt3A_270 : i1
    %and3A_272 = arith.andi %ne3A_271, %ne3A_266 : i1
    %add3A_273 = arith.addi %rem3A_264, %select_n3A_263 : i32
    %select_n3A_274 = arith.select %and3A_272, %add3A_273, %rem3A_264 : i32
    %mul3A_275 = arith.constant 512 : i32
    %mul3A_276 = arith.muli %select_n3A_274, %mul3A_275 : i32
    %dma_wait3A_277 = tpu.memref_slice %arg2[%select_n3A_258, %mul3A_276] : memref<200x4096xi32, #tpu.memory_space<hbm>> -> memref<1x512xi32, #tpu.memory_space<hbm>>
    %dma_wait3A_278 = tpu.memref_slice %arg2[%select_n3A_258, %mul3A_276] : memref<200x4096xi32, #tpu.memory_space<hbm>> -> memref<1x512xi32, #tpu.memory_space<hbm>>
    tpu.wait_dma2 semaphore(%arg14 : memref<!tpu.dma_semaphore, #tpu.memory_space<semaphore_mem>>) src(%dma_wait3A_278 : memref<1x512xi32, #tpu.memory_space<hbm>>) dst(%arg8 : memref<1x512xi32, #tpu.memory_space<vmem>>)
    %dma_start3A_279 = arith.constant 0 : i32
    %dma_start3A_280 = arith.constant 0 : i32
    %dma_start3A_281 = arith.constant 0 : i32
    %dma_start3A_282 = arith.constant 0 : i32
    %dma_start3A_283 = tpu.memref_slice %arg10[%dma_start3A_280, %dma_start3A_281, %dma_start3A_282] : memref<1x512x64xf32, #tpu.memory_space<vmem>> -> memref<1x128x64xf32, #tpu.memory_space<vmem>>
    %dma_start3A_284 = tpu.memref_squeeze %dma_start3A_283 : memref<1x128x64xf32, #tpu.memory_space<vmem>> -> memref<128x64xf32, #tpu.memory_space<vmem>>
    %dma_start3A_285 = arith.constant 0 : i32
    %dma_start3A_286 = tpu.memref_slice %arg8[%dma_start3A_279, %dma_start3A_285] : memref<1x512xi32, #tpu.memory_space<vmem>> -> memref<1x128xi32, #tpu.memory_space<vmem>>
    %dma_start3A_287 = tpu.memref_squeeze %dma_start3A_286 : memref<1x128xi32, #tpu.memory_space<vmem>> -> memref<128xi32, #tpu.memory_space<vmem>>
    %dma_start3A_288 = arith.constant 0 : i32
    %dma_start3A_289 = arith.constant 0 : i32
    %dma_start3A_290 = tpu.memref_slice %arg3[%dma_start3A_288, %dma_start3A_289] : memref<1000003x64xf32, #tpu.memory_space<hbm>> -> memref<1000003x64xf32, #tpu.memory_space<hbm>>
    tpu.enqueue_indirect_dma source(%dma_start3A_290 : memref<1000003x64xf32, #tpu.memory_space<hbm>>) target(%dma_start3A_284 : memref<128x64xf32, #tpu.memory_space<vmem>>) offsets(%dma_start3A_287 : memref<128xi32, #tpu.memory_space<vmem>>) semaphore(%arg16 : memref<!tpu.dma_semaphore, #tpu.memory_space<semaphore_mem>>)
    %dma_start3A_291 = arith.constant 0 : i32
    %dma_start3A_292 = arith.constant 0 : i32
    %dma_start3A_293 = arith.constant 0 : i32
    %dma_start3A_294 = arith.constant 0 : i32
    %dma_start3A_295 = tpu.memref_slice %arg12[%dma_start3A_293, %dma_start3A_294] : memref<1x512xf32, #tpu.memory_space<vmem>> -> memref<1x128xf32, #tpu.memory_space<vmem>>
    %dma_start3A_296 = tpu.memref_squeeze %dma_start3A_295 : memref<1x128xf32, #tpu.memory_space<vmem>> -> memref<128xf32, #tpu.memory_space<vmem>>
    %dma_start3A_297 = arith.constant 0 : i32
    %dma_start3A_298 = tpu.memref_slice %arg8[%dma_start3A_292, %dma_start3A_297] : memref<1x512xi32, #tpu.memory_space<vmem>> -> memref<1x128xi32, #tpu.memory_space<vmem>>
    %dma_start3A_299 = tpu.memref_squeeze %dma_start3A_298 : memref<1x128xi32, #tpu.memory_space<vmem>> -> memref<128xi32, #tpu.memory_space<vmem>>
    %dma_start3A_300 = arith.constant 0 : i32
    %dma_start3A_301 = tpu.memref_slice %arg4[%dma_start3A_291, %dma_start3A_300] : memref<1x1000003xf32, #tpu.memory_space<hbm>> -> memref<1x1000003xf32, #tpu.memory_space<hbm>>
    %dma_start3A_302 = tpu.memref_squeeze %dma_start3A_301 : memref<1x1000003xf32, #tpu.memory_space<hbm>> -> memref<1000003xf32, #tpu.memory_space<hbm>>
    %dma_start3A_303 = arith.constant 0 : i32
    %dma_start3A_304 = tpu.memref_slice %dma_start3A_302[%dma_start3A_303] : memref<1000003xf32, #tpu.memory_space<hbm>> -> memref<1000003xf32, #tpu.memory_space<hbm>>
    tpu.enqueue_indirect_dma source(%dma_start3A_304 : memref<1000003xf32, #tpu.memory_space<hbm>>) target(%dma_start3A_296 : memref<128xf32, #tpu.memory_space<vmem>>) offsets(%dma_start3A_299 : memref<128xi32, #tpu.memory_space<vmem>>) semaphore(%arg16 : memref<!tpu.dma_semaphore, #tpu.memory_space<semaphore_mem>>)
    %dma_start3A_305 = arith.constant 0 : i32
    %dma_start3A_306 = arith.constant 0 : i32
    %dma_start3A_307 = arith.constant 128 : i32
    %dma_start3A_308 = arith.constant 0 : i32
    %dma_start3A_309 = tpu.memref_slice %arg10[%dma_start3A_306, %dma_start3A_307, %dma_start3A_308] : memref<1x512x64xf32, #tpu.memory_space<vmem>> -> memref<1x128x64xf32, #tpu.memory_space<vmem>>
    %dma_start3A_310 = tpu.memref_squeeze %dma_start3A_309 : memref<1x128x64xf32, #tpu.memory_space<vmem>> -> memref<128x64xf32, #tpu.memory_space<vmem>>
    %dma_start3A_311 = arith.constant 128 : i32
    %dma_start3A_312 = tpu.memref_slice %arg8[%dma_start3A_305, %dma_start3A_311] : memref<1x512xi32, #tpu.memory_space<vmem>> -> memref<1x128xi32, #tpu.memory_space<vmem>>
    %dma_start3A_313 = tpu.memref_squeeze %dma_start3A_312 : memref<1x128xi32, #tpu.memory_space<vmem>> -> memref<128xi32, #tpu.memory_space<vmem>>
    %dma_start3A_314 = arith.constant 0 : i32
    %dma_start3A_315 = arith.constant 0 : i32
    %dma_start3A_316 = tpu.memref_slice %arg3[%dma_start3A_314, %dma_start3A_315] : memref<1000003x64xf32, #tpu.memory_space<hbm>> -> memref<1000003x64xf32, #tpu.memory_space<hbm>>
    tpu.enqueue_indirect_dma source(%dma_start3A_316 : memref<1000003x64xf32, #tpu.memory_space<hbm>>) target(%dma_start3A_310 : memref<128x64xf32, #tpu.memory_space<vmem>>) offsets(%dma_start3A_313 : memref<128xi32, #tpu.memory_space<vmem>>) semaphore(%arg16 : memref<!tpu.dma_semaphore, #tpu.memory_space<semaphore_mem>>)
    %dma_start3A_317 = arith.constant 0 : i32
    %dma_start3A_318 = arith.constant 0 : i32
    %dma_start3A_319 = arith.constant 0 : i32
    %dma_start3A_320 = arith.constant 128 : i32
    %dma_start3A_321 = tpu.memref_slice %arg12[%dma_start3A_319, %dma_start3A_320] : memref<1x512xf32, #tpu.memory_space<vmem>> -> memref<1x128xf32, #tpu.memory_space<vmem>>
    %dma_start3A_322 = tpu.memref_squeeze %dma_start3A_321 : memref<1x128xf32, #tpu.memory_space<vmem>> -> memref<128xf32, #tpu.memory_space<vmem>>
    %dma_start3A_323 = arith.constant 128 : i32
    %dma_start3A_324 = tpu.memref_slice %arg8[%dma_start3A_318, %dma_start3A_323] : memref<1x512xi32, #tpu.memory_space<vmem>> -> memref<1x128xi32, #tpu.memory_space<vmem>>
    %dma_start3A_325 = tpu.memref_squeeze %dma_start3A_324 : memref<1x128xi32, #tpu.memory_space<vmem>> -> memref<128xi32, #tpu.memory_space<vmem>>
    %dma_start3A_326 = arith.constant 0 : i32
    %dma_start3A_327 = tpu.memref_slice %arg4[%dma_start3A_317, %dma_start3A_326] : memref<1x1000003xf32, #tpu.memory_space<hbm>> -> memref<1x1000003xf32, #tpu.memory_space<hbm>>
    %dma_start3A_328 = tpu.memref_squeeze %dma_start3A_327 : memref<1x1000003xf32, #tpu.memory_space<hbm>> -> memref<1000003xf32, #tpu.memory_space<hbm>>
    %dma_start3A_329 = arith.constant 0 : i32
    %dma_start3A_330 = tpu.memref_slice %dma_start3A_328[%dma_start3A_329] : memref<1000003xf32, #tpu.memory_space<hbm>> -> memref<1000003xf32, #tpu.memory_space<hbm>>
    tpu.enqueue_indirect_dma source(%dma_start3A_330 : memref<1000003xf32, #tpu.memory_space<hbm>>) target(%dma_start3A_322 : memref<128xf32, #tpu.memory_space<vmem>>) offsets(%dma_start3A_325 : memref<128xi32, #tpu.memory_space<vmem>>) semaphore(%arg16 : memref<!tpu.dma_semaphore, #tpu.memory_space<semaphore_mem>>)
    %dma_start3A_331 = arith.constant 0 : i32
    %dma_start3A_332 = arith.constant 0 : i32
    %dma_start3A_333 = arith.constant 256 : i32
    %dma_start3A_334 = arith.constant 0 : i32
    %dma_start3A_335 = tpu.memref_slice %arg10[%dma_start3A_332, %dma_start3A_333, %dma_start3A_334] : memref<1x512x64xf32, #tpu.memory_space<vmem>> -> memref<1x128x64xf32, #tpu.memory_space<vmem>>
    %dma_start3A_336 = tpu.memref_squeeze %dma_start3A_335 : memref<1x128x64xf32, #tpu.memory_space<vmem>> -> memref<128x64xf32, #tpu.memory_space<vmem>>
    %dma_start3A_337 = arith.constant 256 : i32
    %dma_start3A_338 = tpu.memref_slice %arg8[%dma_start3A_331, %dma_start3A_337] : memref<1x512xi32, #tpu.memory_space<vmem>> -> memref<1x128xi32, #tpu.memory_space<vmem>>
    %dma_start3A_339 = tpu.memref_squeeze %dma_start3A_338 : memref<1x128xi32, #tpu.memory_space<vmem>> -> memref<128xi32, #tpu.memory_space<vmem>>
    %dma_start3A_340 = arith.constant 0 : i32
    %dma_start3A_341 = arith.constant 0 : i32
    %dma_start3A_342 = tpu.memref_slice %arg3[%dma_start3A_340, %dma_start3A_341] : memref<1000003x64xf32, #tpu.memory_space<hbm>> -> memref<1000003x64xf32, #tpu.memory_space<hbm>>
    tpu.enqueue_indirect_dma source(%dma_start3A_342 : memref<1000003x64xf32, #tpu.memory_space<hbm>>) target(%dma_start3A_336 : memref<128x64xf32, #tpu.memory_space<vmem>>) offsets(%dma_start3A_339 : memref<128xi32, #tpu.memory_space<vmem>>) semaphore(%arg16 : memref<!tpu.dma_semaphore, #tpu.memory_space<semaphore_mem>>)
    %dma_start3A_343 = arith.constant 0 : i32
    %dma_start3A_344 = arith.constant 0 : i32
    %dma_start3A_345 = arith.constant 0 : i32
    %dma_start3A_346 = arith.constant 256 : i32
    %dma_start3A_347 = tpu.memref_slice %arg12[%dma_start3A_345, %dma_start3A_346] : memref<1x512xf32, #tpu.memory_space<vmem>> -> memref<1x128xf32, #tpu.memory_space<vmem>>
    %dma_start3A_348 = tpu.memref_squeeze %dma_start3A_347 : memref<1x128xf32, #tpu.memory_space<vmem>> -> memref<128xf32, #tpu.memory_space<vmem>>
    %dma_start3A_349 = arith.constant 256 : i32
    %dma_start3A_350 = tpu.memref_slice %arg8[%dma_start3A_344, %dma_start3A_349] : memref<1x512xi32, #tpu.memory_space<vmem>> -> memref<1x128xi32, #tpu.memory_space<vmem>>
    %dma_start3A_351 = tpu.memref_squeeze %dma_start3A_350 : memref<1x128xi32, #tpu.memory_space<vmem>> -> memref<128xi32, #tpu.memory_space<vmem>>
    %dma_start3A_352 = arith.constant 0 : i32
    %dma_start3A_353 = tpu.memref_slice %arg4[%dma_start3A_343, %dma_start3A_352] : memref<1x1000003xf32, #tpu.memory_space<hbm>> -> memref<1x1000003xf32, #tpu.memory_space<hbm>>
    %dma_start3A_354 = tpu.memref_squeeze %dma_start3A_353 : memref<1x1000003xf32, #tpu.memory_space<hbm>> -> memref<1000003xf32, #tpu.memory_space<hbm>>
    %dma_start3A_355 = arith.constant 0 : i32
    %dma_start3A_356 = tpu.memref_slice %dma_start3A_354[%dma_start3A_355] : memref<1000003xf32, #tpu.memory_space<hbm>> -> memref<1000003xf32, #tpu.memory_space<hbm>>
    tpu.enqueue_indirect_dma source(%dma_start3A_356 : memref<1000003xf32, #tpu.memory_space<hbm>>) target(%dma_start3A_348 : memref<128xf32, #tpu.memory_space<vmem>>) offsets(%dma_start3A_351 : memref<128xi32, #tpu.memory_space<vmem>>) semaphore(%arg16 : memref<!tpu.dma_semaphore, #tpu.memory_space<semaphore_mem>>)
    %dma_start3A_357 = arith.constant 0 : i32
    %dma_start3A_358 = arith.constant 0 : i32
    %dma_start3A_359 = arith.constant 384 : i32
    %dma_start3A_360 = arith.constant 0 : i32
    %dma_start3A_361 = tpu.memref_slice %arg10[%dma_start3A_358, %dma_start3A_359, %dma_start3A_360] : memref<1x512x64xf32, #tpu.memory_space<vmem>> -> memref<1x128x64xf32, #tpu.memory_space<vmem>>
    %dma_start3A_362 = tpu.memref_squeeze %dma_start3A_361 : memref<1x128x64xf32, #tpu.memory_space<vmem>> -> memref<128x64xf32, #tpu.memory_space<vmem>>
    %dma_start3A_363 = arith.constant 384 : i32
    %dma_start3A_364 = tpu.memref_slice %arg8[%dma_start3A_357, %dma_start3A_363] : memref<1x512xi32, #tpu.memory_space<vmem>> -> memref<1x128xi32, #tpu.memory_space<vmem>>
    %dma_start3A_365 = tpu.memref_squeeze %dma_start3A_364 : memref<1x128xi32, #tpu.memory_space<vmem>> -> memref<128xi32, #tpu.memory_space<vmem>>
    %dma_start3A_366 = arith.constant 0 : i32
    %dma_start3A_367 = arith.constant 0 : i32
    %dma_start3A_368 = tpu.memref_slice %arg3[%dma_start3A_366, %dma_start3A_367] : memref<1000003x64xf32, #tpu.memory_space<hbm>> -> memref<1000003x64xf32, #tpu.memory_space<hbm>>
    tpu.enqueue_indirect_dma source(%dma_start3A_368 : memref<1000003x64xf32, #tpu.memory_space<hbm>>) target(%dma_start3A_362 : memref<128x64xf32, #tpu.memory_space<vmem>>) offsets(%dma_start3A_365 : memref<128xi32, #tpu.memory_space<vmem>>) semaphore(%arg16 : memref<!tpu.dma_semaphore, #tpu.memory_space<semaphore_mem>>)
    %dma_start3A_369 = arith.constant 0 : i32
    %dma_start3A_370 = arith.constant 0 : i32
    %dma_start3A_371 = arith.constant 0 : i32
    %dma_start3A_372 = arith.constant 384 : i32
    %dma_start3A_373 = tpu.memref_slice %arg12[%dma_start3A_371, %dma_start3A_372] : memref<1x512xf32, #tpu.memory_space<vmem>> -> memref<1x128xf32, #tpu.memory_space<vmem>>
    %dma_start3A_374 = tpu.memref_squeeze %dma_start3A_373 : memref<1x128xf32, #tpu.memory_space<vmem>> -> memref<128xf32, #tpu.memory_space<vmem>>
    %dma_start3A_375 = arith.constant 384 : i32
    %dma_start3A_376 = tpu.memref_slice %arg8[%dma_start3A_370, %dma_start3A_375] : memref<1x512xi32, #tpu.memory_space<vmem>> -> memref<1x128xi32, #tpu.memory_space<vmem>>
    %dma_start3A_377 = tpu.memref_squeeze %dma_start3A_376 : memref<1x128xi32, #tpu.memory_space<vmem>> -> memref<128xi32, #tpu.memory_space<vmem>>
    %dma_start3A_378 = arith.constant 0 : i32
    %dma_start3A_379 = tpu.memref_slice %arg4[%dma_start3A_369, %dma_start3A_378] : memref<1x1000003xf32, #tpu.memory_space<hbm>> -> memref<1x1000003xf32, #tpu.memory_space<hbm>>
    %dma_start3A_380 = tpu.memref_squeeze %dma_start3A_379 : memref<1x1000003xf32, #tpu.memory_space<hbm>> -> memref<1000003xf32, #tpu.memory_space<hbm>>
    %dma_start3A_381 = arith.constant 0 : i32
    %dma_start3A_382 = tpu.memref_slice %dma_start3A_380[%dma_start3A_381] : memref<1000003xf32, #tpu.memory_space<hbm>> -> memref<1000003xf32, #tpu.memory_space<hbm>>
    tpu.enqueue_indirect_dma source(%dma_start3A_382 : memref<1000003xf32, #tpu.memory_space<hbm>>) target(%dma_start3A_374 : memref<128xf32, #tpu.memory_space<vmem>>) offsets(%dma_start3A_377 : memref<128xi32, #tpu.memory_space<vmem>>) semaphore(%arg16 : memref<!tpu.dma_semaphore, #tpu.memory_space<semaphore_mem>>)
    %dma_wait3A_383 = arith.constant 0 : i32
    %dma_wait3A_384 = arith.constant 0 : i32
    %dma_wait3A_385 = arith.constant 0 : i32
    %dma_wait3A_386 = arith.constant 0 : i32
    %dma_wait3A_387 = tpu.memref_slice %arg9[%dma_wait3A_384, %dma_wait3A_385, %dma_wait3A_386] : memref<1x512x64xf32, #tpu.memory_space<vmem>> -> memref<1x128x64xf32, #tpu.memory_space<vmem>>
    %dma_wait3A_388 = tpu.memref_squeeze %dma_wait3A_387 : memref<1x128x64xf32, #tpu.memory_space<vmem>> -> memref<128x64xf32, #tpu.memory_space<vmem>>
    %dma_wait3A_389 = arith.constant 0 : i32
    %dma_wait3A_390 = tpu.memref_slice %arg7[%dma_wait3A_383, %dma_wait3A_389] : memref<1x512xi32, #tpu.memory_space<vmem>> -> memref<1x128xi32, #tpu.memory_space<vmem>>
    %dma_wait3A_391 = tpu.memref_squeeze %dma_wait3A_390 : memref<1x128xi32, #tpu.memory_space<vmem>> -> memref<128xi32, #tpu.memory_space<vmem>>
    %dma_wait3A_392 = arith.constant 0 : i32
    %dma_wait3A_393 = arith.constant 0 : i32
    %dma_wait3A_394 = tpu.memref_slice %arg3[%dma_wait3A_392, %dma_wait3A_393] : memref<1000003x64xf32, #tpu.memory_space<hbm>> -> memref<1000003x64xf32, #tpu.memory_space<hbm>>
    tpu.wait_indirect_dma semaphore(%arg15 : memref<!tpu.dma_semaphore, #tpu.memory_space<semaphore_mem>>) src(%dma_wait3A_394 : memref<1000003x64xf32, #tpu.memory_space<hbm>>) dst(%dma_wait3A_388 : memref<128x64xf32, #tpu.memory_space<vmem>>)
    %dma_wait3A_395 = arith.constant 0 : i32
    %dma_wait3A_396 = arith.constant 0 : i32
    %dma_wait3A_397 = arith.constant 0 : i32
    %dma_wait3A_398 = arith.constant 0 : i32
    %dma_wait3A_399 = tpu.memref_slice %arg11[%dma_wait3A_397, %dma_wait3A_398] : memref<1x512xf32, #tpu.memory_space<vmem>> -> memref<1x128xf32, #tpu.memory_space<vmem>>
    %dma_wait3A_400 = tpu.memref_squeeze %dma_wait3A_399 : memref<1x128xf32, #tpu.memory_space<vmem>> -> memref<128xf32, #tpu.memory_space<vmem>>
    %dma_wait3A_401 = arith.constant 0 : i32
    %dma_wait3A_402 = tpu.memref_slice %arg7[%dma_wait3A_396, %dma_wait3A_401] : memref<1x512xi32, #tpu.memory_space<vmem>> -> memref<1x128xi32, #tpu.memory_space<vmem>>
    %dma_wait3A_403 = tpu.memref_squeeze %dma_wait3A_402 : memref<1x128xi32, #tpu.memory_space<vmem>> -> memref<128xi32, #tpu.memory_space<vmem>>
    %dma_wait3A_404 = arith.constant 0 : i32
    %dma_wait3A_405 = tpu.memref_slice %arg4[%dma_wait3A_395, %dma_wait3A_404] : memref<1x1000003xf32, #tpu.memory_space<hbm>> -> memref<1x1000003xf32, #tpu.memory_space<hbm>>
    %dma_wait3A_406 = tpu.memref_squeeze %dma_wait3A_405 : memref<1x1000003xf32, #tpu.memory_space<hbm>> -> memref<1000003xf32, #tpu.memory_space<hbm>>
    %dma_wait3A_407 = arith.constant 0 : i32
    %dma_wait3A_408 = tpu.memref_slice %dma_wait3A_406[%dma_wait3A_407] : memref<1000003xf32, #tpu.memory_space<hbm>> -> memref<1000003xf32, #tpu.memory_space<hbm>>
    tpu.wait_indirect_dma semaphore(%arg15 : memref<!tpu.dma_semaphore, #tpu.memory_space<semaphore_mem>>) src(%dma_wait3A_408 : memref<1000003xf32, #tpu.memory_space<hbm>>) dst(%dma_wait3A_400 : memref<128xf32, #tpu.memory_space<vmem>>)
    %dma_wait3A_409 = arith.constant 0 : i32
    %dma_wait3A_410 = arith.constant 0 : i32
    %dma_wait3A_411 = arith.constant 128 : i32
    %dma_wait3A_412 = arith.constant 0 : i32
    %dma_wait3A_413 = tpu.memref_slice %arg9[%dma_wait3A_410, %dma_wait3A_411, %dma_wait3A_412] : memref<1x512x64xf32, #tpu.memory_space<vmem>> -> memref<1x128x64xf32, #tpu.memory_space<vmem>>
    %dma_wait3A_414 = tpu.memref_squeeze %dma_wait3A_413 : memref<1x128x64xf32, #tpu.memory_space<vmem>> -> memref<128x64xf32, #tpu.memory_space<vmem>>
    %dma_wait3A_415 = arith.constant 128 : i32
    %dma_wait3A_416 = tpu.memref_slice %arg7[%dma_wait3A_409, %dma_wait3A_415] : memref<1x512xi32, #tpu.memory_space<vmem>> -> memref<1x128xi32, #tpu.memory_space<vmem>>
    %dma_wait3A_417 = tpu.memref_squeeze %dma_wait3A_416 : memref<1x128xi32, #tpu.memory_space<vmem>> -> memref<128xi32, #tpu.memory_space<vmem>>
    %dma_wait3A_418 = arith.constant 0 : i32
    %dma_wait3A_419 = arith.constant 0 : i32
    %dma_wait3A_420 = tpu.memref_slice %arg3[%dma_wait3A_418, %dma_wait3A_419] : memref<1000003x64xf32, #tpu.memory_space<hbm>> -> memref<1000003x64xf32, #tpu.memory_space<hbm>>
    tpu.wait_indirect_dma semaphore(%arg15 : memref<!tpu.dma_semaphore, #tpu.memory_space<semaphore_mem>>) src(%dma_wait3A_420 : memref<1000003x64xf32, #tpu.memory_space<hbm>>) dst(%dma_wait3A_414 : memref<128x64xf32, #tpu.memory_space<vmem>>)
    %dma_wait3A_421 = arith.constant 0 : i32
    %dma_wait3A_422 = arith.constant 0 : i32
    %dma_wait3A_423 = arith.constant 0 : i32
    %dma_wait3A_424 = arith.constant 128 : i32
    %dma_wait3A_425 = tpu.memref_slice %arg11[%dma_wait3A_423, %dma_wait3A_424] : memref<1x512xf32, #tpu.memory_space<vmem>> -> memref<1x128xf32, #tpu.memory_space<vmem>>
    %dma_wait3A_426 = tpu.memref_squeeze %dma_wait3A_425 : memref<1x128xf32, #tpu.memory_space<vmem>> -> memref<128xf32, #tpu.memory_space<vmem>>
    %dma_wait3A_427 = arith.constant 128 : i32
    %dma_wait3A_428 = tpu.memref_slice %arg7[%dma_wait3A_422, %dma_wait3A_427] : memref<1x512xi32, #tpu.memory_space<vmem>> -> memref<1x128xi32, #tpu.memory_space<vmem>>
    %dma_wait3A_429 = tpu.memref_squeeze %dma_wait3A_428 : memref<1x128xi32, #tpu.memory_space<vmem>> -> memref<128xi32, #tpu.memory_space<vmem>>
    %dma_wait3A_430 = arith.constant 0 : i32
    %dma_wait3A_431 = tpu.memref_slice %arg4[%dma_wait3A_421, %dma_wait3A_430] : memref<1x1000003xf32, #tpu.memory_space<hbm>> -> memref<1x1000003xf32, #tpu.memory_space<hbm>>
    %dma_wait3A_432 = tpu.memref_squeeze %dma_wait3A_431 : memref<1x1000003xf32, #tpu.memory_space<hbm>> -> memref<1000003xf32, #tpu.memory_space<hbm>>
    %dma_wait3A_433 = arith.constant 0 : i32
    %dma_wait3A_434 = tpu.memref_slice %dma_wait3A_432[%dma_wait3A_433] : memref<1000003xf32, #tpu.memory_space<hbm>> -> memref<1000003xf32, #tpu.memory_space<hbm>>
    tpu.wait_indirect_dma semaphore(%arg15 : memref<!tpu.dma_semaphore, #tpu.memory_space<semaphore_mem>>) src(%dma_wait3A_434 : memref<1000003xf32, #tpu.memory_space<hbm>>) dst(%dma_wait3A_426 : memref<128xf32, #tpu.memory_space<vmem>>)
    %dma_wait3A_435 = arith.constant 0 : i32
    %dma_wait3A_436 = arith.constant 0 : i32
    %dma_wait3A_437 = arith.constant 256 : i32
    %dma_wait3A_438 = arith.constant 0 : i32
    %dma_wait3A_439 = tpu.memref_slice %arg9[%dma_wait3A_436, %dma_wait3A_437, %dma_wait3A_438] : memref<1x512x64xf32, #tpu.memory_space<vmem>> -> memref<1x128x64xf32, #tpu.memory_space<vmem>>
    %dma_wait3A_440 = tpu.memref_squeeze %dma_wait3A_439 : memref<1x128x64xf32, #tpu.memory_space<vmem>> -> memref<128x64xf32, #tpu.memory_space<vmem>>
    %dma_wait3A_441 = arith.constant 256 : i32
    %dma_wait3A_442 = tpu.memref_slice %arg7[%dma_wait3A_435, %dma_wait3A_441] : memref<1x512xi32, #tpu.memory_space<vmem>> -> memref<1x128xi32, #tpu.memory_space<vmem>>
    %dma_wait3A_443 = tpu.memref_squeeze %dma_wait3A_442 : memref<1x128xi32, #tpu.memory_space<vmem>> -> memref<128xi32, #tpu.memory_space<vmem>>
    %dma_wait3A_444 = arith.constant 0 : i32
    %dma_wait3A_445 = arith.constant 0 : i32
    %dma_wait3A_446 = tpu.memref_slice %arg3[%dma_wait3A_444, %dma_wait3A_445] : memref<1000003x64xf32, #tpu.memory_space<hbm>> -> memref<1000003x64xf32, #tpu.memory_space<hbm>>
    tpu.wait_indirect_dma semaphore(%arg15 : memref<!tpu.dma_semaphore, #tpu.memory_space<semaphore_mem>>) src(%dma_wait3A_446 : memref<1000003x64xf32, #tpu.memory_space<hbm>>) dst(%dma_wait3A_440 : memref<128x64xf32, #tpu.memory_space<vmem>>)
    %dma_wait3A_447 = arith.constant 0 : i32
    %dma_wait3A_448 = arith.constant 0 : i32
    %dma_wait3A_449 = arith.constant 0 : i32
    %dma_wait3A_450 = arith.constant 256 : i32
    %dma_wait3A_451 = tpu.memref_slice %arg11[%dma_wait3A_449, %dma_wait3A_450] : memref<1x512xf32, #tpu.memory_space<vmem>> -> memref<1x128xf32, #tpu.memory_space<vmem>>
    %dma_wait3A_452 = tpu.memref_squeeze %dma_wait3A_451 : memref<1x128xf32, #tpu.memory_space<vmem>> -> memref<128xf32, #tpu.memory_space<vmem>>
    %dma_wait3A_453 = arith.constant 256 : i32
    %dma_wait3A_454 = tpu.memref_slice %arg7[%dma_wait3A_448, %dma_wait3A_453] : memref<1x512xi32, #tpu.memory_space<vmem>> -> memref<1x128xi32, #tpu.memory_space<vmem>>
    %dma_wait3A_455 = tpu.memref_squeeze %dma_wait3A_454 : memref<1x128xi32, #tpu.memory_space<vmem>> -> memref<128xi32, #tpu.memory_space<vmem>>
    %dma_wait3A_456 = arith.constant 0 : i32
    %dma_wait3A_457 = tpu.memref_slice %arg4[%dma_wait3A_447, %dma_wait3A_456] : memref<1x1000003xf32, #tpu.memory_space<hbm>> -> memref<1x1000003xf32, #tpu.memory_space<hbm>>
    %dma_wait3A_458 = tpu.memref_squeeze %dma_wait3A_457 : memref<1x1000003xf32, #tpu.memory_space<hbm>> -> memref<1000003xf32, #tpu.memory_space<hbm>>
    %dma_wait3A_459 = arith.constant 0 : i32
    %dma_wait3A_460 = tpu.memref_slice %dma_wait3A_458[%dma_wait3A_459] : memref<1000003xf32, #tpu.memory_space<hbm>> -> memref<1000003xf32, #tpu.memory_space<hbm>>
    tpu.wait_indirect_dma semaphore(%arg15 : memref<!tpu.dma_semaphore, #tpu.memory_space<semaphore_mem>>) src(%dma_wait3A_460 : memref<1000003xf32, #tpu.memory_space<hbm>>) dst(%dma_wait3A_452 : memref<128xf32, #tpu.memory_space<vmem>>)
    %dma_wait3A_461 = arith.constant 0 : i32
    %dma_wait3A_462 = arith.constant 0 : i32
    %dma_wait3A_463 = arith.constant 384 : i32
    %dma_wait3A_464 = arith.constant 0 : i32
    %dma_wait3A_465 = tpu.memref_slice %arg9[%dma_wait3A_462, %dma_wait3A_463, %dma_wait3A_464] : memref<1x512x64xf32, #tpu.memory_space<vmem>> -> memref<1x128x64xf32, #tpu.memory_space<vmem>>
    %dma_wait3A_466 = tpu.memref_squeeze %dma_wait3A_465 : memref<1x128x64xf32, #tpu.memory_space<vmem>> -> memref<128x64xf32, #tpu.memory_space<vmem>>
    %dma_wait3A_467 = arith.constant 384 : i32
    %dma_wait3A_468 = tpu.memref_slice %arg7[%dma_wait3A_461, %dma_wait3A_467] : memref<1x512xi32, #tpu.memory_space<vmem>> -> memref<1x128xi32, #tpu.memory_space<vmem>>
    %dma_wait3A_469 = tpu.memref_squeeze %dma_wait3A_468 : memref<1x128xi32, #tpu.memory_space<vmem>> -> memref<128xi32, #tpu.memory_space<vmem>>
    %dma_wait3A_470 = arith.constant 0 : i32
    %dma_wait3A_471 = arith.constant 0 : i32
    %dma_wait3A_472 = tpu.memref_slice %arg3[%dma_wait3A_470, %dma_wait3A_471] : memref<1000003x64xf32, #tpu.memory_space<hbm>> -> memref<1000003x64xf32, #tpu.memory_space<hbm>>
    tpu.wait_indirect_dma semaphore(%arg15 : memref<!tpu.dma_semaphore, #tpu.memory_space<semaphore_mem>>) src(%dma_wait3A_472 : memref<1000003x64xf32, #tpu.memory_space<hbm>>) dst(%dma_wait3A_466 : memref<128x64xf32, #tpu.memory_space<vmem>>)
    %dma_wait3A_473 = arith.constant 0 : i32
    %dma_wait3A_474 = arith.constant 0 : i32
    %dma_wait3A_475 = arith.constant 0 : i32
    %dma_wait3A_476 = arith.constant 384 : i32
    %dma_wait3A_477 = tpu.memref_slice %arg11[%dma_wait3A_475, %dma_wait3A_476] : memref<1x512xf32, #tpu.memory_space<vmem>> -> memref<1x128xf32, #tpu.memory_space<vmem>>
    %dma_wait3A_478 = tpu.memref_squeeze %dma_wait3A_477 : memref<1x128xf32, #tpu.memory_space<vmem>> -> memref<128xf32, #tpu.memory_space<vmem>>
    %dma_wait3A_479 = arith.constant 384 : i32
    %dma_wait3A_480 = tpu.memref_slice %arg7[%dma_wait3A_474, %dma_wait3A_479] : memref<1x512xi32, #tpu.memory_space<vmem>> -> memref<1x128xi32, #tpu.memory_space<vmem>>
    %dma_wait3A_481 = tpu.memref_squeeze %dma_wait3A_480 : memref<1x128xi32, #tpu.memory_space<vmem>> -> memref<128xi32, #tpu.memory_space<vmem>>
    %dma_wait3A_482 = arith.constant 0 : i32
    %dma_wait3A_483 = tpu.memref_slice %arg4[%dma_wait3A_473, %dma_wait3A_482] : memref<1x1000003xf32, #tpu.memory_space<hbm>> -> memref<1x1000003xf32, #tpu.memory_space<hbm>>
    %dma_wait3A_484 = tpu.memref_squeeze %dma_wait3A_483 : memref<1x1000003xf32, #tpu.memory_space<hbm>> -> memref<1000003xf32, #tpu.memory_space<hbm>>
    %dma_wait3A_485 = arith.constant 0 : i32
    %dma_wait3A_486 = tpu.memref_slice %dma_wait3A_484[%dma_wait3A_485] : memref<1000003xf32, #tpu.memory_space<hbm>> -> memref<1000003xf32, #tpu.memory_space<hbm>>
    tpu.wait_indirect_dma semaphore(%arg15 : memref<!tpu.dma_semaphore, #tpu.memory_space<semaphore_mem>>) src(%dma_wait3A_486 : memref<1000003xf32, #tpu.memory_space<hbm>>) dst(%dma_wait3A_478 : memref<128xf32, #tpu.memory_space<vmem>>)
    %add3A_487 = arith.constant 0 : i32
    %add3A_488 = arith.addi %mul3A_2, %add3A_487 : i32
    %jit3A_489 = arith.constant 8 : i32
    %div3A_490 = arith.divsi %add3A_488, %jit3A_489 : i32
    %sign3A_491 = arith.constant 0 : i32
    %sign3A_492 = arith.cmpi sgt, %add3A_488, %sign3A_491 : i32
    %sign3A_493 = arith.extui %sign3A_492 : i1 to i32
    %sign3A_494 = arith.constant 0 : i32
    %sign3A_495 = arith.cmpi slt, %add3A_488, %sign3A_494 : i32
    %sign3A_496 = arith.extui %sign3A_495 : i1 to i32
    %sign3A_497 = arith.subi %sign3A_493, %sign3A_496 : i32
    %sign3A_498 = arith.constant 0 : i32
    %sign3A_499 = arith.cmpi sgt, %jit3A_489, %sign3A_498 : i32
    %sign3A_500 = arith.extui %sign3A_499 : i1 to i32
    %sign3A_501 = arith.constant 0 : i32
    %sign3A_502 = arith.cmpi slt, %jit3A_489, %sign3A_501 : i32
    %sign3A_503 = arith.extui %sign3A_502 : i1 to i32
    %sign3A_504 = arith.subi %sign3A_500, %sign3A_503 : i32
    %ne3A_505 = arith.cmpi ne, %sign3A_497, %sign3A_504 : i32
    %rem3A_506 = arith.remsi %add3A_488, %jit3A_489 : i32
    %ne3A_507 = arith.constant 0 : i32
    %ne3A_508 = arith.cmpi ne, %rem3A_506, %ne3A_507 : i32
    %and3A_509 = arith.andi %ne3A_505, %ne3A_508 : i1
    %sub3A_510 = arith.constant 1 : i32
    %sub3A_511 = arith.subi %div3A_490, %sub3A_510 : i32
    %select_n3A_512 = arith.select %and3A_509, %sub3A_511, %div3A_490 : i32
    %jit3A_513 = arith.constant 8 : i32
    %eq3A_514 = arith.constant 0 : i32
    %eq3A_515 = arith.cmpi eq, %jit3A_513, %eq3A_514 : i32
    %jit3A_516 = arith.constant 1 : i32
    %select_n3A_517 = arith.select %eq3A_515, %jit3A_516, %jit3A_513 : i32
    %rem3A_518 = arith.remsi %add3A_488, %select_n3A_517 : i32
    %ne3A_519 = arith.constant 0 : i32
    %ne3A_520 = arith.cmpi ne, %rem3A_518, %ne3A_519 : i32
    %lt3A_521 = arith.constant 0 : i32
    %lt3A_522 = arith.cmpi slt, %rem3A_518, %lt3A_521 : i32
    %lt3A_523 = arith.constant 0 : i32
    %lt3A_524 = arith.cmpi slt, %select_n3A_517, %lt3A_523 : i32
    %ne3A_525 = arith.xori %lt3A_522, %lt3A_524 : i1
    %and3A_526 = arith.andi %ne3A_525, %ne3A_520 : i1
    %add3A_527 = arith.addi %rem3A_518, %select_n3A_517 : i32
    %select_n3A_528 = arith.select %and3A_526, %add3A_527, %rem3A_518 : i32
    %mul3A_529 = arith.constant 512 : i32
    %mul3A_530 = arith.muli %select_n3A_528, %mul3A_529 : i32
    %mul3A_531 = arith.constant 512 : i32
    %mul3A_532 = arith.muli %add3A_488, %mul3A_531 : i32
    %dma_start3A_533 = arith.constant 0 : i32
    %dma_start3A_534 = tpu.memref_slice %arg5[%select_n3A_512, %mul3A_530, %dma_start3A_533] : memref<200x4096x128xf32, #tpu.memory_space<hbm>> -> memref<1x512x64xf32, #tpu.memory_space<hbm>>
    %dma_start3A_535 = arith.constant 0 : i32
    %dma_start3A_536 = tpu.memref_slice %arg5[%select_n3A_512, %mul3A_530, %dma_start3A_535] : memref<200x4096x128xf32, #tpu.memory_space<hbm>> -> memref<1x512x64xf32, #tpu.memory_space<hbm>>
    tpu.enqueue_dma source(%arg9 : memref<1x512x64xf32, #tpu.memory_space<vmem>>) target(%dma_start3A_536 : memref<1x512x64xf32, #tpu.memory_space<hbm>>) target_semaphore(%arg17 : memref<!tpu.dma_semaphore, #tpu.memory_space<semaphore_mem>>)
    %dma_start3A_537 = tpu.memref_slice %arg6[%select_n3A_512, %mul3A_530] : memref<200x4096xf32, #tpu.memory_space<hbm>> -> memref<1x512xf32, #tpu.memory_space<hbm>>
    %dma_start3A_538 = tpu.memref_slice %arg6[%select_n3A_512, %mul3A_530] : memref<200x4096xf32, #tpu.memory_space<hbm>> -> memref<1x512xf32, #tpu.memory_space<hbm>>
    tpu.enqueue_dma source(%arg11 : memref<1x512xf32, #tpu.memory_space<vmem>>) target(%dma_start3A_538 : memref<1x512xf32, #tpu.memory_space<hbm>>) target_semaphore(%arg17 : memref<!tpu.dma_semaphore, #tpu.memory_space<semaphore_mem>>)
    %add3A_539 = arith.constant 2 : i32
    %add3A_540 = arith.addi %mul3A_2, %add3A_539 : i32
    %jit3A_541 = arith.constant 8 : i32
    %div3A_542 = arith.divsi %add3A_540, %jit3A_541 : i32
    %sign3A_543 = arith.constant 0 : i32
    %sign3A_544 = arith.cmpi sgt, %add3A_540, %sign3A_543 : i32
    %sign3A_545 = arith.extui %sign3A_544 : i1 to i32
    %sign3A_546 = arith.constant 0 : i32
    %sign3A_547 = arith.cmpi slt, %add3A_540, %sign3A_546 : i32
    %sign3A_548 = arith.extui %sign3A_547 : i1 to i32
    %sign3A_549 = arith.subi %sign3A_545, %sign3A_548 : i32
    %sign3A_550 = arith.constant 0 : i32
    %sign3A_551 = arith.cmpi sgt, %jit3A_541, %sign3A_550 : i32
    %sign3A_552 = arith.extui %sign3A_551 : i1 to i32
    %sign3A_553 = arith.constant 0 : i32
    %sign3A_554 = arith.cmpi slt, %jit3A_541, %sign3A_553 : i32
    %sign3A_555 = arith.extui %sign3A_554 : i1 to i32
    %sign3A_556 = arith.subi %sign3A_552, %sign3A_555 : i32
    %ne3A_557 = arith.cmpi ne, %sign3A_549, %sign3A_556 : i32
    %rem3A_558 = arith.remsi %add3A_540, %jit3A_541 : i32
    %ne3A_559 = arith.constant 0 : i32
    %ne3A_560 = arith.cmpi ne, %rem3A_558, %ne3A_559 : i32
    %and3A_561 = arith.andi %ne3A_557, %ne3A_560 : i1
    %sub3A_562 = arith.constant 1 : i32
    %sub3A_563 = arith.subi %div3A_542, %sub3A_562 : i32
    %select_n3A_564 = arith.select %and3A_561, %sub3A_563, %div3A_542 : i32
    %jit3A_565 = arith.constant 8 : i32
    %eq3A_566 = arith.constant 0 : i32
    %eq3A_567 = arith.cmpi eq, %jit3A_565, %eq3A_566 : i32
    %jit3A_568 = arith.constant 1 : i32
    %select_n3A_569 = arith.select %eq3A_567, %jit3A_568, %jit3A_565 : i32
    %rem3A_570 = arith.remsi %add3A_540, %select_n3A_569 : i32
    %ne3A_571 = arith.constant 0 : i32
    %ne3A_572 = arith.cmpi ne, %rem3A_570, %ne3A_571 : i32
    %lt3A_573 = arith.constant 0 : i32
    %lt3A_574 = arith.cmpi slt, %rem3A_570, %lt3A_573 : i32
    %lt3A_575 = arith.constant 0 : i32
    %lt3A_576 = arith.cmpi slt, %select_n3A_569, %lt3A_575 : i32
    %ne3A_577 = arith.xori %lt3A_574, %lt3A_576 : i1
    %and3A_578 = arith.andi %ne3A_577, %ne3A_572 : i1
    %add3A_579 = arith.addi %rem3A_570, %select_n3A_569 : i32
    %select_n3A_580 = arith.select %and3A_578, %add3A_579, %rem3A_570 : i32
    %mul3A_581 = arith.constant 512 : i32
    %mul3A_582 = arith.muli %select_n3A_580, %mul3A_581 : i32
    %dma_start3A_583 = tpu.memref_slice %arg2[%select_n3A_564, %mul3A_582] : memref<200x4096xi32, #tpu.memory_space<hbm>> -> memref<1x512xi32, #tpu.memory_space<hbm>>
    %dma_start3A_584 = tpu.memref_slice %arg2[%select_n3A_564, %mul3A_582] : memref<200x4096xi32, #tpu.memory_space<hbm>> -> memref<1x512xi32, #tpu.memory_space<hbm>>
    tpu.enqueue_dma source(%dma_start3A_584 : memref<1x512xi32, #tpu.memory_space<hbm>>) target(%arg7 : memref<1x512xi32, #tpu.memory_space<vmem>>) target_semaphore(%arg13 : memref<!tpu.dma_semaphore, #tpu.memory_space<semaphore_mem>>)
    %dma_wait3A_585 = arith.constant 0 : i32
    %dma_wait3A_586 = arith.constant 0 : i32
    %dma_wait3A_587 = arith.constant 0 : i32
    %dma_wait3A_588 = arith.constant 0 : i32
    %dma_wait3A_589 = tpu.memref_slice %arg10[%dma_wait3A_586, %dma_wait3A_587, %dma_wait3A_588] : memref<1x512x64xf32, #tpu.memory_space<vmem>> -> memref<1x128x64xf32, #tpu.memory_space<vmem>>
    %dma_wait3A_590 = tpu.memref_squeeze %dma_wait3A_589 : memref<1x128x64xf32, #tpu.memory_space<vmem>> -> memref<128x64xf32, #tpu.memory_space<vmem>>
    %dma_wait3A_591 = arith.constant 0 : i32
    %dma_wait3A_592 = tpu.memref_slice %arg8[%dma_wait3A_585, %dma_wait3A_591] : memref<1x512xi32, #tpu.memory_space<vmem>> -> memref<1x128xi32, #tpu.memory_space<vmem>>
    %dma_wait3A_593 = tpu.memref_squeeze %dma_wait3A_592 : memref<1x128xi32, #tpu.memory_space<vmem>> -> memref<128xi32, #tpu.memory_space<vmem>>
    %dma_wait3A_594 = arith.constant 0 : i32
    %dma_wait3A_595 = arith.constant 0 : i32
    %dma_wait3A_596 = tpu.memref_slice %arg3[%dma_wait3A_594, %dma_wait3A_595] : memref<1000003x64xf32, #tpu.memory_space<hbm>> -> memref<1000003x64xf32, #tpu.memory_space<hbm>>
    tpu.wait_indirect_dma semaphore(%arg16 : memref<!tpu.dma_semaphore, #tpu.memory_space<semaphore_mem>>) src(%dma_wait3A_596 : memref<1000003x64xf32, #tpu.memory_space<hbm>>) dst(%dma_wait3A_590 : memref<128x64xf32, #tpu.memory_space<vmem>>)
    %dma_wait3A_597 = arith.constant 0 : i32
    %dma_wait3A_598 = arith.constant 0 : i32
    %dma_wait3A_599 = arith.constant 0 : i32
    %dma_wait3A_600 = arith.constant 0 : i32
    %dma_wait3A_601 = tpu.memref_slice %arg12[%dma_wait3A_599, %dma_wait3A_600] : memref<1x512xf32, #tpu.memory_space<vmem>> -> memref<1x128xf32, #tpu.memory_space<vmem>>
    %dma_wait3A_602 = tpu.memref_squeeze %dma_wait3A_601 : memref<1x128xf32, #tpu.memory_space<vmem>> -> memref<128xf32, #tpu.memory_space<vmem>>
    %dma_wait3A_603 = arith.constant 0 : i32
    %dma_wait3A_604 = tpu.memref_slice %arg8[%dma_wait3A_598, %dma_wait3A_603] : memref<1x512xi32, #tpu.memory_space<vmem>> -> memref<1x128xi32, #tpu.memory_space<vmem>>
    %dma_wait3A_605 = tpu.memref_squeeze %dma_wait3A_604 : memref<1x128xi32, #tpu.memory_space<vmem>> -> memref<128xi32, #tpu.memory_space<vmem>>
    %dma_wait3A_606 = arith.constant 0 : i32
    %dma_wait3A_607 = tpu.memref_slice %arg4[%dma_wait3A_597, %dma_wait3A_606] : memref<1x1000003xf32, #tpu.memory_space<hbm>> -> memref<1x1000003xf32, #tpu.memory_space<hbm>>
    %dma_wait3A_608 = tpu.memref_squeeze %dma_wait3A_607 : memref<1x1000003xf32, #tpu.memory_space<hbm>> -> memref<1000003xf32, #tpu.memory_space<hbm>>
    %dma_wait3A_609 = arith.constant 0 : i32
    %dma_wait3A_610 = tpu.memref_slice %dma_wait3A_608[%dma_wait3A_609] : memref<1000003xf32, #tpu.memory_space<hbm>> -> memref<1000003xf32, #tpu.memory_space<hbm>>
    tpu.wait_indirect_dma semaphore(%arg16 : memref<!tpu.dma_semaphore, #tpu.memory_space<semaphore_mem>>) src(%dma_wait3A_610 : memref<1000003xf32, #tpu.memory_space<hbm>>) dst(%dma_wait3A_602 : memref<128xf32, #tpu.memory_space<vmem>>)
    %dma_wait3A_611 = arith.constant 0 : i32
    %dma_wait3A_612 = arith.constant 0 : i32
    %dma_wait3A_613 = arith.constant 128 : i32
    %dma_wait3A_614 = arith.constant 0 : i32
    %dma_wait3A_615 = tpu.memref_slice %arg10[%dma_wait3A_612, %dma_wait3A_613, %dma_wait3A_614] : memref<1x512x64xf32, #tpu.memory_space<vmem>> -> memref<1x128x64xf32, #tpu.memory_space<vmem>>
    %dma_wait3A_616 = tpu.memref_squeeze %dma_wait3A_615 : memref<1x128x64xf32, #tpu.memory_space<vmem>> -> memref<128x64xf32, #tpu.memory_space<vmem>>
    %dma_wait3A_617 = arith.constant 128 : i32
    %dma_wait3A_618 = tpu.memref_slice %arg8[%dma_wait3A_611, %dma_wait3A_617] : memref<1x512xi32, #tpu.memory_space<vmem>> -> memref<1x128xi32, #tpu.memory_space<vmem>>
    %dma_wait3A_619 = tpu.memref_squeeze %dma_wait3A_618 : memref<1x128xi32, #tpu.memory_space<vmem>> -> memref<128xi32, #tpu.memory_space<vmem>>
    %dma_wait3A_620 = arith.constant 0 : i32
    %dma_wait3A_621 = arith.constant 0 : i32
    %dma_wait3A_622 = tpu.memref_slice %arg3[%dma_wait3A_620, %dma_wait3A_621] : memref<1000003x64xf32, #tpu.memory_space<hbm>> -> memref<1000003x64xf32, #tpu.memory_space<hbm>>
    tpu.wait_indirect_dma semaphore(%arg16 : memref<!tpu.dma_semaphore, #tpu.memory_space<semaphore_mem>>) src(%dma_wait3A_622 : memref<1000003x64xf32, #tpu.memory_space<hbm>>) dst(%dma_wait3A_616 : memref<128x64xf32, #tpu.memory_space<vmem>>)
    %dma_wait3A_623 = arith.constant 0 : i32
    %dma_wait3A_624 = arith.constant 0 : i32
    %dma_wait3A_625 = arith.constant 0 : i32
    %dma_wait3A_626 = arith.constant 128 : i32
    %dma_wait3A_627 = tpu.memref_slice %arg12[%dma_wait3A_625, %dma_wait3A_626] : memref<1x512xf32, #tpu.memory_space<vmem>> -> memref<1x128xf32, #tpu.memory_space<vmem>>
    %dma_wait3A_628 = tpu.memref_squeeze %dma_wait3A_627 : memref<1x128xf32, #tpu.memory_space<vmem>> -> memref<128xf32, #tpu.memory_space<vmem>>
    %dma_wait3A_629 = arith.constant 128 : i32
    %dma_wait3A_630 = tpu.memref_slice %arg8[%dma_wait3A_624, %dma_wait3A_629] : memref<1x512xi32, #tpu.memory_space<vmem>> -> memref<1x128xi32, #tpu.memory_space<vmem>>
    %dma_wait3A_631 = tpu.memref_squeeze %dma_wait3A_630 : memref<1x128xi32, #tpu.memory_space<vmem>> -> memref<128xi32, #tpu.memory_space<vmem>>
    %dma_wait3A_632 = arith.constant 0 : i32
    %dma_wait3A_633 = tpu.memref_slice %arg4[%dma_wait3A_623, %dma_wait3A_632] : memref<1x1000003xf32, #tpu.memory_space<hbm>> -> memref<1x1000003xf32, #tpu.memory_space<hbm>>
    %dma_wait3A_634 = tpu.memref_squeeze %dma_wait3A_633 : memref<1x1000003xf32, #tpu.memory_space<hbm>> -> memref<1000003xf32, #tpu.memory_space<hbm>>
    %dma_wait3A_635 = arith.constant 0 : i32
    %dma_wait3A_636 = tpu.memref_slice %dma_wait3A_634[%dma_wait3A_635] : memref<1000003xf32, #tpu.memory_space<hbm>> -> memref<1000003xf32, #tpu.memory_space<hbm>>
    tpu.wait_indirect_dma semaphore(%arg16 : memref<!tpu.dma_semaphore, #tpu.memory_space<semaphore_mem>>) src(%dma_wait3A_636 : memref<1000003xf32, #tpu.memory_space<hbm>>) dst(%dma_wait3A_628 : memref<128xf32, #tpu.memory_space<vmem>>)
    %dma_wait3A_637 = arith.constant 0 : i32
    %dma_wait3A_638 = arith.constant 0 : i32
    %dma_wait3A_639 = arith.constant 256 : i32
    %dma_wait3A_640 = arith.constant 0 : i32
    %dma_wait3A_641 = tpu.memref_slice %arg10[%dma_wait3A_638, %dma_wait3A_639, %dma_wait3A_640] : memref<1x512x64xf32, #tpu.memory_space<vmem>> -> memref<1x128x64xf32, #tpu.memory_space<vmem>>
    %dma_wait3A_642 = tpu.memref_squeeze %dma_wait3A_641 : memref<1x128x64xf32, #tpu.memory_space<vmem>> -> memref<128x64xf32, #tpu.memory_space<vmem>>
    %dma_wait3A_643 = arith.constant 256 : i32
    %dma_wait3A_644 = tpu.memref_slice %arg8[%dma_wait3A_637, %dma_wait3A_643] : memref<1x512xi32, #tpu.memory_space<vmem>> -> memref<1x128xi32, #tpu.memory_space<vmem>>
    %dma_wait3A_645 = tpu.memref_squeeze %dma_wait3A_644 : memref<1x128xi32, #tpu.memory_space<vmem>> -> memref<128xi32, #tpu.memory_space<vmem>>
    %dma_wait3A_646 = arith.constant 0 : i32
    %dma_wait3A_647 = arith.constant 0 : i32
    %dma_wait3A_648 = tpu.memref_slice %arg3[%dma_wait3A_646, %dma_wait3A_647] : memref<1000003x64xf32, #tpu.memory_space<hbm>> -> memref<1000003x64xf32, #tpu.memory_space<hbm>>
    tpu.wait_indirect_dma semaphore(%arg16 : memref<!tpu.dma_semaphore, #tpu.memory_space<semaphore_mem>>) src(%dma_wait3A_648 : memref<1000003x64xf32, #tpu.memory_space<hbm>>) dst(%dma_wait3A_642 : memref<128x64xf32, #tpu.memory_space<vmem>>)
    %dma_wait3A_649 = arith.constant 0 : i32
    %dma_wait3A_650 = arith.constant 0 : i32
    %dma_wait3A_651 = arith.constant 0 : i32
    %dma_wait3A_652 = arith.constant 256 : i32
    %dma_wait3A_653 = tpu.memref_slice %arg12[%dma_wait3A_651, %dma_wait3A_652] : memref<1x512xf32, #tpu.memory_space<vmem>> -> memref<1x128xf32, #tpu.memory_space<vmem>>
    %dma_wait3A_654 = tpu.memref_squeeze %dma_wait3A_653 : memref<1x128xf32, #tpu.memory_space<vmem>> -> memref<128xf32, #tpu.memory_space<vmem>>
    %dma_wait3A_655 = arith.constant 256 : i32
    %dma_wait3A_656 = tpu.memref_slice %arg8[%dma_wait3A_650, %dma_wait3A_655] : memref<1x512xi32, #tpu.memory_space<vmem>> -> memref<1x128xi32, #tpu.memory_space<vmem>>
    %dma_wait3A_657 = tpu.memref_squeeze %dma_wait3A_656 : memref<1x128xi32, #tpu.memory_space<vmem>> -> memref<128xi32, #tpu.memory_space<vmem>>
    %dma_wait3A_658 = arith.constant 0 : i32
    %dma_wait3A_659 = tpu.memref_slice %arg4[%dma_wait3A_649, %dma_wait3A_658] : memref<1x1000003xf32, #tpu.memory_space<hbm>> -> memref<1x1000003xf32, #tpu.memory_space<hbm>>
    %dma_wait3A_660 = tpu.memref_squeeze %dma_wait3A_659 : memref<1x1000003xf32, #tpu.memory_space<hbm>> -> memref<1000003xf32, #tpu.memory_space<hbm>>
    %dma_wait3A_661 = arith.constant 0 : i32
    %dma_wait3A_662 = tpu.memref_slice %dma_wait3A_660[%dma_wait3A_661] : memref<1000003xf32, #tpu.memory_space<hbm>> -> memref<1000003xf32, #tpu.memory_space<hbm>>
    tpu.wait_indirect_dma semaphore(%arg16 : memref<!tpu.dma_semaphore, #tpu.memory_space<semaphore_mem>>) src(%dma_wait3A_662 : memref<1000003xf32, #tpu.memory_space<hbm>>) dst(%dma_wait3A_654 : memref<128xf32, #tpu.memory_space<vmem>>)
    %dma_wait3A_663 = arith.constant 0 : i32
    %dma_wait3A_664 = arith.constant 0 : i32
    %dma_wait3A_665 = arith.constant 384 : i32
    %dma_wait3A_666 = arith.constant 0 : i32
    %dma_wait3A_667 = tpu.memref_slice %arg10[%dma_wait3A_664, %dma_wait3A_665, %dma_wait3A_666] : memref<1x512x64xf32, #tpu.memory_space<vmem>> -> memref<1x128x64xf32, #tpu.memory_space<vmem>>
    %dma_wait3A_668 = tpu.memref_squeeze %dma_wait3A_667 : memref<1x128x64xf32, #tpu.memory_space<vmem>> -> memref<128x64xf32, #tpu.memory_space<vmem>>
    %dma_wait3A_669 = arith.constant 384 : i32
    %dma_wait3A_670 = tpu.memref_slice %arg8[%dma_wait3A_663, %dma_wait3A_669] : memref<1x512xi32, #tpu.memory_space<vmem>> -> memref<1x128xi32, #tpu.memory_space<vmem>>
    %dma_wait3A_671 = tpu.memref_squeeze %dma_wait3A_670 : memref<1x128xi32, #tpu.memory_space<vmem>> -> memref<128xi32, #tpu.memory_space<vmem>>
    %dma_wait3A_672 = arith.constant 0 : i32
    %dma_wait3A_673 = arith.constant 0 : i32
    %dma_wait3A_674 = tpu.memref_slice %arg3[%dma_wait3A_672, %dma_wait3A_673] : memref<1000003x64xf32, #tpu.memory_space<hbm>> -> memref<1000003x64xf32, #tpu.memory_space<hbm>>
    tpu.wait_indirect_dma semaphore(%arg16 : memref<!tpu.dma_semaphore, #tpu.memory_space<semaphore_mem>>) src(%dma_wait3A_674 : memref<1000003x64xf32, #tpu.memory_space<hbm>>) dst(%dma_wait3A_668 : memref<128x64xf32, #tpu.memory_space<vmem>>)
    %dma_wait3A_675 = arith.constant 0 : i32
    %dma_wait3A_676 = arith.constant 0 : i32
    %dma_wait3A_677 = arith.constant 0 : i32
    %dma_wait3A_678 = arith.constant 384 : i32
    %dma_wait3A_679 = tpu.memref_slice %arg12[%dma_wait3A_677, %dma_wait3A_678] : memref<1x512xf32, #tpu.memory_space<vmem>> -> memref<1x128xf32, #tpu.memory_space<vmem>>
    %dma_wait3A_680 = tpu.memref_squeeze %dma_wait3A_679 : memref<1x128xf32, #tpu.memory_space<vmem>> -> memref<128xf32, #tpu.memory_space<vmem>>
    %dma_wait3A_681 = arith.constant 384 : i32
    %dma_wait3A_682 = tpu.memref_slice %arg8[%dma_wait3A_676, %dma_wait3A_681] : memref<1x512xi32, #tpu.memory_space<vmem>> -> memref<1x128xi32, #tpu.memory_space<vmem>>
    %dma_wait3A_683 = tpu.memref_squeeze %dma_wait3A_682 : memref<1x128xi32, #tpu.memory_space<vmem>> -> memref<128xi32, #tpu.memory_space<vmem>>
    %dma_wait3A_684 = arith.constant 0 : i32
    %dma_wait3A_685 = tpu.memref_slice %arg4[%dma_wait3A_675, %dma_wait3A_684] : memref<1x1000003xf32, #tpu.memory_space<hbm>> -> memref<1x1000003xf32, #tpu.memory_space<hbm>>
    %dma_wait3A_686 = tpu.memref_squeeze %dma_wait3A_685 : memref<1x1000003xf32, #tpu.memory_space<hbm>> -> memref<1000003xf32, #tpu.memory_space<hbm>>
    %dma_wait3A_687 = arith.constant 0 : i32
    %dma_wait3A_688 = tpu.memref_slice %dma_wait3A_686[%dma_wait3A_687] : memref<1000003xf32, #tpu.memory_space<hbm>> -> memref<1000003xf32, #tpu.memory_space<hbm>>
    tpu.wait_indirect_dma semaphore(%arg16 : memref<!tpu.dma_semaphore, #tpu.memory_space<semaphore_mem>>) src(%dma_wait3A_688 : memref<1000003xf32, #tpu.memory_space<hbm>>) dst(%dma_wait3A_680 : memref<128xf32, #tpu.memory_space<vmem>>)
    %add3A_689 = arith.constant 1 : i32
    %add3A_690 = arith.addi %mul3A_2, %add3A_689 : i32
    %jit3A_691 = arith.constant 8 : i32
    %div3A_692 = arith.divsi %add3A_690, %jit3A_691 : i32
    %sign3A_693 = arith.constant 0 : i32
    %sign3A_694 = arith.cmpi sgt, %add3A_690, %sign3A_693 : i32
    %sign3A_695 = arith.extui %sign3A_694 : i1 to i32
    %sign3A_696 = arith.constant 0 : i32
    %sign3A_697 = arith.cmpi slt, %add3A_690, %sign3A_696 : i32
    %sign3A_698 = arith.extui %sign3A_697 : i1 to i32
    %sign3A_699 = arith.subi %sign3A_695, %sign3A_698 : i32
    %sign3A_700 = arith.constant 0 : i32
    %sign3A_701 = arith.cmpi sgt, %jit3A_691, %sign3A_700 : i32
    %sign3A_702 = arith.extui %sign3A_701 : i1 to i32
    %sign3A_703 = arith.constant 0 : i32
    %sign3A_704 = arith.cmpi slt, %jit3A_691, %sign3A_703 : i32
    %sign3A_705 = arith.extui %sign3A_704 : i1 to i32
    %sign3A_706 = arith.subi %sign3A_702, %sign3A_705 : i32
    %ne3A_707 = arith.cmpi ne, %sign3A_699, %sign3A_706 : i32
    %rem3A_708 = arith.remsi %add3A_690, %jit3A_691 : i32
    %ne3A_709 = arith.constant 0 : i32
    %ne3A_710 = arith.cmpi ne, %rem3A_708, %ne3A_709 : i32
    %and3A_711 = arith.andi %ne3A_707, %ne3A_710 : i1
    %sub3A_712 = arith.constant 1 : i32
    %sub3A_713 = arith.subi %div3A_692, %sub3A_712 : i32
    %select_n3A_714 = arith.select %and3A_711, %sub3A_713, %div3A_692 : i32
    %jit3A_715 = arith.constant 8 : i32
    %eq3A_716 = arith.constant 0 : i32
    %eq3A_717 = arith.cmpi eq, %jit3A_715, %eq3A_716 : i32
    %jit3A_718 = arith.constant 1 : i32
    %select_n3A_719 = arith.select %eq3A_717, %jit3A_718, %jit3A_715 : i32
    %rem3A_720 = arith.remsi %add3A_690, %select_n3A_719 : i32
    %ne3A_721 = arith.constant 0 : i32
    %ne3A_722 = arith.cmpi ne, %rem3A_720, %ne3A_721 : i32
    %lt3A_723 = arith.constant 0 : i32
    %lt3A_724 = arith.cmpi slt, %rem3A_720, %lt3A_723 : i32
    %lt3A_725 = arith.constant 0 : i32
    %lt3A_726 = arith.cmpi slt, %select_n3A_719, %lt3A_725 : i32
    %ne3A_727 = arith.xori %lt3A_724, %lt3A_726 : i1
    %and3A_728 = arith.andi %ne3A_727, %ne3A_722 : i1
    %add3A_729 = arith.addi %rem3A_720, %select_n3A_719 : i32
    %select_n3A_730 = arith.select %and3A_728, %add3A_729, %rem3A_720 : i32
    %mul3A_731 = arith.constant 512 : i32
    %mul3A_732 = arith.muli %select_n3A_730, %mul3A_731 : i32
    %mul3A_733 = arith.constant 512 : i32
    %mul3A_734 = arith.muli %add3A_690, %mul3A_733 : i32
    %dma_start3A_735 = arith.constant 0 : i32
    %dma_start3A_736 = tpu.memref_slice %arg5[%select_n3A_714, %mul3A_732, %dma_start3A_735] : memref<200x4096x128xf32, #tpu.memory_space<hbm>> -> memref<1x512x64xf32, #tpu.memory_space<hbm>>
    %dma_start3A_737 = arith.constant 0 : i32
    %dma_start3A_738 = tpu.memref_slice %arg5[%select_n3A_714, %mul3A_732, %dma_start3A_737] : memref<200x4096x128xf32, #tpu.memory_space<hbm>> -> memref<1x512x64xf32, #tpu.memory_space<hbm>>
    tpu.enqueue_dma source(%arg10 : memref<1x512x64xf32, #tpu.memory_space<vmem>>) target(%dma_start3A_738 : memref<1x512x64xf32, #tpu.memory_space<hbm>>) target_semaphore(%arg18 : memref<!tpu.dma_semaphore, #tpu.memory_space<semaphore_mem>>)
    %dma_start3A_739 = tpu.memref_slice %arg6[%select_n3A_714, %mul3A_732] : memref<200x4096xf32, #tpu.memory_space<hbm>> -> memref<1x512xf32, #tpu.memory_space<hbm>>
    %dma_start3A_740 = tpu.memref_slice %arg6[%select_n3A_714, %mul3A_732] : memref<200x4096xf32, #tpu.memory_space<hbm>> -> memref<1x512xf32, #tpu.memory_space<hbm>>
    tpu.enqueue_dma source(%arg12 : memref<1x512xf32, #tpu.memory_space<vmem>>) target(%dma_start3A_740 : memref<1x512xf32, #tpu.memory_space<hbm>>) target_semaphore(%arg18 : memref<!tpu.dma_semaphore, #tpu.memory_space<semaphore_mem>>)
    %add3A_741 = arith.constant 3 : i32
    %add3A_742 = arith.addi %mul3A_2, %add3A_741 : i32
    %jit3A_743 = arith.constant 8 : i32
    %div3A_744 = arith.divsi %add3A_742, %jit3A_743 : i32
    %sign3A_745 = arith.constant 0 : i32
    %sign3A_746 = arith.cmpi sgt, %add3A_742, %sign3A_745 : i32
    %sign3A_747 = arith.extui %sign3A_746 : i1 to i32
    %sign3A_748 = arith.constant 0 : i32
    %sign3A_749 = arith.cmpi slt, %add3A_742, %sign3A_748 : i32
    %sign3A_750 = arith.extui %sign3A_749 : i1 to i32
    %sign3A_751 = arith.subi %sign3A_747, %sign3A_750 : i32
    %sign3A_752 = arith.constant 0 : i32
    %sign3A_753 = arith.cmpi sgt, %jit3A_743, %sign3A_752 : i32
    %sign3A_754 = arith.extui %sign3A_753 : i1 to i32
    %sign3A_755 = arith.constant 0 : i32
    %sign3A_756 = arith.cmpi slt, %jit3A_743, %sign3A_755 : i32
    %sign3A_757 = arith.extui %sign3A_756 : i1 to i32
    %sign3A_758 = arith.subi %sign3A_754, %sign3A_757 : i32
    %ne3A_759 = arith.cmpi ne, %sign3A_751, %sign3A_758 : i32
    %rem3A_760 = arith.remsi %add3A_742, %jit3A_743 : i32
    %ne3A_761 = arith.constant 0 : i32
    %ne3A_762 = arith.cmpi ne, %rem3A_760, %ne3A_761 : i32
    %and3A_763 = arith.andi %ne3A_759, %ne3A_762 : i1
    %sub3A_764 = arith.constant 1 : i32
    %sub3A_765 = arith.subi %div3A_744, %sub3A_764 : i32
    %select_n3A_766 = arith.select %and3A_763, %sub3A_765, %div3A_744 : i32
    %jit3A_767 = arith.constant 8 : i32
    %eq3A_768 = arith.constant 0 : i32
    %eq3A_769 = arith.cmpi eq, %jit3A_767, %eq3A_768 : i32
    %jit3A_770 = arith.constant 1 : i32
    %select_n3A_771 = arith.select %eq3A_769, %jit3A_770, %jit3A_767 : i32
    %rem3A_772 = arith.remsi %add3A_742, %select_n3A_771 : i32
    %ne3A_773 = arith.constant 0 : i32
    %ne3A_774 = arith.cmpi ne, %rem3A_772, %ne3A_773 : i32
    %lt3A_775 = arith.constant 0 : i32
    %lt3A_776 = arith.cmpi slt, %rem3A_772, %lt3A_775 : i32
    %lt3A_777 = arith.constant 0 : i32
    %lt3A_778 = arith.cmpi slt, %select_n3A_771, %lt3A_777 : i32
    %ne3A_779 = arith.xori %lt3A_776, %lt3A_778 : i1
    %and3A_780 = arith.andi %ne3A_779, %ne3A_774 : i1
    %add3A_781 = arith.addi %rem3A_772, %select_n3A_771 : i32
    %select_n3A_782 = arith.select %and3A_780, %add3A_781, %rem3A_772 : i32
    %mul3A_783 = arith.constant 512 : i32
    %mul3A_784 = arith.muli %select_n3A_782, %mul3A_783 : i32
    %dma_start3A_785 = tpu.memref_slice %arg2[%select_n3A_766, %mul3A_784] : memref<200x4096xi32, #tpu.memory_space<hbm>> -> memref<1x512xi32, #tpu.memory_space<hbm>>
    %dma_start3A_786 = tpu.memref_slice %arg2[%select_n3A_766, %mul3A_784] : memref<200x4096xi32, #tpu.memory_space<hbm>> -> memref<1x512xi32, #tpu.memory_space<hbm>>
    tpu.enqueue_dma source(%dma_start3A_786 : memref<1x512xi32, #tpu.memory_space<hbm>>) target(%arg8 : memref<1x512xi32, #tpu.memory_space<vmem>>) target_semaphore(%arg14 : memref<!tpu.dma_semaphore, #tpu.memory_space<semaphore_mem>>)
    %scan3A = arith.constant 0 : i32
    %scan3A_787 = arith.constant 0 : i32
    %scan3A_788 = arith.constant 1 : i32
    %scan3A_789 = arith.constant 24 : i32
    %scan3A_790 = arith.addi %scan3A_788, %scan3A_789 : i32
    %scan3A_791 = arith.constant 1 : i32
    scf.for %scan3A_989 = %scan3A_788 to %scan3A_790 step %scan3A_791  : i32 {
      %mul3A_990 = arith.constant 2 : i32
      %mul3A_991 = arith.muli %mul3A_990, %scan3A_989 : i32
      %mul3A_992 = arith.constant 2 : i32
      %mul3A_993 = arith.muli %mul3A_992, %scan3A_989 : i32
      %add3A_994 = arith.constant 1 : i32
      %add3A_995 = arith.addi %mul3A_993, %add3A_994 : i32
      %add3A_996 = arith.constant 2 : i32
      %add3A_997 = arith.addi %mul3A_991, %add3A_996 : i32
      %min3A = arith.constant 49 : i32
      %min3A_998 = arith.minsi %add3A_997, %min3A : i32
      %add3A_999 = arith.constant 2 : i32
      %add3A_1000 = arith.addi %add3A_995, %add3A_999 : i32
      %min3A_1001 = arith.constant 49 : i32
      %min3A_1002 = arith.minsi %add3A_1000, %min3A_1001 : i32
      %sub3A_1003 = arith.constant 2 : i32
      %sub3A_1004 = arith.subi %mul3A_991, %sub3A_1003 : i32
      %add3A_1005 = arith.addi %mul3A_2, %sub3A_1004 : i32
      %jit3A_1006 = arith.constant 8 : i32
      %div3A_1007 = arith.divsi %add3A_1005, %jit3A_1006 : i32
      %sign3A_1008 = arith.constant 0 : i32
      %sign3A_1009 = arith.cmpi sgt, %add3A_1005, %sign3A_1008 : i32
      %sign3A_1010 = arith.extui %sign3A_1009 : i1 to i32
      %sign3A_1011 = arith.constant 0 : i32
      %sign3A_1012 = arith.cmpi slt, %add3A_1005, %sign3A_1011 : i32
      %sign3A_1013 = arith.extui %sign3A_1012 : i1 to i32
      %sign3A_1014 = arith.subi %sign3A_1010, %sign3A_1013 : i32
      %sign3A_1015 = arith.constant 0 : i32
      %sign3A_1016 = arith.cmpi sgt, %jit3A_1006, %sign3A_1015 : i32
      %sign3A_1017 = arith.extui %sign3A_1016 : i1 to i32
      %sign3A_1018 = arith.constant 0 : i32
      %sign3A_1019 = arith.cmpi slt, %jit3A_1006, %sign3A_1018 : i32
      %sign3A_1020 = arith.extui %sign3A_1019 : i1 to i32
      %sign3A_1021 = arith.subi %sign3A_1017, %sign3A_1020 : i32
      %ne3A_1022 = arith.cmpi ne, %sign3A_1014, %sign3A_1021 : i32
      %rem3A_1023 = arith.remsi %add3A_1005, %jit3A_1006 : i32
      %ne3A_1024 = arith.constant 0 : i32
      %ne3A_1025 = arith.cmpi ne, %rem3A_1023, %ne3A_1024 : i32
      %and3A_1026 = arith.andi %ne3A_1022, %ne3A_1025 : i1
      %sub3A_1027 = arith.constant 1 : i32
      %sub3A_1028 = arith.subi %div3A_1007, %sub3A_1027 : i32
      %select_n3A_1029 = arith.select %and3A_1026, %sub3A_1028, %div3A_1007 : i32
      %jit3A_1030 = arith.constant 8 : i32
      %eq3A_1031 = arith.constant 0 : i32
      %eq3A_1032 = arith.cmpi eq, %jit3A_1030, %eq3A_1031 : i32
      %jit3A_1033 = arith.constant 1 : i32
      %select_n3A_1034 = arith.select %eq3A_1032, %jit3A_1033, %jit3A_1030 : i32
      %rem3A_1035 = arith.remsi %add3A_1005, %select_n3A_1034 : i32
      %ne3A_1036 = arith.constant 0 : i32
      %ne3A_1037 = arith.cmpi ne, %rem3A_1035, %ne3A_1036 : i32
      %lt3A_1038 = arith.constant 0 : i32
      %lt3A_1039 = arith.cmpi slt, %rem3A_1035, %lt3A_1038 : i32
      %lt3A_1040 = arith.constant 0 : i32
      %lt3A_1041 = arith.cmpi slt, %select_n3A_1034, %lt3A_1040 : i32
      %ne3A_1042 = arith.xori %lt3A_1039, %lt3A_1041 : i1
      %and3A_1043 = arith.andi %ne3A_1042, %ne3A_1037 : i1
      %add3A_1044 = arith.addi %rem3A_1035, %select_n3A_1034 : i32
      %select_n3A_1045 = arith.select %and3A_1043, %add3A_1044, %rem3A_1035 : i32
      %mul3A_1046 = arith.constant 512 : i32
      %mul3A_1047 = arith.muli %select_n3A_1045, %mul3A_1046 : i32
      %mul3A_1048 = arith.constant 512 : i32
      %mul3A_1049 = arith.muli %add3A_1005, %mul3A_1048 : i32
      %dma_wait3A_1050 = arith.constant 0 : i32
      %dma_wait3A_1051 = tpu.memref_slice %arg5[%select_n3A_1029, %mul3A_1047, %dma_wait3A_1050] : memref<200x4096x128xf32, #tpu.memory_space<hbm>> -> memref<1x512x64xf32, #tpu.memory_space<hbm>>
      %dma_wait3A_1052 = arith.constant 0 : i32
      %dma_wait3A_1053 = tpu.memref_slice %arg5[%select_n3A_1029, %mul3A_1047, %dma_wait3A_1052] : memref<200x4096x128xf32, #tpu.memory_space<hbm>> -> memref<1x512x64xf32, #tpu.memory_space<hbm>>
      tpu.wait_dma2 semaphore(%arg17 : memref<!tpu.dma_semaphore, #tpu.memory_space<semaphore_mem>>) src(%arg9 : memref<1x512x64xf32, #tpu.memory_space<vmem>>) dst(%dma_wait3A_1053 : memref<1x512x64xf32, #tpu.memory_space<hbm>>)
      %dma_wait3A_1054 = tpu.memref_slice %arg6[%select_n3A_1029, %mul3A_1047] : memref<200x4096xf32, #tpu.memory_space<hbm>> -> memref<1x512xf32, #tpu.memory_space<hbm>>
      %dma_wait3A_1055 = tpu.memref_slice %arg6[%select_n3A_1029, %mul3A_1047] : memref<200x4096xf32, #tpu.memory_space<hbm>> -> memref<1x512xf32, #tpu.memory_space<hbm>>
      tpu.wait_dma2 semaphore(%arg17 : memref<!tpu.dma_semaphore, #tpu.memory_space<semaphore_mem>>) src(%arg11 : memref<1x512xf32, #tpu.memory_space<vmem>>) dst(%dma_wait3A_1055 : memref<1x512xf32, #tpu.memory_space<hbm>>)
      %add3A_1056 = arith.addi %mul3A_2, %mul3A_991 : i32
      %jit3A_1057 = arith.constant 8 : i32
      %div3A_1058 = arith.divsi %add3A_1056, %jit3A_1057 : i32
      %sign3A_1059 = arith.constant 0 : i32
      %sign3A_1060 = arith.cmpi sgt, %add3A_1056, %sign3A_1059 : i32
      %sign3A_1061 = arith.extui %sign3A_1060 : i1 to i32
      %sign3A_1062 = arith.constant 0 : i32
      %sign3A_1063 = arith.cmpi slt, %add3A_1056, %sign3A_1062 : i32
      %sign3A_1064 = arith.extui %sign3A_1063 : i1 to i32
      %sign3A_1065 = arith.subi %sign3A_1061, %sign3A_1064 : i32
      %sign3A_1066 = arith.constant 0 : i32
      %sign3A_1067 = arith.cmpi sgt, %jit3A_1057, %sign3A_1066 : i32
      %sign3A_1068 = arith.extui %sign3A_1067 : i1 to i32
      %sign3A_1069 = arith.constant 0 : i32
      %sign3A_1070 = arith.cmpi slt, %jit3A_1057, %sign3A_1069 : i32
      %sign3A_1071 = arith.extui %sign3A_1070 : i1 to i32
      %sign3A_1072 = arith.subi %sign3A_1068, %sign3A_1071 : i32
      %ne3A_1073 = arith.cmpi ne, %sign3A_1065, %sign3A_1072 : i32
      %rem3A_1074 = arith.remsi %add3A_1056, %jit3A_1057 : i32
      %ne3A_1075 = arith.constant 0 : i32
      %ne3A_1076 = arith.cmpi ne, %rem3A_1074, %ne3A_1075 : i32
      %and3A_1077 = arith.andi %ne3A_1073, %ne3A_1076 : i1
      %sub3A_1078 = arith.constant 1 : i32
      %sub3A_1079 = arith.subi %div3A_1058, %sub3A_1078 : i32
      %select_n3A_1080 = arith.select %and3A_1077, %sub3A_1079, %div3A_1058 : i32
      %jit3A_1081 = arith.constant 8 : i32
      %eq3A_1082 = arith.constant 0 : i32
      %eq3A_1083 = arith.cmpi eq, %jit3A_1081, %eq3A_1082 : i32
      %jit3A_1084 = arith.constant 1 : i32
      %select_n3A_1085 = arith.select %eq3A_1083, %jit3A_1084, %jit3A_1081 : i32
      %rem3A_1086 = arith.remsi %add3A_1056, %select_n3A_1085 : i32
      %ne3A_1087 = arith.constant 0 : i32
      %ne3A_1088 = arith.cmpi ne, %rem3A_1086, %ne3A_1087 : i32
      %lt3A_1089 = arith.constant 0 : i32
      %lt3A_1090 = arith.cmpi slt, %rem3A_1086, %lt3A_1089 : i32
      %lt3A_1091 = arith.constant 0 : i32
      %lt3A_1092 = arith.cmpi slt, %select_n3A_1085, %lt3A_1091 : i32
      %ne3A_1093 = arith.xori %lt3A_1090, %lt3A_1092 : i1
      %and3A_1094 = arith.andi %ne3A_1093, %ne3A_1088 : i1
      %add3A_1095 = arith.addi %rem3A_1086, %select_n3A_1085 : i32
      %select_n3A_1096 = arith.select %and3A_1094, %add3A_1095, %rem3A_1086 : i32
      %mul3A_1097 = arith.constant 512 : i32
      %mul3A_1098 = arith.muli %select_n3A_1096, %mul3A_1097 : i32
      %dma_wait3A_1099 = tpu.memref_slice %arg2[%select_n3A_1080, %mul3A_1098] : memref<200x4096xi32, #tpu.memory_space<hbm>> -> memref<1x512xi32, #tpu.memory_space<hbm>>
      %dma_wait3A_1100 = tpu.memref_slice %arg2[%select_n3A_1080, %mul3A_1098] : memref<200x4096xi32, #tpu.memory_space<hbm>> -> memref<1x512xi32, #tpu.memory_space<hbm>>
      tpu.wait_dma2 semaphore(%arg13 : memref<!tpu.dma_semaphore, #tpu.memory_space<semaphore_mem>>) src(%dma_wait3A_1100 : memref<1x512xi32, #tpu.memory_space<hbm>>) dst(%arg7 : memref<1x512xi32, #tpu.memory_space<vmem>>)
      %dma_start3A_1101 = arith.constant 0 : i32
      %dma_start3A_1102 = arith.constant 0 : i32
      %dma_start3A_1103 = arith.constant 0 : i32
      %dma_start3A_1104 = arith.constant 0 : i32
      %dma_start3A_1105 = tpu.memref_slice %arg9[%dma_start3A_1102, %dma_start3A_1103, %dma_start3A_1104] : memref<1x512x64xf32, #tpu.memory_space<vmem>> -> memref<1x128x64xf32, #tpu.memory_space<vmem>>
      %dma_start3A_1106 = tpu.memref_squeeze %dma_start3A_1105 : memref<1x128x64xf32, #tpu.memory_space<vmem>> -> memref<128x64xf32, #tpu.memory_space<vmem>>
      %dma_start3A_1107 = arith.constant 0 : i32
      %dma_start3A_1108 = tpu.memref_slice %arg7[%dma_start3A_1101, %dma_start3A_1107] : memref<1x512xi32, #tpu.memory_space<vmem>> -> memref<1x128xi32, #tpu.memory_space<vmem>>
      %dma_start3A_1109 = tpu.memref_squeeze %dma_start3A_1108 : memref<1x128xi32, #tpu.memory_space<vmem>> -> memref<128xi32, #tpu.memory_space<vmem>>
      %dma_start3A_1110 = arith.constant 0 : i32
      %dma_start3A_1111 = arith.constant 0 : i32
      %dma_start3A_1112 = tpu.memref_slice %arg3[%dma_start3A_1110, %dma_start3A_1111] : memref<1000003x64xf32, #tpu.memory_space<hbm>> -> memref<1000003x64xf32, #tpu.memory_space<hbm>>
      tpu.enqueue_indirect_dma source(%dma_start3A_1112 : memref<1000003x64xf32, #tpu.memory_space<hbm>>) target(%dma_start3A_1106 : memref<128x64xf32, #tpu.memory_space<vmem>>) offsets(%dma_start3A_1109 : memref<128xi32, #tpu.memory_space<vmem>>) semaphore(%arg15 : memref<!tpu.dma_semaphore, #tpu.memory_space<semaphore_mem>>)
      %dma_start3A_1113 = arith.constant 0 : i32
      %dma_start3A_1114 = arith.constant 0 : i32
      %dma_start3A_1115 = arith.constant 0 : i32
      %dma_start3A_1116 = tpu.memref_slice %arg11[%dma_start3A_1114, %dma_start3A_1115] : memref<1x512xf32, #tpu.memory_space<vmem>> -> memref<1x128xf32, #tpu.memory_space<vmem>>
      %dma_start3A_1117 = tpu.memref_squeeze %dma_start3A_1116 : memref<1x128xf32, #tpu.memory_space<vmem>> -> memref<128xf32, #tpu.memory_space<vmem>>
      %dma_start3A_1118 = arith.constant 0 : i32
      %dma_start3A_1119 = tpu.memref_slice %arg7[%dma_start3A_1113, %dma_start3A_1118] : memref<1x512xi32, #tpu.memory_space<vmem>> -> memref<1x128xi32, #tpu.memory_space<vmem>>
      %dma_start3A_1120 = tpu.memref_squeeze %dma_start3A_1119 : memref<1x128xi32, #tpu.memory_space<vmem>> -> memref<128xi32, #tpu.memory_space<vmem>>
      %dma_start3A_1121 = arith.constant 0 : i32
      %dma_start3A_1122 = tpu.memref_slice %arg4[%scan3A_787, %dma_start3A_1121] : memref<1x1000003xf32, #tpu.memory_space<hbm>> -> memref<1x1000003xf32, #tpu.memory_space<hbm>>
      %dma_start3A_1123 = tpu.memref_squeeze %dma_start3A_1122 : memref<1x1000003xf32, #tpu.memory_space<hbm>> -> memref<1000003xf32, #tpu.memory_space<hbm>>
      %dma_start3A_1124 = arith.constant 0 : i32
      %dma_start3A_1125 = tpu.memref_slice %dma_start3A_1123[%dma_start3A_1124] : memref<1000003xf32, #tpu.memory_space<hbm>> -> memref<1000003xf32, #tpu.memory_space<hbm>>
      tpu.enqueue_indirect_dma source(%dma_start3A_1125 : memref<1000003xf32, #tpu.memory_space<hbm>>) target(%dma_start3A_1117 : memref<128xf32, #tpu.memory_space<vmem>>) offsets(%dma_start3A_1120 : memref<128xi32, #tpu.memory_space<vmem>>) semaphore(%arg15 : memref<!tpu.dma_semaphore, #tpu.memory_space<semaphore_mem>>)
      %dma_start3A_1126 = arith.constant 0 : i32
      %dma_start3A_1127 = arith.constant 0 : i32
      %dma_start3A_1128 = arith.constant 128 : i32
      %dma_start3A_1129 = arith.constant 0 : i32
      %dma_start3A_1130 = tpu.memref_slice %arg9[%dma_start3A_1127, %dma_start3A_1128, %dma_start3A_1129] : memref<1x512x64xf32, #tpu.memory_space<vmem>> -> memref<1x128x64xf32, #tpu.memory_space<vmem>>
      %dma_start3A_1131 = tpu.memref_squeeze %dma_start3A_1130 : memref<1x128x64xf32, #tpu.memory_space<vmem>> -> memref<128x64xf32, #tpu.memory_space<vmem>>
      %dma_start3A_1132 = arith.constant 128 : i32
      %dma_start3A_1133 = tpu.memref_slice %arg7[%dma_start3A_1126, %dma_start3A_1132] : memref<1x512xi32, #tpu.memory_space<vmem>> -> memref<1x128xi32, #tpu.memory_space<vmem>>
      %dma_start3A_1134 = tpu.memref_squeeze %dma_start3A_1133 : memref<1x128xi32, #tpu.memory_space<vmem>> -> memref<128xi32, #tpu.memory_space<vmem>>
      %dma_start3A_1135 = arith.constant 0 : i32
      %dma_start3A_1136 = arith.constant 0 : i32
      %dma_start3A_1137 = tpu.memref_slice %arg3[%dma_start3A_1135, %dma_start3A_1136] : memref<1000003x64xf32, #tpu.memory_space<hbm>> -> memref<1000003x64xf32, #tpu.memory_space<hbm>>
      tpu.enqueue_indirect_dma source(%dma_start3A_1137 : memref<1000003x64xf32, #tpu.memory_space<hbm>>) target(%dma_start3A_1131 : memref<128x64xf32, #tpu.memory_space<vmem>>) offsets(%dma_start3A_1134 : memref<128xi32, #tpu.memory_space<vmem>>) semaphore(%arg15 : memref<!tpu.dma_semaphore, #tpu.memory_space<semaphore_mem>>)
      %dma_start3A_1138 = arith.constant 0 : i32
      %dma_start3A_1139 = arith.constant 0 : i32
      %dma_start3A_1140 = arith.constant 128 : i32
      %dma_start3A_1141 = tpu.memref_slice %arg11[%dma_start3A_1139, %dma_start3A_1140] : memref<1x512xf32, #tpu.memory_space<vmem>> -> memref<1x128xf32, #tpu.memory_space<vmem>>
      %dma_start3A_1142 = tpu.memref_squeeze %dma_start3A_1141 : memref<1x128xf32, #tpu.memory_space<vmem>> -> memref<128xf32, #tpu.memory_space<vmem>>
      %dma_start3A_1143 = arith.constant 128 : i32
      %dma_start3A_1144 = tpu.memref_slice %arg7[%dma_start3A_1138, %dma_start3A_1143] : memref<1x512xi32, #tpu.memory_space<vmem>> -> memref<1x128xi32, #tpu.memory_space<vmem>>
      %dma_start3A_1145 = tpu.memref_squeeze %dma_start3A_1144 : memref<1x128xi32, #tpu.memory_space<vmem>> -> memref<128xi32, #tpu.memory_space<vmem>>
      %dma_start3A_1146 = arith.constant 0 : i32
      %dma_start3A_1147 = tpu.memref_slice %arg4[%scan3A_787, %dma_start3A_1146] : memref<1x1000003xf32, #tpu.memory_space<hbm>> -> memref<1x1000003xf32, #tpu.memory_space<hbm>>
      %dma_start3A_1148 = tpu.memref_squeeze %dma_start3A_1147 : memref<1x1000003xf32, #tpu.memory_space<hbm>> -> memref<1000003xf32, #tpu.memory_space<hbm>>
      %dma_start3A_1149 = arith.constant 0 : i32
      %dma_start3A_1150 = tpu.memref_slice %dma_start3A_1148[%dma_start3A_1149] : memref<1000003xf32, #tpu.memory_space<hbm>> -> memref<1000003xf32, #tpu.memory_space<hbm>>
      tpu.enqueue_indirect_dma source(%dma_start3A_1150 : memref<1000003xf32, #tpu.memory_space<hbm>>) target(%dma_start3A_1142 : memref<128xf32, #tpu.memory_space<vmem>>) offsets(%dma_start3A_1145 : memref<128xi32, #tpu.memory_space<vmem>>) semaphore(%arg15 : memref<!tpu.dma_semaphore, #tpu.memory_space<semaphore_mem>>)
      %dma_start3A_1151 = arith.constant 0 : i32
      %dma_start3A_1152 = arith.constant 0 : i32
      %dma_start3A_1153 = arith.constant 256 : i32
      %dma_start3A_1154 = arith.constant 0 : i32
      %dma_start3A_1155 = tpu.memref_slice %arg9[%dma_start3A_1152, %dma_start3A_1153, %dma_start3A_1154] : memref<1x512x64xf32, #tpu.memory_space<vmem>> -> memref<1x128x64xf32, #tpu.memory_space<vmem>>
      %dma_start3A_1156 = tpu.memref_squeeze %dma_start3A_1155 : memref<1x128x64xf32, #tpu.memory_space<vmem>> -> memref<128x64xf32, #tpu.memory_space<vmem>>
      %dma_start3A_1157 = arith.constant 256 : i32
      %dma_start3A_1158 = tpu.memref_slice %arg7[%dma_start3A_1151, %dma_start3A_1157] : memref<1x512xi32, #tpu.memory_space<vmem>> -> memref<1x128xi32, #tpu.memory_space<vmem>>
      %dma_start3A_1159 = tpu.memref_squeeze %dma_start3A_1158 : memref<1x128xi32, #tpu.memory_space<vmem>> -> memref<128xi32, #tpu.memory_space<vmem>>
      %dma_start3A_1160 = arith.constant 0 : i32
      %dma_start3A_1161 = arith.constant 0 : i32
      %dma_start3A_1162 = tpu.memref_slice %arg3[%dma_start3A_1160, %dma_start3A_1161] : memref<1000003x64xf32, #tpu.memory_space<hbm>> -> memref<1000003x64xf32, #tpu.memory_space<hbm>>
      tpu.enqueue_indirect_dma source(%dma_start3A_1162 : memref<1000003x64xf32, #tpu.memory_space<hbm>>) target(%dma_start3A_1156 : memref<128x64xf32, #tpu.memory_space<vmem>>) offsets(%dma_start3A_1159 : memref<128xi32, #tpu.memory_space<vmem>>) semaphore(%arg15 : memref<!tpu.dma_semaphore, #tpu.memory_space<semaphore_mem>>)
      %dma_start3A_1163 = arith.constant 0 : i32
      %dma_start3A_1164 = arith.constant 0 : i32
      %dma_start3A_1165 = arith.constant 256 : i32
      %dma_start3A_1166 = tpu.memref_slice %arg11[%dma_start3A_1164, %dma_start3A_1165] : memref<1x512xf32, #tpu.memory_space<vmem>> -> memref<1x128xf32, #tpu.memory_space<vmem>>
      %dma_start3A_1167 = tpu.memref_squeeze %dma_start3A_1166 : memref<1x128xf32, #tpu.memory_space<vmem>> -> memref<128xf32, #tpu.memory_space<vmem>>
      %dma_start3A_1168 = arith.constant 256 : i32
      %dma_start3A_1169 = tpu.memref_slice %arg7[%dma_start3A_1163, %dma_start3A_1168] : memref<1x512xi32, #tpu.memory_space<vmem>> -> memref<1x128xi32, #tpu.memory_space<vmem>>
      %dma_start3A_1170 = tpu.memref_squeeze %dma_start3A_1169 : memref<1x128xi32, #tpu.memory_space<vmem>> -> memref<128xi32, #tpu.memory_space<vmem>>
      %dma_start3A_1171 = arith.constant 0 : i32
      %dma_start3A_1172 = tpu.memref_slice %arg4[%scan3A_787, %dma_start3A_1171] : memref<1x1000003xf32, #tpu.memory_space<hbm>> -> memref<1x1000003xf32, #tpu.memory_space<hbm>>
      %dma_start3A_1173 = tpu.memref_squeeze %dma_start3A_1172 : memref<1x1000003xf32, #tpu.memory_space<hbm>> -> memref<1000003xf32, #tpu.memory_space<hbm>>
      %dma_start3A_1174 = arith.constant 0 : i32
      %dma_start3A_1175 = tpu.memref_slice %dma_start3A_1173[%dma_start3A_1174] : memref<1000003xf32, #tpu.memory_space<hbm>> -> memref<1000003xf32, #tpu.memory_space<hbm>>
      tpu.enqueue_indirect_dma source(%dma_start3A_1175 : memref<1000003xf32, #tpu.memory_space<hbm>>) target(%dma_start3A_1167 : memref<128xf32, #tpu.memory_space<vmem>>) offsets(%dma_start3A_1170 : memref<128xi32, #tpu.memory_space<vmem>>) semaphore(%arg15 : memref<!tpu.dma_semaphore, #tpu.memory_space<semaphore_mem>>)
      %dma_start3A_1176 = arith.constant 0 : i32
      %dma_start3A_1177 = arith.constant 0 : i32
      %dma_start3A_1178 = arith.constant 384 : i32
      %dma_start3A_1179 = arith.constant 0 : i32
      %dma_start3A_1180 = tpu.memref_slice %arg9[%dma_start3A_1177, %dma_start3A_1178, %dma_start3A_1179] : memref<1x512x64xf32, #tpu.memory_space<vmem>> -> memref<1x128x64xf32, #tpu.memory_space<vmem>>
      %dma_start3A_1181 = tpu.memref_squeeze %dma_start3A_1180 : memref<1x128x64xf32, #tpu.memory_space<vmem>> -> memref<128x64xf32, #tpu.memory_space<vmem>>
      %dma_start3A_1182 = arith.constant 384 : i32
      %dma_start3A_1183 = tpu.memref_slice %arg7[%dma_start3A_1176, %dma_start3A_1182] : memref<1x512xi32, #tpu.memory_space<vmem>> -> memref<1x128xi32, #tpu.memory_space<vmem>>
      %dma_start3A_1184 = tpu.memref_squeeze %dma_start3A_1183 : memref<1x128xi32, #tpu.memory_space<vmem>> -> memref<128xi32, #tpu.memory_space<vmem>>
      %dma_start3A_1185 = arith.constant 0 : i32
      %dma_start3A_1186 = arith.constant 0 : i32
      %dma_start3A_1187 = tpu.memref_slice %arg3[%dma_start3A_1185, %dma_start3A_1186] : memref<1000003x64xf32, #tpu.memory_space<hbm>> -> memref<1000003x64xf32, #tpu.memory_space<hbm>>
      tpu.enqueue_indirect_dma source(%dma_start3A_1187 : memref<1000003x64xf32, #tpu.memory_space<hbm>>) target(%dma_start3A_1181 : memref<128x64xf32, #tpu.memory_space<vmem>>) offsets(%dma_start3A_1184 : memref<128xi32, #tpu.memory_space<vmem>>) semaphore(%arg15 : memref<!tpu.dma_semaphore, #tpu.memory_space<semaphore_mem>>)
      %dma_start3A_1188 = arith.constant 0 : i32
      %dma_start3A_1189 = arith.constant 0 : i32
      %dma_start3A_1190 = arith.constant 384 : i32
      %dma_start3A_1191 = tpu.memref_slice %arg11[%dma_start3A_1189, %dma_start3A_1190] : memref<1x512xf32, #tpu.memory_space<vmem>> -> memref<1x128xf32, #tpu.memory_space<vmem>>
      %dma_start3A_1192 = tpu.memref_squeeze %dma_start3A_1191 : memref<1x128xf32, #tpu.memory_space<vmem>> -> memref<128xf32, #tpu.memory_space<vmem>>
      %dma_start3A_1193 = arith.constant 384 : i32
      %dma_start3A_1194 = tpu.memref_slice %arg7[%dma_start3A_1188, %dma_start3A_1193] : memref<1x512xi32, #tpu.memory_space<vmem>> -> memref<1x128xi32, #tpu.memory_space<vmem>>
      %dma_start3A_1195 = tpu.memref_squeeze %dma_start3A_1194 : memref<1x128xi32, #tpu.memory_space<vmem>> -> memref<128xi32, #tpu.memory_space<vmem>>
      %dma_start3A_1196 = arith.constant 0 : i32
      %dma_start3A_1197 = tpu.memref_slice %arg4[%scan3A_787, %dma_start3A_1196] : memref<1x1000003xf32, #tpu.memory_space<hbm>> -> memref<1x1000003xf32, #tpu.memory_space<hbm>>
      %dma_start3A_1198 = tpu.memref_squeeze %dma_start3A_1197 : memref<1x1000003xf32, #tpu.memory_space<hbm>> -> memref<1000003xf32, #tpu.memory_space<hbm>>
      %dma_start3A_1199 = arith.constant 0 : i32
      %dma_start3A_1200 = tpu.memref_slice %dma_start3A_1198[%dma_start3A_1199] : memref<1000003xf32, #tpu.memory_space<hbm>> -> memref<1000003xf32, #tpu.memory_space<hbm>>
      tpu.enqueue_indirect_dma source(%dma_start3A_1200 : memref<1000003xf32, #tpu.memory_space<hbm>>) target(%dma_start3A_1192 : memref<128xf32, #tpu.memory_space<vmem>>) offsets(%dma_start3A_1195 : memref<128xi32, #tpu.memory_space<vmem>>) semaphore(%arg15 : memref<!tpu.dma_semaphore, #tpu.memory_space<semaphore_mem>>)
      %sub3A_1201 = arith.constant 2 : i32
      %sub3A_1202 = arith.subi %add3A_995, %sub3A_1201 : i32
      %add3A_1203 = arith.addi %mul3A_2, %sub3A_1202 : i32
      %jit3A_1204 = arith.constant 8 : i32
      %div3A_1205 = arith.divsi %add3A_1203, %jit3A_1204 : i32
      %sign3A_1206 = arith.constant 0 : i32
      %sign3A_1207 = arith.cmpi sgt, %add3A_1203, %sign3A_1206 : i32
      %sign3A_1208 = arith.extui %sign3A_1207 : i1 to i32
      %sign3A_1209 = arith.constant 0 : i32
      %sign3A_1210 = arith.cmpi slt, %add3A_1203, %sign3A_1209 : i32
      %sign3A_1211 = arith.extui %sign3A_1210 : i1 to i32
      %sign3A_1212 = arith.subi %sign3A_1208, %sign3A_1211 : i32
      %sign3A_1213 = arith.constant 0 : i32
      %sign3A_1214 = arith.cmpi sgt, %jit3A_1204, %sign3A_1213 : i32
      %sign3A_1215 = arith.extui %sign3A_1214 : i1 to i32
      %sign3A_1216 = arith.constant 0 : i32
      %sign3A_1217 = arith.cmpi slt, %jit3A_1204, %sign3A_1216 : i32
      %sign3A_1218 = arith.extui %sign3A_1217 : i1 to i32
      %sign3A_1219 = arith.subi %sign3A_1215, %sign3A_1218 : i32
      %ne3A_1220 = arith.cmpi ne, %sign3A_1212, %sign3A_1219 : i32
      %rem3A_1221 = arith.remsi %add3A_1203, %jit3A_1204 : i32
      %ne3A_1222 = arith.constant 0 : i32
      %ne3A_1223 = arith.cmpi ne, %rem3A_1221, %ne3A_1222 : i32
      %and3A_1224 = arith.andi %ne3A_1220, %ne3A_1223 : i1
      %sub3A_1225 = arith.constant 1 : i32
      %sub3A_1226 = arith.subi %div3A_1205, %sub3A_1225 : i32
      %select_n3A_1227 = arith.select %and3A_1224, %sub3A_1226, %div3A_1205 : i32
      %jit3A_1228 = arith.constant 8 : i32
      %eq3A_1229 = arith.constant 0 : i32
      %eq3A_1230 = arith.cmpi eq, %jit3A_1228, %eq3A_1229 : i32
      %jit3A_1231 = arith.constant 1 : i32
      %select_n3A_1232 = arith.select %eq3A_1230, %jit3A_1231, %jit3A_1228 : i32
      %rem3A_1233 = arith.remsi %add3A_1203, %select_n3A_1232 : i32
      %ne3A_1234 = arith.constant 0 : i32
      %ne3A_1235 = arith.cmpi ne, %rem3A_1233, %ne3A_1234 : i32
      %lt3A_1236 = arith.constant 0 : i32
      %lt3A_1237 = arith.cmpi slt, %rem3A_1233, %lt3A_1236 : i32
      %lt3A_1238 = arith.constant 0 : i32
      %lt3A_1239 = arith.cmpi slt, %select_n3A_1232, %lt3A_1238 : i32
      %ne3A_1240 = arith.xori %lt3A_1237, %lt3A_1239 : i1
      %and3A_1241 = arith.andi %ne3A_1240, %ne3A_1235 : i1
      %add3A_1242 = arith.addi %rem3A_1233, %select_n3A_1232 : i32
      %select_n3A_1243 = arith.select %and3A_1241, %add3A_1242, %rem3A_1233 : i32
      %mul3A_1244 = arith.constant 512 : i32
      %mul3A_1245 = arith.muli %select_n3A_1243, %mul3A_1244 : i32
      %mul3A_1246 = arith.constant 512 : i32
      %mul3A_1247 = arith.muli %add3A_1203, %mul3A_1246 : i32
      %dma_wait3A_1248 = arith.constant 0 : i32
      %dma_wait3A_1249 = tpu.memref_slice %arg5[%select_n3A_1227, %mul3A_1245, %dma_wait3A_1248] : memref<200x4096x128xf32, #tpu.memory_space<hbm>> -> memref<1x512x64xf32, #tpu.memory_space<hbm>>
      %dma_wait3A_1250 = arith.constant 0 : i32
      %dma_wait3A_1251 = tpu.memref_slice %arg5[%select_n3A_1227, %mul3A_1245, %dma_wait3A_1250] : memref<200x4096x128xf32, #tpu.memory_space<hbm>> -> memref<1x512x64xf32, #tpu.memory_space<hbm>>
      tpu.wait_dma2 semaphore(%arg18 : memref<!tpu.dma_semaphore, #tpu.memory_space<semaphore_mem>>) src(%arg10 : memref<1x512x64xf32, #tpu.memory_space<vmem>>) dst(%dma_wait3A_1251 : memref<1x512x64xf32, #tpu.memory_space<hbm>>)
      %dma_wait3A_1252 = tpu.memref_slice %arg6[%select_n3A_1227, %mul3A_1245] : memref<200x4096xf32, #tpu.memory_space<hbm>> -> memref<1x512xf32, #tpu.memory_space<hbm>>
      %dma_wait3A_1253 = tpu.memref_slice %arg6[%select_n3A_1227, %mul3A_1245] : memref<200x4096xf32, #tpu.memory_space<hbm>> -> memref<1x512xf32, #tpu.memory_space<hbm>>
      tpu.wait_dma2 semaphore(%arg18 : memref<!tpu.dma_semaphore, #tpu.memory_space<semaphore_mem>>) src(%arg12 : memref<1x512xf32, #tpu.memory_space<vmem>>) dst(%dma_wait3A_1253 : memref<1x512xf32, #tpu.memory_space<hbm>>)
      %add3A_1254 = arith.addi %mul3A_2, %add3A_995 : i32
      %jit3A_1255 = arith.constant 8 : i32
      %div3A_1256 = arith.divsi %add3A_1254, %jit3A_1255 : i32
      %sign3A_1257 = arith.constant 0 : i32
      %sign3A_1258 = arith.cmpi sgt, %add3A_1254, %sign3A_1257 : i32
      %sign3A_1259 = arith.extui %sign3A_1258 : i1 to i32
      %sign3A_1260 = arith.constant 0 : i32
      %sign3A_1261 = arith.cmpi slt, %add3A_1254, %sign3A_1260 : i32
      %sign3A_1262 = arith.extui %sign3A_1261 : i1 to i32
      %sign3A_1263 = arith.subi %sign3A_1259, %sign3A_1262 : i32
      %sign3A_1264 = arith.constant 0 : i32
      %sign3A_1265 = arith.cmpi sgt, %jit3A_1255, %sign3A_1264 : i32
      %sign3A_1266 = arith.extui %sign3A_1265 : i1 to i32
      %sign3A_1267 = arith.constant 0 : i32
      %sign3A_1268 = arith.cmpi slt, %jit3A_1255, %sign3A_1267 : i32
      %sign3A_1269 = arith.extui %sign3A_1268 : i1 to i32
      %sign3A_1270 = arith.subi %sign3A_1266, %sign3A_1269 : i32
      %ne3A_1271 = arith.cmpi ne, %sign3A_1263, %sign3A_1270 : i32
      %rem3A_1272 = arith.remsi %add3A_1254, %jit3A_1255 : i32
      %ne3A_1273 = arith.constant 0 : i32
      %ne3A_1274 = arith.cmpi ne, %rem3A_1272, %ne3A_1273 : i32
      %and3A_1275 = arith.andi %ne3A_1271, %ne3A_1274 : i1
      %sub3A_1276 = arith.constant 1 : i32
      %sub3A_1277 = arith.subi %div3A_1256, %sub3A_1276 : i32
      %select_n3A_1278 = arith.select %and3A_1275, %sub3A_1277, %div3A_1256 : i32
      %jit3A_1279 = arith.constant 8 : i32
      %eq3A_1280 = arith.constant 0 : i32
      %eq3A_1281 = arith.cmpi eq, %jit3A_1279, %eq3A_1280 : i32
      %jit3A_1282 = arith.constant 1 : i32
      %select_n3A_1283 = arith.select %eq3A_1281, %jit3A_1282, %jit3A_1279 : i32
      %rem3A_1284 = arith.remsi %add3A_1254, %select_n3A_1283 : i32
      %ne3A_1285 = arith.constant 0 : i32
      %ne3A_1286 = arith.cmpi ne, %rem3A_1284, %ne3A_1285 : i32
      %lt3A_1287 = arith.constant 0 : i32
      %lt3A_1288 = arith.cmpi slt, %rem3A_1284, %lt3A_1287 : i32
      %lt3A_1289 = arith.constant 0 : i32
      %lt3A_1290 = arith.cmpi slt, %select_n3A_1283, %lt3A_1289 : i32
      %ne3A_1291 = arith.xori %lt3A_1288, %lt3A_1290 : i1
      %and3A_1292 = arith.andi %ne3A_1291, %ne3A_1286 : i1
      %add3A_1293 = arith.addi %rem3A_1284, %select_n3A_1283 : i32
      %select_n3A_1294 = arith.select %and3A_1292, %add3A_1293, %rem3A_1284 : i32
      %mul3A_1295 = arith.constant 512 : i32
      %mul3A_1296 = arith.muli %select_n3A_1294, %mul3A_1295 : i32
      %dma_wait3A_1297 = tpu.memref_slice %arg2[%select_n3A_1278, %mul3A_1296] : memref<200x4096xi32, #tpu.memory_space<hbm>> -> memref<1x512xi32, #tpu.memory_space<hbm>>
      %dma_wait3A_1298 = tpu.memref_slice %arg2[%select_n3A_1278, %mul3A_1296] : memref<200x4096xi32, #tpu.memory_space<hbm>> -> memref<1x512xi32, #tpu.memory_space<hbm>>
      tpu.wait_dma2 semaphore(%arg14 : memref<!tpu.dma_semaphore, #tpu.memory_space<semaphore_mem>>) src(%dma_wait3A_1298 : memref<1x512xi32, #tpu.memory_space<hbm>>) dst(%arg8 : memref<1x512xi32, #tpu.memory_space<vmem>>)
      %dma_start3A_1299 = arith.constant 0 : i32
      %dma_start3A_1300 = arith.constant 0 : i32
      %dma_start3A_1301 = arith.constant 0 : i32
      %dma_start3A_1302 = arith.constant 0 : i32
      %dma_start3A_1303 = tpu.memref_slice %arg10[%dma_start3A_1300, %dma_start3A_1301, %dma_start3A_1302] : memref<1x512x64xf32, #tpu.memory_space<vmem>> -> memref<1x128x64xf32, #tpu.memory_space<vmem>>
      %dma_start3A_1304 = tpu.memref_squeeze %dma_start3A_1303 : memref<1x128x64xf32, #tpu.memory_space<vmem>> -> memref<128x64xf32, #tpu.memory_space<vmem>>
      %dma_start3A_1305 = arith.constant 0 : i32
      %dma_start3A_1306 = tpu.memref_slice %arg8[%dma_start3A_1299, %dma_start3A_1305] : memref<1x512xi32, #tpu.memory_space<vmem>> -> memref<1x128xi32, #tpu.memory_space<vmem>>
      %dma_start3A_1307 = tpu.memref_squeeze %dma_start3A_1306 : memref<1x128xi32, #tpu.memory_space<vmem>> -> memref<128xi32, #tpu.memory_space<vmem>>
      %dma_start3A_1308 = arith.constant 0 : i32
      %dma_start3A_1309 = arith.constant 0 : i32
      %dma_start3A_1310 = tpu.memref_slice %arg3[%dma_start3A_1308, %dma_start3A_1309] : memref<1000003x64xf32, #tpu.memory_space<hbm>> -> memref<1000003x64xf32, #tpu.memory_space<hbm>>
      tpu.enqueue_indirect_dma source(%dma_start3A_1310 : memref<1000003x64xf32, #tpu.memory_space<hbm>>) target(%dma_start3A_1304 : memref<128x64xf32, #tpu.memory_space<vmem>>) offsets(%dma_start3A_1307 : memref<128xi32, #tpu.memory_space<vmem>>) semaphore(%arg16 : memref<!tpu.dma_semaphore, #tpu.memory_space<semaphore_mem>>)
      %dma_start3A_1311 = arith.constant 0 : i32
      %dma_start3A_1312 = arith.constant 0 : i32
      %dma_start3A_1313 = arith.constant 0 : i32
      %dma_start3A_1314 = tpu.memref_slice %arg12[%dma_start3A_1312, %dma_start3A_1313] : memref<1x512xf32, #tpu.memory_space<vmem>> -> memref<1x128xf32, #tpu.memory_space<vmem>>
      %dma_start3A_1315 = tpu.memref_squeeze %dma_start3A_1314 : memref<1x128xf32, #tpu.memory_space<vmem>> -> memref<128xf32, #tpu.memory_space<vmem>>
      %dma_start3A_1316 = arith.constant 0 : i32
      %dma_start3A_1317 = tpu.memref_slice %arg8[%dma_start3A_1311, %dma_start3A_1316] : memref<1x512xi32, #tpu.memory_space<vmem>> -> memref<1x128xi32, #tpu.memory_space<vmem>>
      %dma_start3A_1318 = tpu.memref_squeeze %dma_start3A_1317 : memref<1x128xi32, #tpu.memory_space<vmem>> -> memref<128xi32, #tpu.memory_space<vmem>>
      %dma_start3A_1319 = arith.constant 0 : i32
      %dma_start3A_1320 = tpu.memref_slice %arg4[%scan3A_787, %dma_start3A_1319] : memref<1x1000003xf32, #tpu.memory_space<hbm>> -> memref<1x1000003xf32, #tpu.memory_space<hbm>>
      %dma_start3A_1321 = tpu.memref_squeeze %dma_start3A_1320 : memref<1x1000003xf32, #tpu.memory_space<hbm>> -> memref<1000003xf32, #tpu.memory_space<hbm>>
      %dma_start3A_1322 = arith.constant 0 : i32
      %dma_start3A_1323 = tpu.memref_slice %dma_start3A_1321[%dma_start3A_1322] : memref<1000003xf32, #tpu.memory_space<hbm>> -> memref<1000003xf32, #tpu.memory_space<hbm>>
      tpu.enqueue_indirect_dma source(%dma_start3A_1323 : memref<1000003xf32, #tpu.memory_space<hbm>>) target(%dma_start3A_1315 : memref<128xf32, #tpu.memory_space<vmem>>) offsets(%dma_start3A_1318 : memref<128xi32, #tpu.memory_space<vmem>>) semaphore(%arg16 : memref<!tpu.dma_semaphore, #tpu.memory_space<semaphore_mem>>)
      %dma_start3A_1324 = arith.constant 0 : i32
      %dma_start3A_1325 = arith.constant 0 : i32
      %dma_start3A_1326 = arith.constant 128 : i32
      %dma_start3A_1327 = arith.constant 0 : i32
      %dma_start3A_1328 = tpu.memref_slice %arg10[%dma_start3A_1325, %dma_start3A_1326, %dma_start3A_1327] : memref<1x512x64xf32, #tpu.memory_space<vmem>> -> memref<1x128x64xf32, #tpu.memory_space<vmem>>
      %dma_start3A_1329 = tpu.memref_squeeze %dma_start3A_1328 : memref<1x128x64xf32, #tpu.memory_space<vmem>> -> memref<128x64xf32, #tpu.memory_space<vmem>>
      %dma_start3A_1330 = arith.constant 128 : i32
      %dma_start3A_1331 = tpu.memref_slice %arg8[%dma_start3A_1324, %dma_start3A_1330] : memref<1x512xi32, #tpu.memory_space<vmem>> -> memref<1x128xi32, #tpu.memory_space<vmem>>
      %dma_start3A_1332 = tpu.memref_squeeze %dma_start3A_1331 : memref<1x128xi32, #tpu.memory_space<vmem>> -> memref<128xi32, #tpu.memory_space<vmem>>
      %dma_start3A_1333 = arith.constant 0 : i32
      %dma_start3A_1334 = arith.constant 0 : i32
      %dma_start3A_1335 = tpu.memref_slice %arg3[%dma_start3A_1333, %dma_start3A_1334] : memref<1000003x64xf32, #tpu.memory_space<hbm>> -> memref<1000003x64xf32, #tpu.memory_space<hbm>>
      tpu.enqueue_indirect_dma source(%dma_start3A_1335 : memref<1000003x64xf32, #tpu.memory_space<hbm>>) target(%dma_start3A_1329 : memref<128x64xf32, #tpu.memory_space<vmem>>) offsets(%dma_start3A_1332 : memref<128xi32, #tpu.memory_space<vmem>>) semaphore(%arg16 : memref<!tpu.dma_semaphore, #tpu.memory_space<semaphore_mem>>)
      %dma_start3A_1336 = arith.constant 0 : i32
      %dma_start3A_1337 = arith.constant 0 : i32
      %dma_start3A_1338 = arith.constant 128 : i32
      %dma_start3A_1339 = tpu.memref_slice %arg12[%dma_start3A_1337, %dma_start3A_1338] : memref<1x512xf32, #tpu.memory_space<vmem>> -> memref<1x128xf32, #tpu.memory_space<vmem>>
      %dma_start3A_1340 = tpu.memref_squeeze %dma_start3A_1339 : memref<1x128xf32, #tpu.memory_space<vmem>> -> memref<128xf32, #tpu.memory_space<vmem>>
      %dma_start3A_1341 = arith.constant 128 : i32
      %dma_start3A_1342 = tpu.memref_slice %arg8[%dma_start3A_1336, %dma_start3A_1341] : memref<1x512xi32, #tpu.memory_space<vmem>> -> memref<1x128xi32, #tpu.memory_space<vmem>>
      %dma_start3A_1343 = tpu.memref_squeeze %dma_start3A_1342 : memref<1x128xi32, #tpu.memory_space<vmem>> -> memref<128xi32, #tpu.memory_space<vmem>>
      %dma_start3A_1344 = arith.constant 0 : i32
      %dma_start3A_1345 = tpu.memref_slice %arg4[%scan3A_787, %dma_start3A_1344] : memref<1x1000003xf32, #tpu.memory_space<hbm>> -> memref<1x1000003xf32, #tpu.memory_space<hbm>>
      %dma_start3A_1346 = tpu.memref_squeeze %dma_start3A_1345 : memref<1x1000003xf32, #tpu.memory_space<hbm>> -> memref<1000003xf32, #tpu.memory_space<hbm>>
      %dma_start3A_1347 = arith.constant 0 : i32
      %dma_start3A_1348 = tpu.memref_slice %dma_start3A_1346[%dma_start3A_1347] : memref<1000003xf32, #tpu.memory_space<hbm>> -> memref<1000003xf32, #tpu.memory_space<hbm>>
      tpu.enqueue_indirect_dma source(%dma_start3A_1348 : memref<1000003xf32, #tpu.memory_space<hbm>>) target(%dma_start3A_1340 : memref<128xf32, #tpu.memory_space<vmem>>) offsets(%dma_start3A_1343 : memref<128xi32, #tpu.memory_space<vmem>>) semaphore(%arg16 : memref<!tpu.dma_semaphore, #tpu.memory_space<semaphore_mem>>)
      %dma_start3A_1349 = arith.constant 0 : i32
      %dma_start3A_1350 = arith.constant 0 : i32
      %dma_start3A_1351 = arith.constant 256 : i32
      %dma_start3A_1352 = arith.constant 0 : i32
      %dma_start3A_1353 = tpu.memref_slice %arg10[%dma_start3A_1350, %dma_start3A_1351, %dma_start3A_1352] : memref<1x512x64xf32, #tpu.memory_space<vmem>> -> memref<1x128x64xf32, #tpu.memory_space<vmem>>
      %dma_start3A_1354 = tpu.memref_squeeze %dma_start3A_1353 : memref<1x128x64xf32, #tpu.memory_space<vmem>> -> memref<128x64xf32, #tpu.memory_space<vmem>>
      %dma_start3A_1355 = arith.constant 256 : i32
      %dma_start3A_1356 = tpu.memref_slice %arg8[%dma_start3A_1349, %dma_start3A_1355] : memref<1x512xi32, #tpu.memory_space<vmem>> -> memref<1x128xi32, #tpu.memory_space<vmem>>
      %dma_start3A_1357 = tpu.memref_squeeze %dma_start3A_1356 : memref<1x128xi32, #tpu.memory_space<vmem>> -> memref<128xi32, #tpu.memory_space<vmem>>
      %dma_start3A_1358 = arith.constant 0 : i32
      %dma_start3A_1359 = arith.constant 0 : i32
      %dma_start3A_1360 = tpu.memref_slice %arg3[%dma_start3A_1358, %dma_start3A_1359] : memref<1000003x64xf32, #tpu.memory_space<hbm>> -> memref<1000003x64xf32, #tpu.memory_space<hbm>>
      tpu.enqueue_indirect_dma source(%dma_start3A_1360 : memref<1000003x64xf32, #tpu.memory_space<hbm>>) target(%dma_start3A_1354 : memref<128x64xf32, #tpu.memory_space<vmem>>) offsets(%dma_start3A_1357 : memref<128xi32, #tpu.memory_space<vmem>>) semaphore(%arg16 : memref<!tpu.dma_semaphore, #tpu.memory_space<semaphore_mem>>)
      %dma_start3A_1361 = arith.constant 0 : i32
      %dma_start3A_1362 = arith.constant 0 : i32
      %dma_start3A_1363 = arith.constant 256 : i32
      %dma_start3A_1364 = tpu.memref_slice %arg12[%dma_start3A_1362, %dma_start3A_1363] : memref<1x512xf32, #tpu.memory_space<vmem>> -> memref<1x128xf32, #tpu.memory_space<vmem>>
      %dma_start3A_1365 = tpu.memref_squeeze %dma_start3A_1364 : memref<1x128xf32, #tpu.memory_space<vmem>> -> memref<128xf32, #tpu.memory_space<vmem>>
      %dma_start3A_1366 = arith.constant 256 : i32
      %dma_start3A_1367 = tpu.memref_slice %arg8[%dma_start3A_1361, %dma_start3A_1366] : memref<1x512xi32, #tpu.memory_space<vmem>> -> memref<1x128xi32, #tpu.memory_space<vmem>>
      %dma_start3A_1368 = tpu.memref_squeeze %dma_start3A_1367 : memref<1x128xi32, #tpu.memory_space<vmem>> -> memref<128xi32, #tpu.memory_space<vmem>>
      %dma_start3A_1369 = arith.constant 0 : i32
      %dma_start3A_1370 = tpu.memref_slice %arg4[%scan3A_787, %dma_start3A_1369] : memref<1x1000003xf32, #tpu.memory_space<hbm>> -> memref<1x1000003xf32, #tpu.memory_space<hbm>>
      %dma_start3A_1371 = tpu.memref_squeeze %dma_start3A_1370 : memref<1x1000003xf32, #tpu.memory_space<hbm>> -> memref<1000003xf32, #tpu.memory_space<hbm>>
      %dma_start3A_1372 = arith.constant 0 : i32
      %dma_start3A_1373 = tpu.memref_slice %dma_start3A_1371[%dma_start3A_1372] : memref<1000003xf32, #tpu.memory_space<hbm>> -> memref<1000003xf32, #tpu.memory_space<hbm>>
      tpu.enqueue_indirect_dma source(%dma_start3A_1373 : memref<1000003xf32, #tpu.memory_space<hbm>>) target(%dma_start3A_1365 : memref<128xf32, #tpu.memory_space<vmem>>) offsets(%dma_start3A_1368 : memref<128xi32, #tpu.memory_space<vmem>>) semaphore(%arg16 : memref<!tpu.dma_semaphore, #tpu.memory_space<semaphore_mem>>)
      %dma_start3A_1374 = arith.constant 0 : i32
      %dma_start3A_1375 = arith.constant 0 : i32
      %dma_start3A_1376 = arith.constant 384 : i32
      %dma_start3A_1377 = arith.constant 0 : i32
      %dma_start3A_1378 = tpu.memref_slice %arg10[%dma_start3A_1375, %dma_start3A_1376, %dma_start3A_1377] : memref<1x512x64xf32, #tpu.memory_space<vmem>> -> memref<1x128x64xf32, #tpu.memory_space<vmem>>
      %dma_start3A_1379 = tpu.memref_squeeze %dma_start3A_1378 : memref<1x128x64xf32, #tpu.memory_space<vmem>> -> memref<128x64xf32, #tpu.memory_space<vmem>>
      %dma_start3A_1380 = arith.constant 384 : i32
      %dma_start3A_1381 = tpu.memref_slice %arg8[%dma_start3A_1374, %dma_start3A_1380] : memref<1x512xi32, #tpu.memory_space<vmem>> -> memref<1x128xi32, #tpu.memory_space<vmem>>
      %dma_start3A_1382 = tpu.memref_squeeze %dma_start3A_1381 : memref<1x128xi32, #tpu.memory_space<vmem>> -> memref<128xi32, #tpu.memory_space<vmem>>
      %dma_start3A_1383 = arith.constant 0 : i32
      %dma_start3A_1384 = arith.constant 0 : i32
      %dma_start3A_1385 = tpu.memref_slice %arg3[%dma_start3A_1383, %dma_start3A_1384] : memref<1000003x64xf32, #tpu.memory_space<hbm>> -> memref<1000003x64xf32, #tpu.memory_space<hbm>>
      tpu.enqueue_indirect_dma source(%dma_start3A_1385 : memref<1000003x64xf32, #tpu.memory_space<hbm>>) target(%dma_start3A_1379 : memref<128x64xf32, #tpu.memory_space<vmem>>) offsets(%dma_start3A_1382 : memref<128xi32, #tpu.memory_space<vmem>>) semaphore(%arg16 : memref<!tpu.dma_semaphore, #tpu.memory_space<semaphore_mem>>)
      %dma_start3A_1386 = arith.constant 0 : i32
      %dma_start3A_1387 = arith.constant 0 : i32
      %dma_start3A_1388 = arith.constant 384 : i32
      %dma_start3A_1389 = tpu.memref_slice %arg12[%dma_start3A_1387, %dma_start3A_1388] : memref<1x512xf32, #tpu.memory_space<vmem>> -> memref<1x128xf32, #tpu.memory_space<vmem>>
      %dma_start3A_1390 = tpu.memref_squeeze %dma_start3A_1389 : memref<1x128xf32, #tpu.memory_space<vmem>> -> memref<128xf32, #tpu.memory_space<vmem>>
      %dma_start3A_1391 = arith.constant 384 : i32
      %dma_start3A_1392 = tpu.memref_slice %arg8[%dma_start3A_1386, %dma_start3A_1391] : memref<1x512xi32, #tpu.memory_space<vmem>> -> memref<1x128xi32, #tpu.memory_space<vmem>>
      %dma_start3A_1393 = tpu.memref_squeeze %dma_start3A_1392 : memref<1x128xi32, #tpu.memory_space<vmem>> -> memref<128xi32, #tpu.memory_space<vmem>>
      %dma_start3A_1394 = arith.constant 0 : i32
      %dma_start3A_1395 = tpu.memref_slice %arg4[%scan3A_787, %dma_start3A_1394] : memref<1x1000003xf32, #tpu.memory_space<hbm>> -> memref<1x1000003xf32, #tpu.memory_space<hbm>>
      %dma_start3A_1396 = tpu.memref_squeeze %dma_start3A_1395 : memref<1x1000003xf32, #tpu.memory_space<hbm>> -> memref<1000003xf32, #tpu.memory_space<hbm>>
      %dma_start3A_1397 = arith.constant 0 : i32
      %dma_start3A_1398 = tpu.memref_slice %dma_start3A_1396[%dma_start3A_1397] : memref<1000003xf32, #tpu.memory_space<hbm>> -> memref<1000003xf32, #tpu.memory_space<hbm>>
      tpu.enqueue_indirect_dma source(%dma_start3A_1398 : memref<1000003xf32, #tpu.memory_space<hbm>>) target(%dma_start3A_1390 : memref<128xf32, #tpu.memory_space<vmem>>) offsets(%dma_start3A_1393 : memref<128xi32, #tpu.memory_space<vmem>>) semaphore(%arg16 : memref<!tpu.dma_semaphore, #tpu.memory_space<semaphore_mem>>)
      %dma_wait3A_1399 = arith.constant 0 : i32
      %dma_wait3A_1400 = arith.constant 0 : i32
      %dma_wait3A_1401 = arith.constant 0 : i32
      %dma_wait3A_1402 = arith.constant 0 : i32
      %dma_wait3A_1403 = tpu.memref_slice %arg9[%dma_wait3A_1400, %dma_wait3A_1401, %dma_wait3A_1402] : memref<1x512x64xf32, #tpu.memory_space<vmem>> -> memref<1x128x64xf32, #tpu.memory_space<vmem>>
      %dma_wait3A_1404 = tpu.memref_squeeze %dma_wait3A_1403 : memref<1x128x64xf32, #tpu.memory_space<vmem>> -> memref<128x64xf32, #tpu.memory_space<vmem>>
      %dma_wait3A_1405 = arith.constant 0 : i32
      %dma_wait3A_1406 = tpu.memref_slice %arg7[%dma_wait3A_1399, %dma_wait3A_1405] : memref<1x512xi32, #tpu.memory_space<vmem>> -> memref<1x128xi32, #tpu.memory_space<vmem>>
      %dma_wait3A_1407 = tpu.memref_squeeze %dma_wait3A_1406 : memref<1x128xi32, #tpu.memory_space<vmem>> -> memref<128xi32, #tpu.memory_space<vmem>>
      %dma_wait3A_1408 = arith.constant 0 : i32
      %dma_wait3A_1409 = arith.constant 0 : i32
      %dma_wait3A_1410 = tpu.memref_slice %arg3[%dma_wait3A_1408, %dma_wait3A_1409] : memref<1000003x64xf32, #tpu.memory_space<hbm>> -> memref<1000003x64xf32, #tpu.memory_space<hbm>>
      tpu.wait_indirect_dma semaphore(%arg15 : memref<!tpu.dma_semaphore, #tpu.memory_space<semaphore_mem>>) src(%dma_wait3A_1410 : memref<1000003x64xf32, #tpu.memory_space<hbm>>) dst(%dma_wait3A_1404 : memref<128x64xf32, #tpu.memory_space<vmem>>)
      %dma_wait3A_1411 = arith.constant 0 : i32
      %dma_wait3A_1412 = arith.constant 0 : i32
      %dma_wait3A_1413 = arith.constant 0 : i32
      %dma_wait3A_1414 = tpu.memref_slice %arg11[%dma_wait3A_1412, %dma_wait3A_1413] : memref<1x512xf32, #tpu.memory_space<vmem>> -> memref<1x128xf32, #tpu.memory_space<vmem>>
      %dma_wait3A_1415 = tpu.memref_squeeze %dma_wait3A_1414 : memref<1x128xf32, #tpu.memory_space<vmem>> -> memref<128xf32, #tpu.memory_space<vmem>>
      %dma_wait3A_1416 = arith.constant 0 : i32
      %dma_wait3A_1417 = tpu.memref_slice %arg7[%dma_wait3A_1411, %dma_wait3A_1416] : memref<1x512xi32, #tpu.memory_space<vmem>> -> memref<1x128xi32, #tpu.memory_space<vmem>>
      %dma_wait3A_1418 = tpu.memref_squeeze %dma_wait3A_1417 : memref<1x128xi32, #tpu.memory_space<vmem>> -> memref<128xi32, #tpu.memory_space<vmem>>
      %dma_wait3A_1419 = arith.constant 0 : i32
      %dma_wait3A_1420 = tpu.memref_slice %arg4[%scan3A_787, %dma_wait3A_1419] : memref<1x1000003xf32, #tpu.memory_space<hbm>> -> memref<1x1000003xf32, #tpu.memory_space<hbm>>
      %dma_wait3A_1421 = tpu.memref_squeeze %dma_wait3A_1420 : memref<1x1000003xf32, #tpu.memory_space<hbm>> -> memref<1000003xf32, #tpu.memory_space<hbm>>
      %dma_wait3A_1422 = arith.constant 0 : i32
      %dma_wait3A_1423 = tpu.memref_slice %dma_wait3A_1421[%dma_wait3A_1422] : memref<1000003xf32, #tpu.memory_space<hbm>> -> memref<1000003xf32, #tpu.memory_space<hbm>>
      tpu.wait_indirect_dma semaphore(%arg15 : memref<!tpu.dma_semaphore, #tpu.memory_space<semaphore_mem>>) src(%dma_wait3A_1423 : memref<1000003xf32, #tpu.memory_space<hbm>>) dst(%dma_wait3A_1415 : memref<128xf32, #tpu.memory_space<vmem>>)
      %dma_wait3A_1424 = arith.constant 0 : i32
      %dma_wait3A_1425 = arith.constant 0 : i32
      %dma_wait3A_1426 = arith.constant 128 : i32
      %dma_wait3A_1427 = arith.constant 0 : i32
      %dma_wait3A_1428 = tpu.memref_slice %arg9[%dma_wait3A_1425, %dma_wait3A_1426, %dma_wait3A_1427] : memref<1x512x64xf32, #tpu.memory_space<vmem>> -> memref<1x128x64xf32, #tpu.memory_space<vmem>>
      %dma_wait3A_1429 = tpu.memref_squeeze %dma_wait3A_1428 : memref<1x128x64xf32, #tpu.memory_space<vmem>> -> memref<128x64xf32, #tpu.memory_space<vmem>>
      %dma_wait3A_1430 = arith.constant 128 : i32
      %dma_wait3A_1431 = tpu.memref_slice %arg7[%dma_wait3A_1424, %dma_wait3A_1430] : memref<1x512xi32, #tpu.memory_space<vmem>> -> memref<1x128xi32, #tpu.memory_space<vmem>>
      %dma_wait3A_1432 = tpu.memref_squeeze %dma_wait3A_1431 : memref<1x128xi32, #tpu.memory_space<vmem>> -> memref<128xi32, #tpu.memory_space<vmem>>
      %dma_wait3A_1433 = arith.constant 0 : i32
      %dma_wait3A_1434 = arith.constant 0 : i32
      %dma_wait3A_1435 = tpu.memref_slice %arg3[%dma_wait3A_1433, %dma_wait3A_1434] : memref<1000003x64xf32, #tpu.memory_space<hbm>> -> memref<1000003x64xf32, #tpu.memory_space<hbm>>
      tpu.wait_indirect_dma semaphore(%arg15 : memref<!tpu.dma_semaphore, #tpu.memory_space<semaphore_mem>>) src(%dma_wait3A_1435 : memref<1000003x64xf32, #tpu.memory_space<hbm>>) dst(%dma_wait3A_1429 : memref<128x64xf32, #tpu.memory_space<vmem>>)
      %dma_wait3A_1436 = arith.constant 0 : i32
      %dma_wait3A_1437 = arith.constant 0 : i32
      %dma_wait3A_1438 = arith.constant 128 : i32
      %dma_wait3A_1439 = tpu.memref_slice %arg11[%dma_wait3A_1437, %dma_wait3A_1438] : memref<1x512xf32, #tpu.memory_space<vmem>> -> memref<1x128xf32, #tpu.memory_space<vmem>>
      %dma_wait3A_1440 = tpu.memref_squeeze %dma_wait3A_1439 : memref<1x128xf32, #tpu.memory_space<vmem>> -> memref<128xf32, #tpu.memory_space<vmem>>
      %dma_wait3A_1441 = arith.constant 128 : i32
      %dma_wait3A_1442 = tpu.memref_slice %arg7[%dma_wait3A_1436, %dma_wait3A_1441] : memref<1x512xi32, #tpu.memory_space<vmem>> -> memref<1x128xi32, #tpu.memory_space<vmem>>
      %dma_wait3A_1443 = tpu.memref_squeeze %dma_wait3A_1442 : memref<1x128xi32, #tpu.memory_space<vmem>> -> memref<128xi32, #tpu.memory_space<vmem>>
      %dma_wait3A_1444 = arith.constant 0 : i32
      %dma_wait3A_1445 = tpu.memref_slice %arg4[%scan3A_787, %dma_wait3A_1444] : memref<1x1000003xf32, #tpu.memory_space<hbm>> -> memref<1x1000003xf32, #tpu.memory_space<hbm>>
      %dma_wait3A_1446 = tpu.memref_squeeze %dma_wait3A_1445 : memref<1x1000003xf32, #tpu.memory_space<hbm>> -> memref<1000003xf32, #tpu.memory_space<hbm>>
      %dma_wait3A_1447 = arith.constant 0 : i32
      %dma_wait3A_1448 = tpu.memref_slice %dma_wait3A_1446[%dma_wait3A_1447] : memref<1000003xf32, #tpu.memory_space<hbm>> -> memref<1000003xf32, #tpu.memory_space<hbm>>
      tpu.wait_indirect_dma semaphore(%arg15 : memref<!tpu.dma_semaphore, #tpu.memory_space<semaphore_mem>>) src(%dma_wait3A_1448 : memref<1000003xf32, #tpu.memory_space<hbm>>) dst(%dma_wait3A_1440 : memref<128xf32, #tpu.memory_space<vmem>>)
      %dma_wait3A_1449 = arith.constant 0 : i32
      %dma_wait3A_1450 = arith.constant 0 : i32
      %dma_wait3A_1451 = arith.constant 256 : i32
      %dma_wait3A_1452 = arith.constant 0 : i32
      %dma_wait3A_1453 = tpu.memref_slice %arg9[%dma_wait3A_1450, %dma_wait3A_1451, %dma_wait3A_1452] : memref<1x512x64xf32, #tpu.memory_space<vmem>> -> memref<1x128x64xf32, #tpu.memory_space<vmem>>
      %dma_wait3A_1454 = tpu.memref_squeeze %dma_wait3A_1453 : memref<1x128x64xf32, #tpu.memory_space<vmem>> -> memref<128x64xf32, #tpu.memory_space<vmem>>
      %dma_wait3A_1455 = arith.constant 256 : i32
      %dma_wait3A_1456 = tpu.memref_slice %arg7[%dma_wait3A_1449, %dma_wait3A_1455] : memref<1x512xi32, #tpu.memory_space<vmem>> -> memref<1x128xi32, #tpu.memory_space<vmem>>
      %dma_wait3A_1457 = tpu.memref_squeeze %dma_wait3A_1456 : memref<1x128xi32, #tpu.memory_space<vmem>> -> memref<128xi32, #tpu.memory_space<vmem>>
      %dma_wait3A_1458 = arith.constant 0 : i32
      %dma_wait3A_1459 = arith.constant 0 : i32
      %dma_wait3A_1460 = tpu.memref_slice %arg3[%dma_wait3A_1458, %dma_wait3A_1459] : memref<1000003x64xf32, #tpu.memory_space<hbm>> -> memref<1000003x64xf32, #tpu.memory_space<hbm>>
      tpu.wait_indirect_dma semaphore(%arg15 : memref<!tpu.dma_semaphore, #tpu.memory_space<semaphore_mem>>) src(%dma_wait3A_1460 : memref<1000003x64xf32, #tpu.memory_space<hbm>>) dst(%dma_wait3A_1454 : memref<128x64xf32, #tpu.memory_space<vmem>>)
      %dma_wait3A_1461 = arith.constant 0 : i32
      %dma_wait3A_1462 = arith.constant 0 : i32
      %dma_wait3A_1463 = arith.constant 256 : i32
      %dma_wait3A_1464 = tpu.memref_slice %arg11[%dma_wait3A_1462, %dma_wait3A_1463] : memref<1x512xf32, #tpu.memory_space<vmem>> -> memref<1x128xf32, #tpu.memory_space<vmem>>
      %dma_wait3A_1465 = tpu.memref_squeeze %dma_wait3A_1464 : memref<1x128xf32, #tpu.memory_space<vmem>> -> memref<128xf32, #tpu.memory_space<vmem>>
      %dma_wait3A_1466 = arith.constant 256 : i32
      %dma_wait3A_1467 = tpu.memref_slice %arg7[%dma_wait3A_1461, %dma_wait3A_1466] : memref<1x512xi32, #tpu.memory_space<vmem>> -> memref<1x128xi32, #tpu.memory_space<vmem>>
      %dma_wait3A_1468 = tpu.memref_squeeze %dma_wait3A_1467 : memref<1x128xi32, #tpu.memory_space<vmem>> -> memref<128xi32, #tpu.memory_space<vmem>>
      %dma_wait3A_1469 = arith.constant 0 : i32
      %dma_wait3A_1470 = tpu.memref_slice %arg4[%scan3A_787, %dma_wait3A_1469] : memref<1x1000003xf32, #tpu.memory_space<hbm>> -> memref<1x1000003xf32, #tpu.memory_space<hbm>>
      %dma_wait3A_1471 = tpu.memref_squeeze %dma_wait3A_1470 : memref<1x1000003xf32, #tpu.memory_space<hbm>> -> memref<1000003xf32, #tpu.memory_space<hbm>>
      %dma_wait3A_1472 = arith.constant 0 : i32
      %dma_wait3A_1473 = tpu.memref_slice %dma_wait3A_1471[%dma_wait3A_1472] : memref<1000003xf32, #tpu.memory_space<hbm>> -> memref<1000003xf32, #tpu.memory_space<hbm>>
      tpu.wait_indirect_dma semaphore(%arg15 : memref<!tpu.dma_semaphore, #tpu.memory_space<semaphore_mem>>) src(%dma_wait3A_1473 : memref<1000003xf32, #tpu.memory_space<hbm>>) dst(%dma_wait3A_1465 : memref<128xf32, #tpu.memory_space<vmem>>)
      %dma_wait3A_1474 = arith.constant 0 : i32
      %dma_wait3A_1475 = arith.constant 0 : i32
      %dma_wait3A_1476 = arith.constant 384 : i32
      %dma_wait3A_1477 = arith.constant 0 : i32
      %dma_wait3A_1478 = tpu.memref_slice %arg9[%dma_wait3A_1475, %dma_wait3A_1476, %dma_wait3A_1477] : memref<1x512x64xf32, #tpu.memory_space<vmem>> -> memref<1x128x64xf32, #tpu.memory_space<vmem>>
      %dma_wait3A_1479 = tpu.memref_squeeze %dma_wait3A_1478 : memref<1x128x64xf32, #tpu.memory_space<vmem>> -> memref<128x64xf32, #tpu.memory_space<vmem>>
      %dma_wait3A_1480 = arith.constant 384 : i32
      %dma_wait3A_1481 = tpu.memref_slice %arg7[%dma_wait3A_1474, %dma_wait3A_1480] : memref<1x512xi32, #tpu.memory_space<vmem>> -> memref<1x128xi32, #tpu.memory_space<vmem>>
      %dma_wait3A_1482 = tpu.memref_squeeze %dma_wait3A_1481 : memref<1x128xi32, #tpu.memory_space<vmem>> -> memref<128xi32, #tpu.memory_space<vmem>>
      %dma_wait3A_1483 = arith.constant 0 : i32
      %dma_wait3A_1484 = arith.constant 0 : i32
      %dma_wait3A_1485 = tpu.memref_slice %arg3[%dma_wait3A_1483, %dma_wait3A_1484] : memref<1000003x64xf32, #tpu.memory_space<hbm>> -> memref<1000003x64xf32, #tpu.memory_space<hbm>>
      tpu.wait_indirect_dma semaphore(%arg15 : memref<!tpu.dma_semaphore, #tpu.memory_space<semaphore_mem>>) src(%dma_wait3A_1485 : memref<1000003x64xf32, #tpu.memory_space<hbm>>) dst(%dma_wait3A_1479 : memref<128x64xf32, #tpu.memory_space<vmem>>)
      %dma_wait3A_1486 = arith.constant 0 : i32
      %dma_wait3A_1487 = arith.constant 0 : i32
      %dma_wait3A_1488 = arith.constant 384 : i32
      %dma_wait3A_1489 = tpu.memref_slice %arg11[%dma_wait3A_1487, %dma_wait3A_1488] : memref<1x512xf32, #tpu.memory_space<vmem>> -> memref<1x128xf32, #tpu.memory_space<vmem>>
      %dma_wait3A_1490 = tpu.memref_squeeze %dma_wait3A_1489 : memref<1x128xf32, #tpu.memory_space<vmem>> -> memref<128xf32, #tpu.memory_space<vmem>>
      %dma_wait3A_1491 = arith.constant 384 : i32
      %dma_wait3A_1492 = tpu.memref_slice %arg7[%dma_wait3A_1486, %dma_wait3A_1491] : memref<1x512xi32, #tpu.memory_space<vmem>> -> memref<1x128xi32, #tpu.memory_space<vmem>>
      %dma_wait3A_1493 = tpu.memref_squeeze %dma_wait3A_1492 : memref<1x128xi32, #tpu.memory_space<vmem>> -> memref<128xi32, #tpu.memory_space<vmem>>
      %dma_wait3A_1494 = arith.constant 0 : i32
      %dma_wait3A_1495 = tpu.memref_slice %arg4[%scan3A_787, %dma_wait3A_1494] : memref<1x1000003xf32, #tpu.memory_space<hbm>> -> memref<1x1000003xf32, #tpu.memory_space<hbm>>
      %dma_wait3A_1496 = tpu.memref_squeeze %dma_wait3A_1495 : memref<1x1000003xf32, #tpu.memory_space<hbm>> -> memref<1000003xf32, #tpu.memory_space<hbm>>
      %dma_wait3A_1497 = arith.constant 0 : i32
      %dma_wait3A_1498 = tpu.memref_slice %dma_wait3A_1496[%dma_wait3A_1497] : memref<1000003xf32, #tpu.memory_space<hbm>> -> memref<1000003xf32, #tpu.memory_space<hbm>>
      tpu.wait_indirect_dma semaphore(%arg15 : memref<!tpu.dma_semaphore, #tpu.memory_space<semaphore_mem>>) src(%dma_wait3A_1498 : memref<1000003xf32, #tpu.memory_space<hbm>>) dst(%dma_wait3A_1490 : memref<128xf32, #tpu.memory_space<vmem>>)
      %add3A_1499 = arith.addi %mul3A_2, %mul3A_991 : i32
      %jit3A_1500 = arith.constant 8 : i32
      %div3A_1501 = arith.divsi %add3A_1499, %jit3A_1500 : i32
      %sign3A_1502 = arith.constant 0 : i32
      %sign3A_1503 = arith.cmpi sgt, %add3A_1499, %sign3A_1502 : i32
      %sign3A_1504 = arith.extui %sign3A_1503 : i1 to i32
      %sign3A_1505 = arith.constant 0 : i32
      %sign3A_1506 = arith.cmpi slt, %add3A_1499, %sign3A_1505 : i32
      %sign3A_1507 = arith.extui %sign3A_1506 : i1 to i32
      %sign3A_1508 = arith.subi %sign3A_1504, %sign3A_1507 : i32
      %sign3A_1509 = arith.constant 0 : i32
      %sign3A_1510 = arith.cmpi sgt, %jit3A_1500, %sign3A_1509 : i32
      %sign3A_1511 = arith.extui %sign3A_1510 : i1 to i32
      %sign3A_1512 = arith.constant 0 : i32
      %sign3A_1513 = arith.cmpi slt, %jit3A_1500, %sign3A_1512 : i32
      %sign3A_1514 = arith.extui %sign3A_1513 : i1 to i32
      %sign3A_1515 = arith.subi %sign3A_1511, %sign3A_1514 : i32
      %ne3A_1516 = arith.cmpi ne, %sign3A_1508, %sign3A_1515 : i32
      %rem3A_1517 = arith.remsi %add3A_1499, %jit3A_1500 : i32
      %ne3A_1518 = arith.constant 0 : i32
      %ne3A_1519 = arith.cmpi ne, %rem3A_1517, %ne3A_1518 : i32
      %and3A_1520 = arith.andi %ne3A_1516, %ne3A_1519 : i1
      %sub3A_1521 = arith.constant 1 : i32
      %sub3A_1522 = arith.subi %div3A_1501, %sub3A_1521 : i32
      %select_n3A_1523 = arith.select %and3A_1520, %sub3A_1522, %div3A_1501 : i32
      %jit3A_1524 = arith.constant 8 : i32
      %eq3A_1525 = arith.constant 0 : i32
      %eq3A_1526 = arith.cmpi eq, %jit3A_1524, %eq3A_1525 : i32
      %jit3A_1527 = arith.constant 1 : i32
      %select_n3A_1528 = arith.select %eq3A_1526, %jit3A_1527, %jit3A_1524 : i32
      %rem3A_1529 = arith.remsi %add3A_1499, %select_n3A_1528 : i32
      %ne3A_1530 = arith.constant 0 : i32
      %ne3A_1531 = arith.cmpi ne, %rem3A_1529, %ne3A_1530 : i32
      %lt3A_1532 = arith.constant 0 : i32
      %lt3A_1533 = arith.cmpi slt, %rem3A_1529, %lt3A_1532 : i32
      %lt3A_1534 = arith.constant 0 : i32
      %lt3A_1535 = arith.cmpi slt, %select_n3A_1528, %lt3A_1534 : i32
      %ne3A_1536 = arith.xori %lt3A_1533, %lt3A_1535 : i1
      %and3A_1537 = arith.andi %ne3A_1536, %ne3A_1531 : i1
      %add3A_1538 = arith.addi %rem3A_1529, %select_n3A_1528 : i32
      %select_n3A_1539 = arith.select %and3A_1537, %add3A_1538, %rem3A_1529 : i32
      %mul3A_1540 = arith.constant 512 : i32
      %mul3A_1541 = arith.muli %select_n3A_1539, %mul3A_1540 : i32
      %mul3A_1542 = arith.constant 512 : i32
      %mul3A_1543 = arith.muli %add3A_1499, %mul3A_1542 : i32
      %dma_start3A_1544 = arith.constant 0 : i32
      %dma_start3A_1545 = tpu.memref_slice %arg5[%select_n3A_1523, %mul3A_1541, %dma_start3A_1544] : memref<200x4096x128xf32, #tpu.memory_space<hbm>> -> memref<1x512x64xf32, #tpu.memory_space<hbm>>
      %dma_start3A_1546 = arith.constant 0 : i32
      %dma_start3A_1547 = tpu.memref_slice %arg5[%select_n3A_1523, %mul3A_1541, %dma_start3A_1546] : memref<200x4096x128xf32, #tpu.memory_space<hbm>> -> memref<1x512x64xf32, #tpu.memory_space<hbm>>
      tpu.enqueue_dma source(%arg9 : memref<1x512x64xf32, #tpu.memory_space<vmem>>) target(%dma_start3A_1547 : memref<1x512x64xf32, #tpu.memory_space<hbm>>) target_semaphore(%arg17 : memref<!tpu.dma_semaphore, #tpu.memory_space<semaphore_mem>>)
      %dma_start3A_1548 = tpu.memref_slice %arg6[%select_n3A_1523, %mul3A_1541] : memref<200x4096xf32, #tpu.memory_space<hbm>> -> memref<1x512xf32, #tpu.memory_space<hbm>>
      %dma_start3A_1549 = tpu.memref_slice %arg6[%select_n3A_1523, %mul3A_1541] : memref<200x4096xf32, #tpu.memory_space<hbm>> -> memref<1x512xf32, #tpu.memory_space<hbm>>
      tpu.enqueue_dma source(%arg11 : memref<1x512xf32, #tpu.memory_space<vmem>>) target(%dma_start3A_1549 : memref<1x512xf32, #tpu.memory_space<hbm>>) target_semaphore(%arg17 : memref<!tpu.dma_semaphore, #tpu.memory_space<semaphore_mem>>)
      %add3A_1550 = arith.addi %mul3A_2, %min3A_998 : i32
      %jit3A_1551 = arith.constant 8 : i32
      %div3A_1552 = arith.divsi %add3A_1550, %jit3A_1551 : i32
      %sign3A_1553 = arith.constant 0 : i32
      %sign3A_1554 = arith.cmpi sgt, %add3A_1550, %sign3A_1553 : i32
      %sign3A_1555 = arith.extui %sign3A_1554 : i1 to i32
      %sign3A_1556 = arith.constant 0 : i32
      %sign3A_1557 = arith.cmpi slt, %add3A_1550, %sign3A_1556 : i32
      %sign3A_1558 = arith.extui %sign3A_1557 : i1 to i32
      %sign3A_1559 = arith.subi %sign3A_1555, %sign3A_1558 : i32
      %sign3A_1560 = arith.constant 0 : i32
      %sign3A_1561 = arith.cmpi sgt, %jit3A_1551, %sign3A_1560 : i32
      %sign3A_1562 = arith.extui %sign3A_1561 : i1 to i32
      %sign3A_1563 = arith.constant 0 : i32
      %sign3A_1564 = arith.cmpi slt, %jit3A_1551, %sign3A_1563 : i32
      %sign3A_1565 = arith.extui %sign3A_1564 : i1 to i32
      %sign3A_1566 = arith.subi %sign3A_1562, %sign3A_1565 : i32
      %ne3A_1567 = arith.cmpi ne, %sign3A_1559, %sign3A_1566 : i32
      %rem3A_1568 = arith.remsi %add3A_1550, %jit3A_1551 : i32
      %ne3A_1569 = arith.constant 0 : i32
      %ne3A_1570 = arith.cmpi ne, %rem3A_1568, %ne3A_1569 : i32
      %and3A_1571 = arith.andi %ne3A_1567, %ne3A_1570 : i1
      %sub3A_1572 = arith.constant 1 : i32
      %sub3A_1573 = arith.subi %div3A_1552, %sub3A_1572 : i32
      %select_n3A_1574 = arith.select %and3A_1571, %sub3A_1573, %div3A_1552 : i32
      %jit3A_1575 = arith.constant 8 : i32
      %eq3A_1576 = arith.constant 0 : i32
      %eq3A_1577 = arith.cmpi eq, %jit3A_1575, %eq3A_1576 : i32
      %jit3A_1578 = arith.constant 1 : i32
      %select_n3A_1579 = arith.select %eq3A_1577, %jit3A_1578, %jit3A_1575 : i32
      %rem3A_1580 = arith.remsi %add3A_1550, %select_n3A_1579 : i32
      %ne3A_1581 = arith.constant 0 : i32
      %ne3A_1582 = arith.cmpi ne, %rem3A_1580, %ne3A_1581 : i32
      %lt3A_1583 = arith.constant 0 : i32
      %lt3A_1584 = arith.cmpi slt, %rem3A_1580, %lt3A_1583 : i32
      %lt3A_1585 = arith.constant 0 : i32
      %lt3A_1586 = arith.cmpi slt, %select_n3A_1579, %lt3A_1585 : i32
      %ne3A_1587 = arith.xori %lt3A_1584, %lt3A_1586 : i1
      %and3A_1588 = arith.andi %ne3A_1587, %ne3A_1582 : i1
      %add3A_1589 = arith.addi %rem3A_1580, %select_n3A_1579 : i32
      %select_n3A_1590 = arith.select %and3A_1588, %add3A_1589, %rem3A_1580 : i32
      %mul3A_1591 = arith.constant 512 : i32
      %mul3A_1592 = arith.muli %select_n3A_1590, %mul3A_1591 : i32
      %dma_start3A_1593 = tpu.memref_slice %arg2[%select_n3A_1574, %mul3A_1592] : memref<200x4096xi32, #tpu.memory_space<hbm>> -> memref<1x512xi32, #tpu.memory_space<hbm>>
      %dma_start3A_1594 = tpu.memref_slice %arg2[%select_n3A_1574, %mul3A_1592] : memref<200x4096xi32, #tpu.memory_space<hbm>> -> memref<1x512xi32, #tpu.memory_space<hbm>>
      tpu.enqueue_dma source(%dma_start3A_1594 : memref<1x512xi32, #tpu.memory_space<hbm>>) target(%arg7 : memref<1x512xi32, #tpu.memory_space<vmem>>) target_semaphore(%arg13 : memref<!tpu.dma_semaphore, #tpu.memory_space<semaphore_mem>>)
      %dma_wait3A_1595 = arith.constant 0 : i32
      %dma_wait3A_1596 = arith.constant 0 : i32
      %dma_wait3A_1597 = arith.constant 0 : i32
      %dma_wait3A_1598 = arith.constant 0 : i32
      %dma_wait3A_1599 = tpu.memref_slice %arg10[%dma_wait3A_1596, %dma_wait3A_1597, %dma_wait3A_1598] : memref<1x512x64xf32, #tpu.memory_space<vmem>> -> memref<1x128x64xf32, #tpu.memory_space<vmem>>
      %dma_wait3A_1600 = tpu.memref_squeeze %dma_wait3A_1599 : memref<1x128x64xf32, #tpu.memory_space<vmem>> -> memref<128x64xf32, #tpu.memory_space<vmem>>
      %dma_wait3A_1601 = arith.constant 0 : i32
      %dma_wait3A_1602 = tpu.memref_slice %arg8[%dma_wait3A_1595, %dma_wait3A_1601] : memref<1x512xi32, #tpu.memory_space<vmem>> -> memref<1x128xi32, #tpu.memory_space<vmem>>
      %dma_wait3A_1603 = tpu.memref_squeeze %dma_wait3A_1602 : memref<1x128xi32, #tpu.memory_space<vmem>> -> memref<128xi32, #tpu.memory_space<vmem>>
      %dma_wait3A_1604 = arith.constant 0 : i32
      %dma_wait3A_1605 = arith.constant 0 : i32
      %dma_wait3A_1606 = tpu.memref_slice %arg3[%dma_wait3A_1604, %dma_wait3A_1605] : memref<1000003x64xf32, #tpu.memory_space<hbm>> -> memref<1000003x64xf32, #tpu.memory_space<hbm>>
      tpu.wait_indirect_dma semaphore(%arg16 : memref<!tpu.dma_semaphore, #tpu.memory_space<semaphore_mem>>) src(%dma_wait3A_1606 : memref<1000003x64xf32, #tpu.memory_space<hbm>>) dst(%dma_wait3A_1600 : memref<128x64xf32, #tpu.memory_space<vmem>>)
      %dma_wait3A_1607 = arith.constant 0 : i32
      %dma_wait3A_1608 = arith.constant 0 : i32
      %dma_wait3A_1609 = arith.constant 0 : i32
      %dma_wait3A_1610 = tpu.memref_slice %arg12[%dma_wait3A_1608, %dma_wait3A_1609] : memref<1x512xf32, #tpu.memory_space<vmem>> -> memref<1x128xf32, #tpu.memory_space<vmem>>
      %dma_wait3A_1611 = tpu.memref_squeeze %dma_wait3A_1610 : memref<1x128xf32, #tpu.memory_space<vmem>> -> memref<128xf32, #tpu.memory_space<vmem>>
      %dma_wait3A_1612 = arith.constant 0 : i32
      %dma_wait3A_1613 = tpu.memref_slice %arg8[%dma_wait3A_1607, %dma_wait3A_1612] : memref<1x512xi32, #tpu.memory_space<vmem>> -> memref<1x128xi32, #tpu.memory_space<vmem>>
      %dma_wait3A_1614 = tpu.memref_squeeze %dma_wait3A_1613 : memref<1x128xi32, #tpu.memory_space<vmem>> -> memref<128xi32, #tpu.memory_space<vmem>>
      %dma_wait3A_1615 = arith.constant 0 : i32
      %dma_wait3A_1616 = tpu.memref_slice %arg4[%scan3A_787, %dma_wait3A_1615] : memref<1x1000003xf32, #tpu.memory_space<hbm>> -> memref<1x1000003xf32, #tpu.memory_space<hbm>>
      %dma_wait3A_1617 = tpu.memref_squeeze %dma_wait3A_1616 : memref<1x1000003xf32, #tpu.memory_space<hbm>> -> memref<1000003xf32, #tpu.memory_space<hbm>>
      %dma_wait3A_1618 = arith.constant 0 : i32
      %dma_wait3A_1619 = tpu.memref_slice %dma_wait3A_1617[%dma_wait3A_1618] : memref<1000003xf32, #tpu.memory_space<hbm>> -> memref<1000003xf32, #tpu.memory_space<hbm>>
      tpu.wait_indirect_dma semaphore(%arg16 : memref<!tpu.dma_semaphore, #tpu.memory_space<semaphore_mem>>) src(%dma_wait3A_1619 : memref<1000003xf32, #tpu.memory_space<hbm>>) dst(%dma_wait3A_1611 : memref<128xf32, #tpu.memory_space<vmem>>)
      %dma_wait3A_1620 = arith.constant 0 : i32
      %dma_wait3A_1621 = arith.constant 0 : i32
      %dma_wait3A_1622 = arith.constant 128 : i32
      %dma_wait3A_1623 = arith.constant 0 : i32
      %dma_wait3A_1624 = tpu.memref_slice %arg10[%dma_wait3A_1621, %dma_wait3A_1622, %dma_wait3A_1623] : memref<1x512x64xf32, #tpu.memory_space<vmem>> -> memref<1x128x64xf32, #tpu.memory_space<vmem>>
      %dma_wait3A_1625 = tpu.memref_squeeze %dma_wait3A_1624 : memref<1x128x64xf32, #tpu.memory_space<vmem>> -> memref<128x64xf32, #tpu.memory_space<vmem>>
      %dma_wait3A_1626 = arith.constant 128 : i32
      %dma_wait3A_1627 = tpu.memref_slice %arg8[%dma_wait3A_1620, %dma_wait3A_1626] : memref<1x512xi32, #tpu.memory_space<vmem>> -> memref<1x128xi32, #tpu.memory_space<vmem>>
      %dma_wait3A_1628 = tpu.memref_squeeze %dma_wait3A_1627 : memref<1x128xi32, #tpu.memory_space<vmem>> -> memref<128xi32, #tpu.memory_space<vmem>>
      %dma_wait3A_1629 = arith.constant 0 : i32
      %dma_wait3A_1630 = arith.constant 0 : i32
      %dma_wait3A_1631 = tpu.memref_slice %arg3[%dma_wait3A_1629, %dma_wait3A_1630] : memref<1000003x64xf32, #tpu.memory_space<hbm>> -> memref<1000003x64xf32, #tpu.memory_space<hbm>>
      tpu.wait_indirect_dma semaphore(%arg16 : memref<!tpu.dma_semaphore, #tpu.memory_space<semaphore_mem>>) src(%dma_wait3A_1631 : memref<1000003x64xf32, #tpu.memory_space<hbm>>) dst(%dma_wait3A_1625 : memref<128x64xf32, #tpu.memory_space<vmem>>)
      %dma_wait3A_1632 = arith.constant 0 : i32
      %dma_wait3A_1633 = arith.constant 0 : i32
      %dma_wait3A_1634 = arith.constant 128 : i32
      %dma_wait3A_1635 = tpu.memref_slice %arg12[%dma_wait3A_1633, %dma_wait3A_1634] : memref<1x512xf32, #tpu.memory_space<vmem>> -> memref<1x128xf32, #tpu.memory_space<vmem>>
      %dma_wait3A_1636 = tpu.memref_squeeze %dma_wait3A_1635 : memref<1x128xf32, #tpu.memory_space<vmem>> -> memref<128xf32, #tpu.memory_space<vmem>>
      %dma_wait3A_1637 = arith.constant 128 : i32
      %dma_wait3A_1638 = tpu.memref_slice %arg8[%dma_wait3A_1632, %dma_wait3A_1637] : memref<1x512xi32, #tpu.memory_space<vmem>> -> memref<1x128xi32, #tpu.memory_space<vmem>>
      %dma_wait3A_1639 = tpu.memref_squeeze %dma_wait3A_1638 : memref<1x128xi32, #tpu.memory_space<vmem>> -> memref<128xi32, #tpu.memory_space<vmem>>
      %dma_wait3A_1640 = arith.constant 0 : i32
      %dma_wait3A_1641 = tpu.memref_slice %arg4[%scan3A_787, %dma_wait3A_1640] : memref<1x1000003xf32, #tpu.memory_space<hbm>> -> memref<1x1000003xf32, #tpu.memory_space<hbm>>
      %dma_wait3A_1642 = tpu.memref_squeeze %dma_wait3A_1641 : memref<1x1000003xf32, #tpu.memory_space<hbm>> -> memref<1000003xf32, #tpu.memory_space<hbm>>
      %dma_wait3A_1643 = arith.constant 0 : i32
      %dma_wait3A_1644 = tpu.memref_slice %dma_wait3A_1642[%dma_wait3A_1643] : memref<1000003xf32, #tpu.memory_space<hbm>> -> memref<1000003xf32, #tpu.memory_space<hbm>>
      tpu.wait_indirect_dma semaphore(%arg16 : memref<!tpu.dma_semaphore, #tpu.memory_space<semaphore_mem>>) src(%dma_wait3A_1644 : memref<1000003xf32, #tpu.memory_space<hbm>>) dst(%dma_wait3A_1636 : memref<128xf32, #tpu.memory_space<vmem>>)
      %dma_wait3A_1645 = arith.constant 0 : i32
      %dma_wait3A_1646 = arith.constant 0 : i32
      %dma_wait3A_1647 = arith.constant 256 : i32
      %dma_wait3A_1648 = arith.constant 0 : i32
      %dma_wait3A_1649 = tpu.memref_slice %arg10[%dma_wait3A_1646, %dma_wait3A_1647, %dma_wait3A_1648] : memref<1x512x64xf32, #tpu.memory_space<vmem>> -> memref<1x128x64xf32, #tpu.memory_space<vmem>>
      %dma_wait3A_1650 = tpu.memref_squeeze %dma_wait3A_1649 : memref<1x128x64xf32, #tpu.memory_space<vmem>> -> memref<128x64xf32, #tpu.memory_space<vmem>>
      %dma_wait3A_1651 = arith.constant 256 : i32
      %dma_wait3A_1652 = tpu.memref_slice %arg8[%dma_wait3A_1645, %dma_wait3A_1651] : memref<1x512xi32, #tpu.memory_space<vmem>> -> memref<1x128xi32, #tpu.memory_space<vmem>>
      %dma_wait3A_1653 = tpu.memref_squeeze %dma_wait3A_1652 : memref<1x128xi32, #tpu.memory_space<vmem>> -> memref<128xi32, #tpu.memory_space<vmem>>
      %dma_wait3A_1654 = arith.constant 0 : i32
      %dma_wait3A_1655 = arith.constant 0 : i32
      %dma_wait3A_1656 = tpu.memref_slice %arg3[%dma_wait3A_1654, %dma_wait3A_1655] : memref<1000003x64xf32, #tpu.memory_space<hbm>> -> memref<1000003x64xf32, #tpu.memory_space<hbm>>
      tpu.wait_indirect_dma semaphore(%arg16 : memref<!tpu.dma_semaphore, #tpu.memory_space<semaphore_mem>>) src(%dma_wait3A_1656 : memref<1000003x64xf32, #tpu.memory_space<hbm>>) dst(%dma_wait3A_1650 : memref<128x64xf32, #tpu.memory_space<vmem>>)
      %dma_wait3A_1657 = arith.constant 0 : i32
      %dma_wait3A_1658 = arith.constant 0 : i32
      %dma_wait3A_1659 = arith.constant 256 : i32
      %dma_wait3A_1660 = tpu.memref_slice %arg12[%dma_wait3A_1658, %dma_wait3A_1659] : memref<1x512xf32, #tpu.memory_space<vmem>> -> memref<1x128xf32, #tpu.memory_space<vmem>>
      %dma_wait3A_1661 = tpu.memref_squeeze %dma_wait3A_1660 : memref<1x128xf32, #tpu.memory_space<vmem>> -> memref<128xf32, #tpu.memory_space<vmem>>
      %dma_wait3A_1662 = arith.constant 256 : i32
      %dma_wait3A_1663 = tpu.memref_slice %arg8[%dma_wait3A_1657, %dma_wait3A_1662] : memref<1x512xi32, #tpu.memory_space<vmem>> -> memref<1x128xi32, #tpu.memory_space<vmem>>
      %dma_wait3A_1664 = tpu.memref_squeeze %dma_wait3A_1663 : memref<1x128xi32, #tpu.memory_space<vmem>> -> memref<128xi32, #tpu.memory_space<vmem>>
      %dma_wait3A_1665 = arith.constant 0 : i32
      %dma_wait3A_1666 = tpu.memref_slice %arg4[%scan3A_787, %dma_wait3A_1665] : memref<1x1000003xf32, #tpu.memory_space<hbm>> -> memref<1x1000003xf32, #tpu.memory_space<hbm>>
      %dma_wait3A_1667 = tpu.memref_squeeze %dma_wait3A_1666 : memref<1x1000003xf32, #tpu.memory_space<hbm>> -> memref<1000003xf32, #tpu.memory_space<hbm>>
      %dma_wait3A_1668 = arith.constant 0 : i32
      %dma_wait3A_1669 = tpu.memref_slice %dma_wait3A_1667[%dma_wait3A_1668] : memref<1000003xf32, #tpu.memory_space<hbm>> -> memref<1000003xf32, #tpu.memory_space<hbm>>
      tpu.wait_indirect_dma semaphore(%arg16 : memref<!tpu.dma_semaphore, #tpu.memory_space<semaphore_mem>>) src(%dma_wait3A_1669 : memref<1000003xf32, #tpu.memory_space<hbm>>) dst(%dma_wait3A_1661 : memref<128xf32, #tpu.memory_space<vmem>>)
      %dma_wait3A_1670 = arith.constant 0 : i32
      %dma_wait3A_1671 = arith.constant 0 : i32
      %dma_wait3A_1672 = arith.constant 384 : i32
      %dma_wait3A_1673 = arith.constant 0 : i32
      %dma_wait3A_1674 = tpu.memref_slice %arg10[%dma_wait3A_1671, %dma_wait3A_1672, %dma_wait3A_1673] : memref<1x512x64xf32, #tpu.memory_space<vmem>> -> memref<1x128x64xf32, #tpu.memory_space<vmem>>
      %dma_wait3A_1675 = tpu.memref_squeeze %dma_wait3A_1674 : memref<1x128x64xf32, #tpu.memory_space<vmem>> -> memref<128x64xf32, #tpu.memory_space<vmem>>
      %dma_wait3A_1676 = arith.constant 384 : i32
      %dma_wait3A_1677 = tpu.memref_slice %arg8[%dma_wait3A_1670, %dma_wait3A_1676] : memref<1x512xi32, #tpu.memory_space<vmem>> -> memref<1x128xi32, #tpu.memory_space<vmem>>
      %dma_wait3A_1678 = tpu.memref_squeeze %dma_wait3A_1677 : memref<1x128xi32, #tpu.memory_space<vmem>> -> memref<128xi32, #tpu.memory_space<vmem>>
      %dma_wait3A_1679 = arith.constant 0 : i32
      %dma_wait3A_1680 = arith.constant 0 : i32
      %dma_wait3A_1681 = tpu.memref_slice %arg3[%dma_wait3A_1679, %dma_wait3A_1680] : memref<1000003x64xf32, #tpu.memory_space<hbm>> -> memref<1000003x64xf32, #tpu.memory_space<hbm>>
      tpu.wait_indirect_dma semaphore(%arg16 : memref<!tpu.dma_semaphore, #tpu.memory_space<semaphore_mem>>) src(%dma_wait3A_1681 : memref<1000003x64xf32, #tpu.memory_space<hbm>>) dst(%dma_wait3A_1675 : memref<128x64xf32, #tpu.memory_space<vmem>>)
      %dma_wait3A_1682 = arith.constant 0 : i32
      %dma_wait3A_1683 = arith.constant 0 : i32
      %dma_wait3A_1684 = arith.constant 384 : i32
      %dma_wait3A_1685 = tpu.memref_slice %arg12[%dma_wait3A_1683, %dma_wait3A_1684] : memref<1x512xf32, #tpu.memory_space<vmem>> -> memref<1x128xf32, #tpu.memory_space<vmem>>
      %dma_wait3A_1686 = tpu.memref_squeeze %dma_wait3A_1685 : memref<1x128xf32, #tpu.memory_space<vmem>> -> memref<128xf32, #tpu.memory_space<vmem>>
      %dma_wait3A_1687 = arith.constant 384 : i32
      %dma_wait3A_1688 = tpu.memref_slice %arg8[%dma_wait3A_1682, %dma_wait3A_1687] : memref<1x512xi32, #tpu.memory_space<vmem>> -> memref<1x128xi32, #tpu.memory_space<vmem>>
      %dma_wait3A_1689 = tpu.memref_squeeze %dma_wait3A_1688 : memref<1x128xi32, #tpu.memory_space<vmem>> -> memref<128xi32, #tpu.memory_space<vmem>>
      %dma_wait3A_1690 = arith.constant 0 : i32
      %dma_wait3A_1691 = tpu.memref_slice %arg4[%scan3A_787, %dma_wait3A_1690] : memref<1x1000003xf32, #tpu.memory_space<hbm>> -> memref<1x1000003xf32, #tpu.memory_space<hbm>>
      %dma_wait3A_1692 = tpu.memref_squeeze %dma_wait3A_1691 : memref<1x1000003xf32, #tpu.memory_space<hbm>> -> memref<1000003xf32, #tpu.memory_space<hbm>>
      %dma_wait3A_1693 = arith.constant 0 : i32
      %dma_wait3A_1694 = tpu.memref_slice %dma_wait3A_1692[%dma_wait3A_1693] : memref<1000003xf32, #tpu.memory_space<hbm>> -> memref<1000003xf32, #tpu.memory_space<hbm>>
      tpu.wait_indirect_dma semaphore(%arg16 : memref<!tpu.dma_semaphore, #tpu.memory_space<semaphore_mem>>) src(%dma_wait3A_1694 : memref<1000003xf32, #tpu.memory_space<hbm>>) dst(%dma_wait3A_1686 : memref<128xf32, #tpu.memory_space<vmem>>)
      %add3A_1695 = arith.addi %mul3A_2, %add3A_995 : i32
      %jit3A_1696 = arith.constant 8 : i32
      %div3A_1697 = arith.divsi %add3A_1695, %jit3A_1696 : i32
      %sign3A_1698 = arith.constant 0 : i32
      %sign3A_1699 = arith.cmpi sgt, %add3A_1695, %sign3A_1698 : i32
      %sign3A_1700 = arith.extui %sign3A_1699 : i1 to i32
      %sign3A_1701 = arith.constant 0 : i32
      %sign3A_1702 = arith.cmpi slt, %add3A_1695, %sign3A_1701 : i32
      %sign3A_1703 = arith.extui %sign3A_1702 : i1 to i32
      %sign3A_1704 = arith.subi %sign3A_1700, %sign3A_1703 : i32
      %sign3A_1705 = arith.constant 0 : i32
      %sign3A_1706 = arith.cmpi sgt, %jit3A_1696, %sign3A_1705 : i32
      %sign3A_1707 = arith.extui %sign3A_1706 : i1 to i32
      %sign3A_1708 = arith.constant 0 : i32
      %sign3A_1709 = arith.cmpi slt, %jit3A_1696, %sign3A_1708 : i32
      %sign3A_1710 = arith.extui %sign3A_1709 : i1 to i32
      %sign3A_1711 = arith.subi %sign3A_1707, %sign3A_1710 : i32
      %ne3A_1712 = arith.cmpi ne, %sign3A_1704, %sign3A_1711 : i32
      %rem3A_1713 = arith.remsi %add3A_1695, %jit3A_1696 : i32
      %ne3A_1714 = arith.constant 0 : i32
      %ne3A_1715 = arith.cmpi ne, %rem3A_1713, %ne3A_1714 : i32
      %and3A_1716 = arith.andi %ne3A_1712, %ne3A_1715 : i1
      %sub3A_1717 = arith.constant 1 : i32
      %sub3A_1718 = arith.subi %div3A_1697, %sub3A_1717 : i32
      %select_n3A_1719 = arith.select %and3A_1716, %sub3A_1718, %div3A_1697 : i32
      %jit3A_1720 = arith.constant 8 : i32
      %eq3A_1721 = arith.constant 0 : i32
      %eq3A_1722 = arith.cmpi eq, %jit3A_1720, %eq3A_1721 : i32
      %jit3A_1723 = arith.constant 1 : i32
      %select_n3A_1724 = arith.select %eq3A_1722, %jit3A_1723, %jit3A_1720 : i32
      %rem3A_1725 = arith.remsi %add3A_1695, %select_n3A_1724 : i32
      %ne3A_1726 = arith.constant 0 : i32
      %ne3A_1727 = arith.cmpi ne, %rem3A_1725, %ne3A_1726 : i32
      %lt3A_1728 = arith.constant 0 : i32
      %lt3A_1729 = arith.cmpi slt, %rem3A_1725, %lt3A_1728 : i32
      %lt3A_1730 = arith.constant 0 : i32
      %lt3A_1731 = arith.cmpi slt, %select_n3A_1724, %lt3A_1730 : i32
      %ne3A_1732 = arith.xori %lt3A_1729, %lt3A_1731 : i1
      %and3A_1733 = arith.andi %ne3A_1732, %ne3A_1727 : i1
      %add3A_1734 = arith.addi %rem3A_1725, %select_n3A_1724 : i32
      %select_n3A_1735 = arith.select %and3A_1733, %add3A_1734, %rem3A_1725 : i32
      %mul3A_1736 = arith.constant 512 : i32
      %mul3A_1737 = arith.muli %select_n3A_1735, %mul3A_1736 : i32
      %mul3A_1738 = arith.constant 512 : i32
      %mul3A_1739 = arith.muli %add3A_1695, %mul3A_1738 : i32
      %dma_start3A_1740 = arith.constant 0 : i32
      %dma_start3A_1741 = tpu.memref_slice %arg5[%select_n3A_1719, %mul3A_1737, %dma_start3A_1740] : memref<200x4096x128xf32, #tpu.memory_space<hbm>> -> memref<1x512x64xf32, #tpu.memory_space<hbm>>
      %dma_start3A_1742 = arith.constant 0 : i32
      %dma_start3A_1743 = tpu.memref_slice %arg5[%select_n3A_1719, %mul3A_1737, %dma_start3A_1742] : memref<200x4096x128xf32, #tpu.memory_space<hbm>> -> memref<1x512x64xf32, #tpu.memory_space<hbm>>
      tpu.enqueue_dma source(%arg10 : memref<1x512x64xf32, #tpu.memory_space<vmem>>) target(%dma_start3A_1743 : memref<1x512x64xf32, #tpu.memory_space<hbm>>) target_semaphore(%arg18 : memref<!tpu.dma_semaphore, #tpu.memory_space<semaphore_mem>>)
      %dma_start3A_1744 = tpu.memref_slice %arg6[%select_n3A_1719, %mul3A_1737] : memref<200x4096xf32, #tpu.memory_space<hbm>> -> memref<1x512xf32, #tpu.memory_space<hbm>>
      %dma_start3A_1745 = tpu.memref_slice %arg6[%select_n3A_1719, %mul3A_1737] : memref<200x4096xf32, #tpu.memory_space<hbm>> -> memref<1x512xf32, #tpu.memory_space<hbm>>
      tpu.enqueue_dma source(%arg12 : memref<1x512xf32, #tpu.memory_space<vmem>>) target(%dma_start3A_1745 : memref<1x512xf32, #tpu.memory_space<hbm>>) target_semaphore(%arg18 : memref<!tpu.dma_semaphore, #tpu.memory_space<semaphore_mem>>)
      %add3A_1746 = arith.addi %mul3A_2, %min3A_1002 : i32
      %jit3A_1747 = arith.constant 8 : i32
      %div3A_1748 = arith.divsi %add3A_1746, %jit3A_1747 : i32
      %sign3A_1749 = arith.constant 0 : i32
      %sign3A_1750 = arith.cmpi sgt, %add3A_1746, %sign3A_1749 : i32
      %sign3A_1751 = arith.extui %sign3A_1750 : i1 to i32
      %sign3A_1752 = arith.constant 0 : i32
      %sign3A_1753 = arith.cmpi slt, %add3A_1746, %sign3A_1752 : i32
      %sign3A_1754 = arith.extui %sign3A_1753 : i1 to i32
      %sign3A_1755 = arith.subi %sign3A_1751, %sign3A_1754 : i32
      %sign3A_1756 = arith.constant 0 : i32
      %sign3A_1757 = arith.cmpi sgt, %jit3A_1747, %sign3A_1756 : i32
      %sign3A_1758 = arith.extui %sign3A_1757 : i1 to i32
      %sign3A_1759 = arith.constant 0 : i32
      %sign3A_1760 = arith.cmpi slt, %jit3A_1747, %sign3A_1759 : i32
      %sign3A_1761 = arith.extui %sign3A_1760 : i1 to i32
      %sign3A_1762 = arith.subi %sign3A_1758, %sign3A_1761 : i32
      %ne3A_1763 = arith.cmpi ne, %sign3A_1755, %sign3A_1762 : i32
      %rem3A_1764 = arith.remsi %add3A_1746, %jit3A_1747 : i32
      %ne3A_1765 = arith.constant 0 : i32
      %ne3A_1766 = arith.cmpi ne, %rem3A_1764, %ne3A_1765 : i32
      %and3A_1767 = arith.andi %ne3A_1763, %ne3A_1766 : i1
      %sub3A_1768 = arith.constant 1 : i32
      %sub3A_1769 = arith.subi %div3A_1748, %sub3A_1768 : i32
      %select_n3A_1770 = arith.select %and3A_1767, %sub3A_1769, %div3A_1748 : i32
      %jit3A_1771 = arith.constant 8 : i32
      %eq3A_1772 = arith.constant 0 : i32
      %eq3A_1773 = arith.cmpi eq, %jit3A_1771, %eq3A_1772 : i32
      %jit3A_1774 = arith.constant 1 : i32
      %select_n3A_1775 = arith.select %eq3A_1773, %jit3A_1774, %jit3A_1771 : i32
      %rem3A_1776 = arith.remsi %add3A_1746, %select_n3A_1775 : i32
      %ne3A_1777 = arith.constant 0 : i32
      %ne3A_1778 = arith.cmpi ne, %rem3A_1776, %ne3A_1777 : i32
      %lt3A_1779 = arith.constant 0 : i32
      %lt3A_1780 = arith.cmpi slt, %rem3A_1776, %lt3A_1779 : i32
      %lt3A_1781 = arith.constant 0 : i32
      %lt3A_1782 = arith.cmpi slt, %select_n3A_1775, %lt3A_1781 : i32
      %ne3A_1783 = arith.xori %lt3A_1780, %lt3A_1782 : i1
      %and3A_1784 = arith.andi %ne3A_1783, %ne3A_1778 : i1
      %add3A_1785 = arith.addi %rem3A_1776, %select_n3A_1775 : i32
      %select_n3A_1786 = arith.select %and3A_1784, %add3A_1785, %rem3A_1776 : i32
      %mul3A_1787 = arith.constant 512 : i32
      %mul3A_1788 = arith.muli %select_n3A_1786, %mul3A_1787 : i32
      %dma_start3A_1789 = tpu.memref_slice %arg2[%select_n3A_1770, %mul3A_1788] : memref<200x4096xi32, #tpu.memory_space<hbm>> -> memref<1x512xi32, #tpu.memory_space<hbm>>
      %dma_start3A_1790 = tpu.memref_slice %arg2[%select_n3A_1770, %mul3A_1788] : memref<200x4096xi32, #tpu.memory_space<hbm>> -> memref<1x512xi32, #tpu.memory_space<hbm>>
      tpu.enqueue_dma source(%dma_start3A_1790 : memref<1x512xi32, #tpu.memory_space<hbm>>) target(%arg8 : memref<1x512xi32, #tpu.memory_space<vmem>>) target_semaphore(%arg14 : memref<!tpu.dma_semaphore, #tpu.memory_space<semaphore_mem>>)
    }
    %scan3A_792 = arith.constant 24 : i32
    %add3A_793 = arith.constant 48 : i32
    %add3A_794 = arith.addi %mul3A_2, %add3A_793 : i32
    %jit3A_795 = arith.constant 8 : i32
    %div3A_796 = arith.divsi %add3A_794, %jit3A_795 : i32
    %sign3A_797 = arith.constant 0 : i32
    %sign3A_798 = arith.cmpi sgt, %add3A_794, %sign3A_797 : i32
    %sign3A_799 = arith.extui %sign3A_798 : i1 to i32
    %sign3A_800 = arith.constant 0 : i32
    %sign3A_801 = arith.cmpi slt, %add3A_794, %sign3A_800 : i32
    %sign3A_802 = arith.extui %sign3A_801 : i1 to i32
    %sign3A_803 = arith.subi %sign3A_799, %sign3A_802 : i32
    %sign3A_804 = arith.constant 0 : i32
    %sign3A_805 = arith.cmpi sgt, %jit3A_795, %sign3A_804 : i32
    %sign3A_806 = arith.extui %sign3A_805 : i1 to i32
    %sign3A_807 = arith.constant 0 : i32
    %sign3A_808 = arith.cmpi slt, %jit3A_795, %sign3A_807 : i32
    %sign3A_809 = arith.extui %sign3A_808 : i1 to i32
    %sign3A_810 = arith.subi %sign3A_806, %sign3A_809 : i32
    %ne3A_811 = arith.cmpi ne, %sign3A_803, %sign3A_810 : i32
    %rem3A_812 = arith.remsi %add3A_794, %jit3A_795 : i32
    %ne3A_813 = arith.constant 0 : i32
    %ne3A_814 = arith.cmpi ne, %rem3A_812, %ne3A_813 : i32
    %and3A_815 = arith.andi %ne3A_811, %ne3A_814 : i1
    %sub3A_816 = arith.constant 1 : i32
    %sub3A_817 = arith.subi %div3A_796, %sub3A_816 : i32
    %select_n3A_818 = arith.select %and3A_815, %sub3A_817, %div3A_796 : i32
    %jit3A_819 = arith.constant 8 : i32
    %eq3A_820 = arith.constant 0 : i32
    %eq3A_821 = arith.cmpi eq, %jit3A_819, %eq3A_820 : i32
    %jit3A_822 = arith.constant 1 : i32
    %select_n3A_823 = arith.select %eq3A_821, %jit3A_822, %jit3A_819 : i32
    %rem3A_824 = arith.remsi %add3A_794, %select_n3A_823 : i32
    %ne3A_825 = arith.constant 0 : i32
    %ne3A_826 = arith.cmpi ne, %rem3A_824, %ne3A_825 : i32
    %lt3A_827 = arith.constant 0 : i32
    %lt3A_828 = arith.cmpi slt, %rem3A_824, %lt3A_827 : i32
    %lt3A_829 = arith.constant 0 : i32
    %lt3A_830 = arith.cmpi slt, %select_n3A_823, %lt3A_829 : i32
    %ne3A_831 = arith.xori %lt3A_828, %lt3A_830 : i1
    %and3A_832 = arith.andi %ne3A_831, %ne3A_826 : i1
    %add3A_833 = arith.addi %rem3A_824, %select_n3A_823 : i32
    %select_n3A_834 = arith.select %and3A_832, %add3A_833, %rem3A_824 : i32
    %mul3A_835 = arith.constant 512 : i32
    %mul3A_836 = arith.muli %select_n3A_834, %mul3A_835 : i32
    %mul3A_837 = arith.constant 512 : i32
    %mul3A_838 = arith.muli %add3A_794, %mul3A_837 : i32
    %dma_wait3A_839 = arith.constant 0 : i32
    %dma_wait3A_840 = tpu.memref_slice %arg5[%select_n3A_818, %mul3A_836, %dma_wait3A_839] : memref<200x4096x128xf32, #tpu.memory_space<hbm>> -> memref<1x512x64xf32, #tpu.memory_space<hbm>>
    %dma_wait3A_841 = arith.constant 0 : i32
    %dma_wait3A_842 = tpu.memref_slice %arg5[%select_n3A_818, %mul3A_836, %dma_wait3A_841] : memref<200x4096x128xf32, #tpu.memory_space<hbm>> -> memref<1x512x64xf32, #tpu.memory_space<hbm>>
    tpu.wait_dma2 semaphore(%arg17 : memref<!tpu.dma_semaphore, #tpu.memory_space<semaphore_mem>>) src(%arg9 : memref<1x512x64xf32, #tpu.memory_space<vmem>>) dst(%dma_wait3A_842 : memref<1x512x64xf32, #tpu.memory_space<hbm>>)
    %dma_wait3A_843 = tpu.memref_slice %arg6[%select_n3A_818, %mul3A_836] : memref<200x4096xf32, #tpu.memory_space<hbm>> -> memref<1x512xf32, #tpu.memory_space<hbm>>
    %dma_wait3A_844 = tpu.memref_slice %arg6[%select_n3A_818, %mul3A_836] : memref<200x4096xf32, #tpu.memory_space<hbm>> -> memref<1x512xf32, #tpu.memory_space<hbm>>
    tpu.wait_dma2 semaphore(%arg17 : memref<!tpu.dma_semaphore, #tpu.memory_space<semaphore_mem>>) src(%arg11 : memref<1x512xf32, #tpu.memory_space<vmem>>) dst(%dma_wait3A_844 : memref<1x512xf32, #tpu.memory_space<hbm>>)
    %add3A_845 = arith.constant 49 : i32
    %add3A_846 = arith.addi %mul3A_2, %add3A_845 : i32
    %jit3A_847 = arith.constant 8 : i32
    %div3A_848 = arith.divsi %add3A_846, %jit3A_847 : i32
    %sign3A_849 = arith.constant 0 : i32
    %sign3A_850 = arith.cmpi sgt, %add3A_846, %sign3A_849 : i32
    %sign3A_851 = arith.extui %sign3A_850 : i1 to i32
    %sign3A_852 = arith.constant 0 : i32
    %sign3A_853 = arith.cmpi slt, %add3A_846, %sign3A_852 : i32
    %sign3A_854 = arith.extui %sign3A_853 : i1 to i32
    %sign3A_855 = arith.subi %sign3A_851, %sign3A_854 : i32
    %sign3A_856 = arith.constant 0 : i32
    %sign3A_857 = arith.cmpi sgt, %jit3A_847, %sign3A_856 : i32
    %sign3A_858 = arith.extui %sign3A_857 : i1 to i32
    %sign3A_859 = arith.constant 0 : i32
    %sign3A_860 = arith.cmpi slt, %jit3A_847, %sign3A_859 : i32
    %sign3A_861 = arith.extui %sign3A_860 : i1 to i32
    %sign3A_862 = arith.subi %sign3A_858, %sign3A_861 : i32
    %ne3A_863 = arith.cmpi ne, %sign3A_855, %sign3A_862 : i32
    %rem3A_864 = arith.remsi %add3A_846, %jit3A_847 : i32
    %ne3A_865 = arith.constant 0 : i32
    %ne3A_866 = arith.cmpi ne, %rem3A_864, %ne3A_865 : i32
    %and3A_867 = arith.andi %ne3A_863, %ne3A_866 : i1
    %sub3A_868 = arith.constant 1 : i32
    %sub3A_869 = arith.subi %div3A_848, %sub3A_868 : i32
    %select_n3A_870 = arith.select %and3A_867, %sub3A_869, %div3A_848 : i32
    %jit3A_871 = arith.constant 8 : i32
    %eq3A_872 = arith.constant 0 : i32
    %eq3A_873 = arith.cmpi eq, %jit3A_871, %eq3A_872 : i32
    %jit3A_874 = arith.constant 1 : i32
    %select_n3A_875 = arith.select %eq3A_873, %jit3A_874, %jit3A_871 : i32
    %rem3A_876 = arith.remsi %add3A_846, %select_n3A_875 : i32
    %ne3A_877 = arith.constant 0 : i32
    %ne3A_878 = arith.cmpi ne, %rem3A_876, %ne3A_877 : i32
    %lt3A_879 = arith.constant 0 : i32
    %lt3A_880 = arith.cmpi slt, %rem3A_876, %lt3A_879 : i32
    %lt3A_881 = arith.constant 0 : i32
    %lt3A_882 = arith.cmpi slt, %select_n3A_875, %lt3A_881 : i32
    %ne3A_883 = arith.xori %lt3A_880, %lt3A_882 : i1
    %and3A_884 = arith.andi %ne3A_883, %ne3A_878 : i1
    %add3A_885 = arith.addi %rem3A_876, %select_n3A_875 : i32
    %select_n3A_886 = arith.select %and3A_884, %add3A_885, %rem3A_876 : i32
    %mul3A_887 = arith.constant 512 : i32
    %mul3A_888 = arith.muli %select_n3A_886, %mul3A_887 : i32
    %mul3A_889 = arith.constant 512 : i32
    %mul3A_890 = arith.muli %add3A_846, %mul3A_889 : i32
    %dma_wait3A_891 = arith.constant 0 : i32
    %dma_wait3A_892 = tpu.memref_slice %arg5[%select_n3A_870, %mul3A_888, %dma_wait3A_891] : memref<200x4096x128xf32, #tpu.memory_space<hbm>> -> memref<1x512x64xf32, #tpu.memory_space<hbm>>
    %dma_wait3A_893 = arith.constant 0 : i32
    %dma_wait3A_894 = tpu.memref_slice %arg5[%select_n3A_870, %mul3A_888, %dma_wait3A_893] : memref<200x4096x128xf32, #tpu.memory_space<hbm>> -> memref<1x512x64xf32, #tpu.memory_space<hbm>>
    tpu.wait_dma2 semaphore(%arg18 : memref<!tpu.dma_semaphore, #tpu.memory_space<semaphore_mem>>) src(%arg10 : memref<1x512x64xf32, #tpu.memory_space<vmem>>) dst(%dma_wait3A_894 : memref<1x512x64xf32, #tpu.memory_space<hbm>>)
    %dma_wait3A_895 = tpu.memref_slice %arg6[%select_n3A_870, %mul3A_888] : memref<200x4096xf32, #tpu.memory_space<hbm>> -> memref<1x512xf32, #tpu.memory_space<hbm>>
    %dma_wait3A_896 = tpu.memref_slice %arg6[%select_n3A_870, %mul3A_888] : memref<200x4096xf32, #tpu.memory_space<hbm>> -> memref<1x512xf32, #tpu.memory_space<hbm>>
    tpu.wait_dma2 semaphore(%arg18 : memref<!tpu.dma_semaphore, #tpu.memory_space<semaphore_mem>>) src(%arg12 : memref<1x512xf32, #tpu.memory_space<vmem>>) dst(%dma_wait3A_896 : memref<1x512xf32, #tpu.memory_space<hbm>>)
    %add3A_897 = arith.constant 49 : i32
    %add3A_898 = arith.addi %mul3A_2, %add3A_897 : i32
    %jit3A_899 = arith.constant 8 : i32
    %div3A_900 = arith.divsi %add3A_898, %jit3A_899 : i32
    %sign3A_901 = arith.constant 0 : i32
    %sign3A_902 = arith.cmpi sgt, %add3A_898, %sign3A_901 : i32
    %sign3A_903 = arith.extui %sign3A_902 : i1 to i32
    %sign3A_904 = arith.constant 0 : i32
    %sign3A_905 = arith.cmpi slt, %add3A_898, %sign3A_904 : i32
    %sign3A_906 = arith.extui %sign3A_905 : i1 to i32
    %sign3A_907 = arith.subi %sign3A_903, %sign3A_906 : i32
    %sign3A_908 = arith.constant 0 : i32
    %sign3A_909 = arith.cmpi sgt, %jit3A_899, %sign3A_908 : i32
    %sign3A_910 = arith.extui %sign3A_909 : i1 to i32
    %sign3A_911 = arith.constant 0 : i32
    %sign3A_912 = arith.cmpi slt, %jit3A_899, %sign3A_911 : i32
    %sign3A_913 = arith.extui %sign3A_912 : i1 to i32
    %sign3A_914 = arith.subi %sign3A_910, %sign3A_913 : i32
    %ne3A_915 = arith.cmpi ne, %sign3A_907, %sign3A_914 : i32
    %rem3A_916 = arith.remsi %add3A_898, %jit3A_899 : i32
    %ne3A_917 = arith.constant 0 : i32
    %ne3A_918 = arith.cmpi ne, %rem3A_916, %ne3A_917 : i32
    %and3A_919 = arith.andi %ne3A_915, %ne3A_918 : i1
    %sub3A_920 = arith.constant 1 : i32
    %sub3A_921 = arith.subi %div3A_900, %sub3A_920 : i32
    %select_n3A_922 = arith.select %and3A_919, %sub3A_921, %div3A_900 : i32
    %jit3A_923 = arith.constant 8 : i32
    %eq3A_924 = arith.constant 0 : i32
    %eq3A_925 = arith.cmpi eq, %jit3A_923, %eq3A_924 : i32
    %jit3A_926 = arith.constant 1 : i32
    %select_n3A_927 = arith.select %eq3A_925, %jit3A_926, %jit3A_923 : i32
    %rem3A_928 = arith.remsi %add3A_898, %select_n3A_927 : i32
    %ne3A_929 = arith.constant 0 : i32
    %ne3A_930 = arith.cmpi ne, %rem3A_928, %ne3A_929 : i32
    %lt3A_931 = arith.constant 0 : i32
    %lt3A_932 = arith.cmpi slt, %rem3A_928, %lt3A_931 : i32
    %lt3A_933 = arith.constant 0 : i32
    %lt3A_934 = arith.cmpi slt, %select_n3A_927, %lt3A_933 : i32
    %ne3A_935 = arith.xori %lt3A_932, %lt3A_934 : i1
    %and3A_936 = arith.andi %ne3A_935, %ne3A_930 : i1
    %add3A_937 = arith.addi %rem3A_928, %select_n3A_927 : i32
    %select_n3A_938 = arith.select %and3A_936, %add3A_937, %rem3A_928 : i32
    %mul3A_939 = arith.constant 512 : i32
    %mul3A_940 = arith.muli %select_n3A_938, %mul3A_939 : i32
    %dma_wait3A_941 = tpu.memref_slice %arg2[%select_n3A_922, %mul3A_940] : memref<200x4096xi32, #tpu.memory_space<hbm>> -> memref<1x512xi32, #tpu.memory_space<hbm>>
    %dma_wait3A_942 = tpu.memref_slice %arg2[%select_n3A_922, %mul3A_940] : memref<200x4096xi32, #tpu.memory_space<hbm>> -> memref<1x512xi32, #tpu.memory_space<hbm>>
    tpu.wait_dma2 semaphore(%arg13 : memref<!tpu.dma_semaphore, #tpu.memory_space<semaphore_mem>>) src(%dma_wait3A_942 : memref<1x512xi32, #tpu.memory_space<hbm>>) dst(%arg7 : memref<1x512xi32, #tpu.memory_space<vmem>>)
    %add3A_943 = arith.constant 49 : i32
    %add3A_944 = arith.addi %mul3A_2, %add3A_943 : i32
    %jit3A_945 = arith.constant 8 : i32
    %div3A_946 = arith.divsi %add3A_944, %jit3A_945 : i32
    %sign3A_947 = arith.constant 0 : i32
    %sign3A_948 = arith.cmpi sgt, %add3A_944, %sign3A_947 : i32
    %sign3A_949 = arith.extui %sign3A_948 : i1 to i32
    %sign3A_950 = arith.constant 0 : i32
    %sign3A_951 = arith.cmpi slt, %add3A_944, %sign3A_950 : i32
    %sign3A_952 = arith.extui %sign3A_951 : i1 to i32
    %sign3A_953 = arith.subi %sign3A_949, %sign3A_952 : i32
    %sign3A_954 = arith.constant 0 : i32
    %sign3A_955 = arith.cmpi sgt, %jit3A_945, %sign3A_954 : i32
    %sign3A_956 = arith.extui %sign3A_955 : i1 to i32
    %sign3A_957 = arith.constant 0 : i32
    %sign3A_958 = arith.cmpi slt, %jit3A_945, %sign3A_957 : i32
    %sign3A_959 = arith.extui %sign3A_958 : i1 to i32
    %sign3A_960 = arith.subi %sign3A_956, %sign3A_959 : i32
    %ne3A_961 = arith.cmpi ne, %sign3A_953, %sign3A_960 : i32
    %rem3A_962 = arith.remsi %add3A_944, %jit3A_945 : i32
    %ne3A_963 = arith.constant 0 : i32
    %ne3A_964 = arith.cmpi ne, %rem3A_962, %ne3A_963 : i32
    %and3A_965 = arith.andi %ne3A_961, %ne3A_964 : i1
    %sub3A_966 = arith.constant 1 : i32
    %sub3A_967 = arith.subi %div3A_946, %sub3A_966 : i32
    %select_n3A_968 = arith.select %and3A_965, %sub3A_967, %div3A_946 : i32
    %jit3A_969 = arith.constant 8 : i32
    %eq3A_970 = arith.constant 0 : i32
    %eq3A_971 = arith.cmpi eq, %jit3A_969, %eq3A_970 : i32
    %jit3A_972 = arith.constant 1 : i32
    %select_n3A_973 = arith.select %eq3A_971, %jit3A_972, %jit3A_969 : i32
    %rem3A_974 = arith.remsi %add3A_944, %select_n3A_973 : i32
    %ne3A_975 = arith.constant 0 : i32
    %ne3A_976 = arith.cmpi ne, %rem3A_974, %ne3A_975 : i32
    %lt3A_977 = arith.constant 0 : i32
    %lt3A_978 = arith.cmpi slt, %rem3A_974, %lt3A_977 : i32
    %lt3A_979 = arith.constant 0 : i32
    %lt3A_980 = arith.cmpi slt, %select_n3A_973, %lt3A_979 : i32
    %ne3A_981 = arith.xori %lt3A_978, %lt3A_980 : i1
    %and3A_982 = arith.andi %ne3A_981, %ne3A_976 : i1
    %add3A_983 = arith.addi %rem3A_974, %select_n3A_973 : i32
    %select_n3A_984 = arith.select %and3A_982, %add3A_983, %rem3A_974 : i32
    %mul3A_985 = arith.constant 512 : i32
    %mul3A_986 = arith.muli %select_n3A_984, %mul3A_985 : i32
    %dma_wait3A_987 = tpu.memref_slice %arg2[%select_n3A_968, %mul3A_986] : memref<200x4096xi32, #tpu.memory_space<hbm>> -> memref<1x512xi32, #tpu.memory_space<hbm>>
    %dma_wait3A_988 = tpu.memref_slice %arg2[%select_n3A_968, %mul3A_986] : memref<200x4096xi32, #tpu.memory_space<hbm>> -> memref<1x512xi32, #tpu.memory_space<hbm>>
    tpu.wait_dma2 semaphore(%arg14 : memref<!tpu.dma_semaphore, #tpu.memory_space<semaphore_mem>>) src(%dma_wait3A_988 : memref<1x512xi32, #tpu.memory_space<hbm>>) dst(%arg8 : memref<1x512xi32, #tpu.memory_space<vmem>>)
    return
  }
}

</mosaic_0001>

<sc_bundles>
// kernel: kernel.3.cloned.1.call-start
scs
__scs_entry_jumppad:
0x0: {  	(pc) =	sbr.rel $0x88, $3  }
0x1: {  	(tag) =	ssettag $0x0;
	lr =	simm.s32 $0x1  }
0x2: {  	[smem:$0x3F9E] =	sst lr;
	_ =	strace $0xD0000000  }
0x3: {  	_ = 	snop  }
0x4: {  	_ = 	snop  }
0x5: {  	_ = 	snop  }
0x6: {  	_ = 	snop  }
0x7: {  	_ = 	snop  }
__scs_overlays_trampoline_lowered:
0x8: {  	[smem:$0x3FAD] =	sst s0  }
0x9: {  	[smem:$0x3FAE] =	sst s1  }
0xa: {  	[smem:$0x3FAF] =	sst s2  }
0xb: {  	[smem:$0x3FB0] =	sst s3  }
0xc: {  	[smem:$0x3FB1] =	sst s4  }
0xd: {  	[smem:$0x3FB2] =	sst s5  }
0xe: {  	[smem:$0x3FB3] =	sst s6  }
0xf: {  	[smem:$0x3FB4] =	sst s7  }
0x10: {  	[smem:$0x3FB5] =	sst s8  }
0x11: {  	[smem:$0x3FB6] =	sst s9;
	s0 =	simm.s32 @!p0 $0x0  }
0x12: {  	s1 =	sld [smem:$0x3F9C];
	s0 =	simm.s32 @p0 $0x1  }
0x13: {  	[smem:$0x3FB7] =	sst s0;
	s0 =	simm.s32 @!p1 $0x0  }
0x14: {  	s2 =	sld [smem:$0x3F9B];
	s0 =	simm.s32 @p1 $0x1  }
0x15: {  	[smem:$0x3FB8] =	sst s0;
	s0 =	simm.s32 @!p2 $0x0  }
0x16: {  	s3 =	sld [smem:$0x3FDB];
	s0 =	simm.s32 @p2 $0x1  }
0x17: {  	s4 =	simm.s32 $0x1BF5;
	[smem:$0x3FBA] =	sst s0  }
0x18: {  	s0 =	sld [smem:$0x3F9D];
	_ =	swait.ge [sflag:s4], $0x0  }
0x19: {  	s7 =	sld [smem:$0x3F9E]  }
0x1a: {  	s8 =	sadd.s32 $0xFFFFE003, lr  }
0x1b: {  	s9 =	sadd.s32 $0xFFFFFEF7, lr;
	s5 =	simm.s32 $0xFFFFFFFF;
	p2 =	slt.u32 s8, $0xFFFFF086  }
0x1c: {  	p1 =	slt.u32 s9, $0xF7A;
	s5 =	simm.s32 @!p2 $0x0  }
0x1d: {  	s5 =	simm.s32 @p1 $0x1;
	p0 =	seq.s32 s7, s2  }
0x1e: {  	s7 =	smul.u32 @!p0 $0xF7A, s2;
	p2 =	seq.s32 @!p0 s5, $0x0  }
0x1f: {  	s9 =	smul.u32 $0xF7A, s1;
	s8 =	simm.s32 @!p0 $0x1BF5;
	p2 =	por !p2, p0  }
0x20: {  	[sflag:s8] =	ssyncset.s32 @!p0 $0xFFFFF086;
	s6 =	sadd.s32 @!p0 s3, s7;
	s7 =	simm.s32 @!p0 $0x108  }
0x21: {  	s3 =	sadd.s32 s3, s9;
	s6 =	sadd.s32 @!p0 $0x88, s6;
	s7 =	simm.s32 @p2 $0x1082  }
0x22: {  	[simem:s7], [sflag:s8] =	dma.local @!p0 [hbm:s6], $0xF7A  }
0x23: {  	s9 =	sor.u32 $0xD0000000, s2;
	s6 =	simm.s32 $0x108;
	_ =	swait.ge @!p0 [sflag:s8], $0x0  }
0x24: {  	s3 =	sadd.s32 $0x88, s3;
	s6 =	simm.s32 @!p1 $0x1082;
	[sflag:s4] =	ssyncset.s32 $0xFFFFF086  }
0x25: {  	[simem:s6], [sflag:s4] =	dma.local [hbm:s3], $0xF7A  }
0x26: {  	[smem:$0x3F9E] =	sst s1;
	(tag) =	ssettag s2;
	_ =	strace s9  }
0x27: {  	s1 =	sld [smem:$0x3FAE]  }
0x28: {  	s2 =	sld [smem:$0x3FAF]  }
0x29: {  	s4 =	sld [smem:$0x3FB1]  }
0x2a: {  	p0 =	seq.s32 s5, $0x0;
	s5 =	sld [smem:$0x3FB2]  }
0x2b: {  	s6 =	sld [smem:$0x3FB3]  }
0x2c: {  	s7 =	sld [smem:$0x3FB4]  }
0x2d: {  	s3 =	simm.s32 $0x108;
	s8 =	sld [smem:$0x3FB5]  }
0x2e: {  	s3 =	simm.s32 @!p0 $0x1082;
	s9 =	sld [smem:$0x3FB6]  }
0x2f: {  	lr =	sadd.s32 s0, s3;
	s0 =	sld [smem:$0x3FAD]  }
0x30: {  	s3 =	sld [smem:$0x3FB0]  }
0x31: {  	[smem:$0x3FB9] =	sst s10  }
0x32: {  	s10 =	sld [smem:$0x3FB7];
	_ =	sdelay $0x3  }
0x33: {  	p0 =	seq.s32 s10, $0x1;
	s10 =	sld [smem:$0x3FB9];
	_ =	sdelay $0x3  }
0x34: {  	[smem:$0x3FB9] =	sst s10  }
0x35: {  	s10 =	sld [smem:$0x3FB8];
	_ =	sdelay $0x3  }
0x36: {  	p1 =	seq.s32 s10, $0x1;
	s10 =	sld [smem:$0x3FB9];
	_ =	sdelay $0x3  }
0x37: {  	[smem:$0x3FB9] =	sst s10  }
0x38: {  	s10 =	sld [smem:$0x3FBA]  }
0x39: {  	_ = 	snop;
	(pc) =	sbr.ind lr, $3  }
0x3a: {  	_ = 	snop  }
0x3b: {  	_ = 	snop  }
0x3c: {  	p2 =	seq.s32 s10, $0x1;
	s10 =	sld [smem:$0x3FB9]  }
0x3d: {  	_ =	shalt  }
0x3e: {  	_ =	shalt  }
0x3f: {  	_ =	shalt  }
0x40: {  	_ =	shalt  }
0x41: {  	_ =	shalt  }
0x42: {  	_ =	shalt  }
0x43: {  	_ =	shalt  }
0x44: {  	_ =	shalt  }
0x45: {  	_ =	shalt  }
0x46: {  	_ =	shalt  }
0x47: {  	_ =	shalt  }
0x48: {  	_ =	shalt  }
0x49: {  	_ =	shalt  }
0x4a: {  	_ =	shalt  }
0x4b: {  	_ =	shalt  }
0x4c: {  	_ =	shalt  }
0x4d: {  	_ =	shalt  }
0x4e: {  	_ =	shalt  }
0x4f: {  	_ =	shalt  }
0x50: {  	_ =	shalt  }
0x51: {  	_ =	shalt  }
0x52: {  	_ =	shalt  }
0x53: {  	_ =	shalt  }
0x54: {  	_ =	shalt  }
0x55: {  	_ =	shalt  }
0x56: {  	_ =	shalt  }
0x57: {  	_ =	shalt  }
0x58: {  	_ =	shalt  }
0x59: {  	_ =	shalt  }
0x5a: {  	_ =	shalt  }
0x5b: {  	_ =	shalt  }
0x5c: {  	_ =	shalt  }
0x5d: {  	_ =	shalt  }
0x5e: {  	_ =	shalt  }
0x5f: {  	_ =	shalt  }
0x60: {  	_ =	shalt  }
0x61: {  	_ =	shalt  }
0x62: {  	_ =	shalt  }
0x63: {  	_ =	shalt  }
0x64: {  	_ =	shalt  }
0x65: {  	_ =	shalt  }
0x66: {  	_ =	shalt  }
0x67: {  	_ =	shalt  }
0x68: {  	_ =	shalt  }
0x69: {  	_ =	shalt  }
0x6a: {  	_ =	shalt  }
0x6b: {  	_ =	shalt  }
0x6c: {  	_ =	shalt  }
0x6d: {  	_ =	shalt  }
0x6e: {  	_ =	shalt  }
0x6f: {  	_ =	shalt  }
0x70: {  	_ =	shalt  }
0x71: {  	_ =	shalt  }
0x72: {  	_ =	shalt  }
0x73: {  	_ =	shalt  }
0x74: {  	_ =	shalt  }
0x75: {  	_ =	shalt  }
0x76: {  	_ =	shalt  }
0x77: {  	_ =	shalt  }
0x78: {  	_ =	shalt  }
0x79: {  	_ =	shalt  }
0x7a: {  	_ =	shalt  }
0x7b: {  	_ =	shalt  }
0x7c: {  	_ =	shalt  }
0x7d: {  	_ =	shalt  }
0x7e: {  	_ =	shalt  }
0x7f: {  	_ =	shalt  }
0x80: {  	_ =	shalt  }
0x81: {  	_ =	shalt  }
0x82: {  	_ =	shalt  }
0x83: {  	_ =	shalt  }
0x84: {  	_ =	shalt  }
0x85: {  	_ =	shalt  }
0x86: {  	_ =	shalt  }
0x87: {  	_ =	shalt  }
.Lfunc_end0:
.L_simem_size_0:
called_computation.1_lowered:
.L_overlay_start_0:
0x88: {  	s2 =	sld [smem:$0x3FD9]  }
0x89: {  	s3 =	sld [smem:$0x3FFE];
	_ =	sdelay $0x1  }
0x8a: {  	s1 =	srdreg.scid  }
0x8b: {  	s0 =	sand.u32 $0x1, s1  }
0x8c: {  	s14 =	sshll.u32 s0, $0xA;
	s2 =	sadd.s32 s3, s2  }
0x8d: {  	s2 =	sadd.s32 s2, s14  }
0x8e: {  	[smem:$0x3FC5] =	sst s2  }
0x8f: {  	_ = 	snop  }
0x90: {  	s2 =	sld [smem:$0x3FD0];
	_ =	sdelay $0x2  }
0x91: {  	s15 =	simm.s32 $0xA;
	s4 =	simm.s32 $0x10  }
0x92: {  	[smem:s4], [sflag:s15] =	dma.local [hbm:s2], $0x1  }
0x93: {  	_ =	swait.eq [sflag:s15], $0x1  }
0x94: {  	[sflag:s15] =	ssyncset.done $0x0  }
0x95: {  	[sflag:s15] =	ssyncadd.s32 $0xFFFFFFFF  }
0x96: {  	s16 =	sld [smem:$0x10];
	(tm) =	ssettm $0x1  }
0x97: {  	s17 =	sld [smem:$0x3FFB];
	_ =	sdelay $0x3  }
0x98: {  	_ =	strace s17  }
0x99: {  	s3 =	sld [smem:$0x3FFC];
	_ =	sdelay $0x3  }
0x9a: {  	_ =	strace s3  }
0x9b: {  	s3 =	sld [smem:$0x3FFD];
	_ =	sdelay $0x3  }
0x9c: {  	_ =	strace s3  }
0x9d: {  	_ =	strace $0x8FFFFFFF  }
0x9e: {  	s18 =	sld [smem:$0x3FDB];
	_ =	sdelay $0x1  }
0x9f: {  	s19 =	simm.s32 $_scs_section_size  }
0xa0: {  	s5 =	simm.s32 $_size__tile_overlayer_lowered;
	s6 =	simm.s32 $_tile_overlayer_lowered  }
0xa1: {  	s22 =	simm.s32 $0x1BFF;
	s21 =	sshll.u32 s6, $0x1;
	s3 =	sadd.s32 s19, s18  }
0xa2: {  	s7 =	simm.s32 $0x0;
	s20 =	sshll.u32 s5, $0x1;
	s5 =	sadd.s32 s21, s3  }
0xa3: {  	[timem:s7], [sflag:s22] =	dma.local [hbm:s5], s20  }
0xa4: {  	_ =	swait.ge [sflag:s22], s20  }
0xa5: {  	s4 =	ssub.s32 $0x0, s20;
	[sflag:s22] =	ssyncset.done $0x0  }
0xa6: {  	[sflag:s22] =	ssyncadd.s32 s4;
	_ =	sdelay $0x1  }
0xa7: {  	s23 =	simm.s32 $0x1B8B  }
0xa8: {  	_ =	swait.ge [sflag:s23], $0x1  }
0xa9: {  	[sflag:s23] =	ssyncset.done $0x0  }
0xaa: {  	s25 =	simm.s32 $0x1B8E;
	s24 =	sld [smem:$0x3FFE];
	[sflag:s23] =	ssyncadd.s32 $0xFFFFFFFF  }
0xab: {  	s26 =	simm.s32 $execute0_lowered;
	[smem:$0x3FD2] =	sst s25  }
0xac: {  	s5 =	sshll.u32 s26, $0x1;
	_ =	strace $0x80000046;
	[dreg:$0x1] =	wrdreg $0xFFFFFFFF  }
0xad: {  	s28 =	simm.s32 $_size_execute0_lowered;
	s3 =	sadd.s32 s3, s5;
	[dreg:$0x0] =	wrdreg $0x0  }
0xae: {  	s5 =	sshll.u32 s28, $0x1;
	[dreg:$0x2] =	wrdreg s3  }
0xaf: {  	[dreg:$0x3] =	wrdreg s5  }
0xb0: {  	[dreg:$0x4] =	wrdreg $0xC0  }
0xb1: {  	_ =	task [dreg:s7], $0x5FFFF  }
0xb2: {  	[dreg:$0x1] =	wrdreg $0xFFFFFFFF  }
0xb3: {  	[dreg:$0x0] =	wrdreg $0x60  }
0xb4: {  	[dreg:$0x2] =	wrdreg s24  }
0xb5: {  	[dreg:$0x3] =	wrdreg s16  }
0xb6: {  	[dreg:$0x4] =	wrdreg $0x9  }
0xb7: {  	_ =	task.clear_ibuf [dreg:s7], $0x5FFFF;
	_ =	strace $0x90000046  }
0xb8: {  	s29 =	simm.s32 $0x9;
	_ =	strace $0x80000048  }
0xb9: {  	_ =	swait.ge [sflag:s29], $0x1  }
0xba: {  	[sflag:s29] =	ssyncadd.s32 $0xFFFFFFFF  }
0xbb: {  	_ =	strace $0x90000048  }
0xbc: {  	_ =	sfence  }
0xbd: {  	s30 =	sld [smem:$0x0];
	_ =	sdelay $0x2  }
0xbe: {  	s31 =	sshll.u32 s1, $0xD;
	s1 =	sshrl.u32 s1, $0x2  }
0xbf: {  	s3 =	sand.u32 $0x4000, s31;
	s1 =	sadd.s32 s1, s30  }
0xc0: {  	s0 =	sor.u32 s3, s0;
	s1 =	sshll.u32 s1, $0x11  }
0xc1: {  	s0 =	sor.u32 s1, s0  }
0xc2: {  	s0 =	sadd.s32 $0x8F2B, s0  }
0xc3: {  	[sflag:s0] =	ssyncadd.remote.s32 $0x1  }
0xc4: {  	_ =	sfence.sel $0xFFFF  }
0xc5: {  	[dreg:$0x0] =	wrdreg $0xFFFFFFFF;
	(pc) =	sbr.abs _section_cstart, $3  }
0xc6: {  	[dreg:$0x1] =	wrdreg $0xFFFFFFFF  }
0xc7: {  	_ =	task.clear_ibuf [dreg:s7], $0x2FFFF;
	_ =	strace $0x9FFFFFFF  }
0xc8: {  	(tm) =	ssettm $0x7FFFFFFF  }
0xc9: {  	_ =	shalt  }
tec
execute0_lowered:
.L_overlay_start_1:
0x0: {  	(tag) =	ssettag $0x1  }
0x1: {  	s0 =	rddreg [dreg:$0x0]  }
0x2: {  	s2 =	rddreg [dreg:$0x1];
	s1 =	srdreg.scid  }
0x3: {  	s15 =	stileid.u32;
	s3 =	simm.s32 $0x0;
	s29 =	simm.s32 $0x10580  }
0x4: {  	s31 =	simm.s32 $0xA400;
	s28 =	simm.s32 $0x5;
	s30 =	simm.s32 $0x6  }
0x5: {  	s1 =	sand.u32 $0x1, s1;
	s4 =	sshll.u32 s15, $0x1;
	[smem:$0x7FF] =	sst s3  }
0x6: {  	s5 =	sadd.s32 $0xF5C200, s0;
	s6 =	sadd.s32 $0x19C00, s0;
	s19 =	smul.u32 $0x64, s15  }
0x7: {  	s8 =	sor.u32 s1, s4;
	_ =	strace $0x80000047;
	s21 =	smul.u32 $0x32, s1  }
0x8: {  	s4 =	sadd.s32 $0xC00, s0;
	s11 =	ssub.s32 $0x2, s1;
	s1 =	smul.u32 $0x6400, s1  }
0x9: {  	s9 =	smul.u32 $0x32, s8;
	s7 =	sshll.u32 s8, $0xA;
	s23 =	sshrl.u32 s11, $0x1  }
0xa: {  	s8 =	smul.u32 $0x6400, s8;
	s12 =	sand.u32 $0xC00, s7;
	s7 =	sadd.s32 $0xC99C00, s0  }
0xb: {  	s0 =	ssub.s32 s11, s23;
	s23 =	smul.u32 $0xC800, s15;
	s15 =	simm.s32 $0x10680  }
0xc: {  	s10 =	sshrl.u32 s9, $0x3;
	s25 =	sor.u32 $0x200, s12;
	s8 =	sshrl.u32 s8, $0x3  }
0xd: {  	s22 =	sadd.s32 $0x2, s9;
	s0 =	smax.u32 s0, $0x1;
	s13 =	sshll.u32 s10, $0xC  }
0xe: {  	s10 =	sshll.u32 s10, $0x13;
	s17 =	sshll.u32 s25, $0x7;
	[dreg:$0x3] =	wrdreg s22  }
0xf: {  	s8 =	sadd.s32 s4, s8;
	[dreg:$0xe] =	wrdreg s0;
	s22 =	simm.s32 $0x10400  }
0x10: {  	s0 =	simm.s32 $0x2;
	s14 =	sor.u32 s12, s13;
	s13 =	sor.u32 s25, s13  }
0x11: {  	s12 =	sshll.u32 s12, $0x7;
	s18 =	sadd.s32 $0x80, s8;
	s8 =	sadd.s32 $0xC0, s8  }
0x12: {  	s25 =	sadd.s32 s21, s19;
	s19 =	simm.s32 $0x1;
	s21 =	simm.s32 $0x400  }
0x13: {  	s24 =	sshrl.u32 s14, $0x3;
	s13 =	sshrl.u32 s13, $0x3;
	[dreg:$0xa] =	wrdreg s18  }
0x14: {  	s12 =	sor.u32 s12, s10;
	s10 =	sor.u32 s10, s17;
	[dreg:$0xd] =	wrdreg s8  }
0x15: {  	[dreg:$0x5] =	wrdreg s25;
	s18 =	simm.s32 $0x200;
	s17 =	simm.s32 $0x2400  }
0x16: {  	s25 =	simm.s32 $0x10480;
	s14 =	simm.s32 $0x10500;
	s8 =	simm.s32 $0x8400  }
0x17: {  	s16 =	sadd.s32 s4, s24;
	s26 =	sadd.s32 s4, s13;
	s12 =	sshrl.u32 s12, $0x3  }
0x18: {  	s11 =	sadd.s32 s7, s24;
	s10 =	sshrl.u32 s10, $0x3;
	[dreg:$0x6] =	wrdreg s16  }
0x19: {  	s20 =	sadd.s32 s7, s13;
	s24 =	sadd.s32 $0x3, s9;
	[dreg:$0x7] =	wrdreg s26  }
0x1a: {  	s13 =	simm.s32 $0x4400;
	s9 =	simm.s32 $0x10600;
	[dreg:$0x9] =	wrdreg s11  }
0x1b: {  	s12 =	sadd.s32 s6, s12;
	s10 =	sadd.s32 s6, s10;
	[dreg:$0xc] =	wrdreg s20  }
0x1c: {  	[dreg:$0x4] =	wrdreg s24;
	s26 =	sadd.s32 s1, s23;
	s20 =	simm.s32 $0x80  }
0x1d: {  	s11 =	simm.s32 $0x100;
	s1 =	simm.s32 $0x180;
	[dreg:$0x8] =	wrdreg s12  }
0x1e: {  	s16 =	simm.s32 $0x6400;
	s24 =	simm.s32 $0x10700;
	[dreg:$0xb] =	wrdreg s10  }
0x1f: {  	s23 =	simm.s32 $0x3;
	[dreg:$0xf] =	wrdreg s26;
	s10 =	simm.s32 $0x0  }
0x20: {  	s12 =	simm.s32 $0x280;
	s26 =	simm.s32 $0x4;
	[dreg:$0x10] =	wrdreg s10  }
.LBB2_1:
0x21: {  	s10 =	rddreg [dreg:$0x6]  }
0x22: {  	[tilespmem:s3], [sflag:$0x1] =	stream.linear.gather [hbm4b:s10+s3], $0x200, $0x38;
	[tilespmem:$0x10800] =	vst v63  }
0x23: {  	s10 =	rddreg [dreg:$0x7]  }
0x24: {  	[tilespmem:s18], [sflag:$0x2] =	stream.linear.gather [hbm4b:s10+s3], $0x200, $0x38;
	[tilespmem:$0x10800] =	vst v63  }
0x25: {  	_ =	swait.ge [sflag:s19], $0x200  }
0x26: {  	[sflag:s19] =	ssyncset.done $0x0  }
0x27: {  	[sflag:s19] =	ssyncadd.s32 $0xFFFFFE00  }
0x28: {  	[tilespmem:s21], [sflag:$0x3] =	stream.indirect.gather [hbm4b:s5+s20], $0x40, s3, s20, $0xb8;
	[tilespmem:$0x10800] =	vst v63  }
0x29: {  	_ = 	snop  }
0x2a: {  	[tilespmem:s22], [sflag:$0x3] =	stream.indirect.gather [hbm4b:s2+s20], $0x1, s3, s20, $0xb8;
	[tilespmem:$0x10800] =	vst v63  }
0x2b: {  	_ = 	snop  }
0x2c: {  	[tilespmem:s17], [sflag:$0x3] =	stream.indirect.gather [hbm4b:s5+s20], $0x40, s20, s20, $0xb8;
	[tilespmem:$0x10800] =	vst v63  }
0x2d: {  	_ = 	snop  }
0x2e: {  	[tilespmem:s25], [sflag:$0x3] =	stream.indirect.gather [hbm4b:s2+s20], $0x1, s20, s20, $0xb8;
	[tilespmem:$0x10800] =	vst v63  }
0x2f: {  	_ = 	snop  }
0x30: {  	[tilespmem:s13], [sflag:$0x3] =	stream.indirect.gather [hbm4b:s5+s20], $0x40, s11, s20, $0xb8;
	[tilespmem:$0x10800] =	vst v63  }
0x31: {  	_ = 	snop  }
0x32: {  	[tilespmem:s14], [sflag:$0x3] =	stream.indirect.gather [hbm4b:s2+s20], $0x1, s11, s20, $0xb8;
	[tilespmem:$0x10800] =	vst v63  }
0x33: {  	_ = 	snop  }
0x34: {  	[tilespmem:s16], [sflag:$0x3] =	stream.indirect.gather [hbm4b:s5+s20], $0x40, s1, s20, $0xb8;
	[tilespmem:$0x10800] =	vst v63  }
0x35: {  	_ = 	snop  }
0x36: {  	[tilespmem:s29], [sflag:$0x3] =	stream.indirect.gather [hbm4b:s2+s20], $0x1, s1, s20, $0xb8;
	[tilespmem:$0x10800] =	vst v63  }
0x37: {  	_ =	swait.ge [sflag:s0], $0x200  }
0x38: {  	[sflag:s0] =	ssyncset.done $0x0  }
0x39: {  	[sflag:s0] =	ssyncadd.s32 $0xFFFFFE00  }
0x3a: {  	[tilespmem:s8], [sflag:$0x4] =	stream.indirect.gather [hbm4b:s5+s20], $0x40, s18, s20, $0xb8;
	[tilespmem:$0x10800] =	vst v63  }
0x3b: {  	_ = 	snop  }
0x3c: {  	[tilespmem:s9], [sflag:$0x4] =	stream.indirect.gather [hbm4b:s2+s20], $0x1, s18, s20, $0xb8;
	[tilespmem:$0x10800] =	vst v63  }
0x3d: {  	_ = 	snop  }
0x3e: {  	[tilespmem:s31], [sflag:$0x4] =	stream.indirect.gather [hbm4b:s5+s20], $0x40, s12, s20, $0xb8;
	[tilespmem:$0x10800] =	vst v63  }
0x3f: {  	_ = 	snop  }
0x40: {  	[tilespmem:s15], [sflag:$0x4] =	stream.indirect.gather [hbm4b:s2+s20], $0x1, s12, s20, $0xb8;
	[tilespmem:$0x10800] =	vst v63  }
0x41: {  	s10 =	simm.s32 $0x300;
	s15 =	simm.s32 $0xC400  }
0x42: {  	[tilespmem:s15], [sflag:$0x4] =	stream.indirect.gather [hbm4b:s5+s20], $0x40, s10, s20, $0xb8;
	[tilespmem:$0x10800] =	vst v63  }
0x43: {  	_ = 	snop  }
0x44: {  	[tilespmem:s24], [sflag:$0x4] =	stream.indirect.gather [hbm4b:s2+s20], $0x1, s10, s20, $0xb8;
	[tilespmem:$0x10800] =	vst v63  }
0x45: {  	s15 =	simm.s32 $0xE400;
	s24 =	simm.s32 $0x380  }
0x46: {  	[tilespmem:s15], [sflag:$0x4] =	stream.indirect.gather [hbm4b:s5+s20], $0x40, s24, s20, $0xb8;
	[tilespmem:$0x10800] =	vst v63  }
0x47: {  	s15 =	simm.s32 $0x10780  }
0x48: {  	[tilespmem:s15], [sflag:$0x4] =	stream.indirect.gather [hbm4b:s2+s20], $0x1, s24, s20, $0xb8;
	[tilespmem:$0x10800] =	vst v63  }
0x49: {  	_ =	swait.ge [sflag:s23], $0x2000  }
0x4a: {  	[sflag:s23] =	ssyncset.done $0x0  }
0x4b: {  	[sflag:s23] =	ssyncadd.s32 $0xFFFFE000  }
0x4c: {  	_ =	swait.ge [sflag:s23], $0x80  }
0x4d: {  	[sflag:s23] =	ssyncset.done $0x0  }
0x4e: {  	[sflag:s23] =	ssyncadd.s32 $0xFFFFFF80  }
0x4f: {  	_ =	swait.ge [sflag:s23], $0x2000  }
0x50: {  	[sflag:s23] =	ssyncset.done $0x0  }
0x51: {  	[sflag:s23] =	ssyncadd.s32 $0xFFFFE000  }
0x52: {  	_ =	swait.ge [sflag:s23], $0x80  }
0x53: {  	[sflag:s23] =	ssyncset.done $0x0  }
0x54: {  	[sflag:s23] =	ssyncadd.s32 $0xFFFFFF80  }
0x55: {  	_ =	swait.ge [sflag:s23], $0x2000  }
0x56: {  	[sflag:s23] =	ssyncset.done $0x0  }
0x57: {  	[sflag:s23] =	ssyncadd.s32 $0xFFFFE000  }
0x58: {  	_ =	swait.ge [sflag:s23], $0x80  }
0x59: {  	[sflag:s23] =	ssyncset.done $0x0  }
0x5a: {  	[sflag:s23] =	ssyncadd.s32 $0xFFFFFF80  }
0x5b: {  	_ =	swait.ge [sflag:s23], $0x2000  }
0x5c: {  	[sflag:s23] =	ssyncset.done $0x0  }
0x5d: {  	[sflag:s23] =	ssyncadd.s32 $0xFFFFE000  }
0x5e: {  	_ =	swait.ge [sflag:s23], $0x80  }
0x5f: {  	[sflag:s23] =	ssyncset.done $0x0  }
0x60: {  	s15 =	simm.s32 $0x40;
	s10 =	rddreg [dreg:$0x8];
	[sflag:s23] =	ssyncadd.s32 $0xFFFFFF80  }
0x61: {  	[hbm4b:s10+s15] =	stream.strided.scatter [tilespmem:s21], [sflag:$0x5], $0x8000, s20, s15, $0x38;
	[tilespmem:$0x10800] =	vst v63  }
0x62: {  	s10 =	rddreg [dreg:$0x9]  }
0x63: {  	[hbm4b:s10+s3] =	stream.linear.scatter [tilespmem:s22], [sflag:$0x5], $0x200, $0x38;
	[tilespmem:$0x10800] =	vst v63  }
0x64: {  	s10 =	rddreg [dreg:$0xa]  }
0x65: {  	[tilespmem:s3], [sflag:$0x1] =	stream.linear.gather [hbm4b:s10+s3], $0x200, $0x38;
	[tilespmem:$0x10800] =	vst v63  }
0x66: {  	_ =	swait.ge [sflag:s26], $0x2000  }
0x67: {  	[sflag:s26] =	ssyncset.done $0x0  }
0x68: {  	[sflag:s26] =	ssyncadd.s32 $0xFFFFE000  }
0x69: {  	_ =	swait.ge [sflag:s26], $0x80  }
0x6a: {  	[sflag:s26] =	ssyncset.done $0x0  }
0x6b: {  	[sflag:s26] =	ssyncadd.s32 $0xFFFFFF80  }
0x6c: {  	_ =	swait.ge [sflag:s26], $0x2000  }
0x6d: {  	[sflag:s26] =	ssyncset.done $0x0  }
0x6e: {  	[sflag:s26] =	ssyncadd.s32 $0xFFFFE000  }
0x6f: {  	_ =	swait.ge [sflag:s26], $0x80  }
0x70: {  	[sflag:s26] =	ssyncset.done $0x0  }
0x71: {  	[sflag:s26] =	ssyncadd.s32 $0xFFFFFF80  }
0x72: {  	_ =	swait.ge [sflag:s26], $0x2000  }
0x73: {  	[sflag:s26] =	ssyncset.done $0x0  }
0x74: {  	[sflag:s26] =	ssyncadd.s32 $0xFFFFE000  }
0x75: {  	_ =	swait.ge [sflag:s26], $0x80  }
0x76: {  	[sflag:s26] =	ssyncset.done $0x0  }
0x77: {  	[sflag:s26] =	ssyncadd.s32 $0xFFFFFF80  }
0x78: {  	_ =	swait.ge [sflag:s26], $0x2000  }
0x79: {  	[sflag:s26] =	ssyncset.done $0x0  }
0x7a: {  	[sflag:s26] =	ssyncadd.s32 $0xFFFFE000  }
0x7b: {  	_ =	swait.ge [sflag:s26], $0x80  }
0x7c: {  	[sflag:s26] =	ssyncset.done $0x0  }
0x7d: {  	s10 =	rddreg [dreg:$0xb];
	[sflag:s26] =	ssyncadd.s32 $0xFFFFFF80  }
0x7e: {  	[hbm4b:s10+s15] =	stream.strided.scatter [tilespmem:s8], [sflag:$0x6], $0x8000, s20, s15, $0x38;
	[tilespmem:$0x10800] =	vst v63  }
0x7f: {  	s10 =	rddreg [dreg:$0xc]  }
0x80: {  	[hbm4b:s10+s3] =	stream.linear.scatter [tilespmem:s9], [sflag:$0x6], $0x200, $0x38;
	[tilespmem:$0x10800] =	vst v63  }
0x81: {  	s10 =	rddreg [dreg:$0xd]  }
0x82: {  	[tilespmem:s18], [sflag:$0x2] =	stream.linear.gather [hbm4b:s10+s3], $0x200, $0x38;
	[tilespmem:$0x10800] =	vst v63  }
0x83: {  	_ =	swait.ge [sflag:s28], $0x8000  }
0x84: {  	[sflag:s28] =	ssyncset.done $0x0  }
0x85: {  	[sflag:s28] =	ssyncadd.s32 $0xFFFF8000  }
0x86: {  	_ =	swait.ge [sflag:s28], $0x200  }
0x87: {  	[sflag:s28] =	ssyncset.done $0x0  }
0x88: {  	[sflag:s28] =	ssyncadd.s32 $0xFFFFFE00  }
0x89: {  	_ =	swait.ge [sflag:s19], $0x200  }
0x8a: {  	[sflag:s19] =	ssyncset.done $0x0  }
0x8b: {  	[sflag:s19] =	ssyncadd.s32 $0xFFFFFE00  }
0x8c: {  	[tilespmem:s21], [sflag:$0x3] =	stream.indirect.gather [hbm4b:s5+s20], $0x40, s3, s20, $0xb8;
	[tilespmem:$0x10800] =	vst v63  }
0x8d: {  	_ = 	snop  }
0x8e: {  	[tilespmem:s22], [sflag:$0x3] =	stream.indirect.gather [hbm4b:s2+s20], $0x1, s3, s20, $0xb8;
	[tilespmem:$0x10800] =	vst v63  }
0x8f: {  	_ = 	snop  }
0x90: {  	[tilespmem:s17], [sflag:$0x3] =	stream.indirect.gather [hbm4b:s5+s20], $0x40, s20, s20, $0xb8;
	[tilespmem:$0x10800] =	vst v63  }
0x91: {  	_ = 	snop  }
0x92: {  	[tilespmem:s25], [sflag:$0x3] =	stream.indirect.gather [hbm4b:s2+s20], $0x1, s20, s20, $0xb8;
	[tilespmem:$0x10800] =	vst v63  }
0x93: {  	_ = 	snop  }
0x94: {  	[tilespmem:s13], [sflag:$0x3] =	stream.indirect.gather [hbm4b:s5+s20], $0x40, s11, s20, $0xb8;
	[tilespmem:$0x10800] =	vst v63  }
0x95: {  	_ = 	snop  }
0x96: {  	[tilespmem:s14], [sflag:$0x3] =	stream.indirect.gather [hbm4b:s2+s20], $0x1, s11, s20, $0xb8;
	[tilespmem:$0x10800] =	vst v63  }
0x97: {  	_ = 	snop  }
0x98: {  	[tilespmem:s16], [sflag:$0x3] =	stream.indirect.gather [hbm4b:s5+s20], $0x40, s1, s20, $0xb8;
	[tilespmem:$0x10800] =	vst v63  }
0x99: {  	_ = 	snop  }
0x9a: {  	[tilespmem:s29], [sflag:$0x3] =	stream.indirect.gather [hbm4b:s2+s20], $0x1, s1, s20, $0xb8;
	[tilespmem:$0x10800] =	vst v63  }
0x9b: {  	_ =	swait.ge [sflag:s30], $0x8000  }
0x9c: {  	[sflag:s30] =	ssyncset.done $0x0  }
0x9d: {  	[sflag:s30] =	ssyncadd.s32 $0xFFFF8000  }
0x9e: {  	_ =	swait.ge [sflag:s30], $0x200  }
0x9f: {  	[sflag:s30] =	ssyncset.done $0x0  }
0xa0: {  	[sflag:s30] =	ssyncadd.s32 $0xFFFFFE00  }
0xa1: {  	s10 =	rddreg [dreg:$0x5];
	_ =	swait.ge [sflag:s0], $0x200  }
0xa2: {  	[sflag:s0] =	ssyncset.done $0x0  }
0xa3: {  	[sflag:s0] =	ssyncadd.s32 $0xFFFFFE00  }
0xa4: {  	[tilespmem:s8], [sflag:$0x4] =	stream.indirect.gather [hbm4b:s5+s20], $0x40, s18, s20, $0xb8;
	[tilespmem:$0x10800] =	vst v63  }
0xa5: {  	_ = 	snop  }
0xa6: {  	[tilespmem:s9], [sflag:$0x4] =	stream.indirect.gather [hbm4b:s2+s20], $0x1, s18, s20, $0xb8;
	[tilespmem:$0x10800] =	vst v63  }
0xa7: {  	_ = 	snop  }
0xa8: {  	[tilespmem:s31], [sflag:$0x4] =	stream.indirect.gather [hbm4b:s5+s20], $0x40, s12, s20, $0xb8;
	[tilespmem:$0x10800] =	vst v63  }
0xa9: {  	s11 =	simm.s32 $0x10680  }
0xaa: {  	[tilespmem:s11], [sflag:$0x4] =	stream.indirect.gather [hbm4b:s2+s20], $0x1, s12, s20, $0xb8;
	[tilespmem:$0x10800] =	vst v63  }
0xab: {  	s13 =	simm.s32 $0x300;
	s14 =	simm.s32 $0xC400  }
0xac: {  	[tilespmem:s14], [sflag:$0x4] =	stream.indirect.gather [hbm4b:s5+s20], $0x40, s13, s20, $0xb8;
	[tilespmem:$0x10800] =	vst v63  }
0xad: {  	s16 =	simm.s32 $0x10700  }
0xae: {  	[tilespmem:s16], [sflag:$0x4] =	stream.indirect.gather [hbm4b:s2+s20], $0x1, s13, s20, $0xb8;
	[tilespmem:$0x10800] =	vst v63  }
0xaf: {  	s8 =	simm.s32 $0xE400  }
0xb0: {  	[tilespmem:s8], [sflag:$0x4] =	stream.indirect.gather [hbm4b:s5+s20], $0x40, s24, s20, $0xb8;
	[tilespmem:$0x10800] =	vst v63  }
0xb1: {  	s9 =	simm.s32 $0x10780  }
0xb2: {  	[tilespmem:s9], [sflag:$0x4] =	stream.indirect.gather [hbm4b:s2+s20], $0x1, s24, s20, $0xb8;
	[tilespmem:$0x10800] =	vst v63  }
0xb3: {  	_ =	swait.ge [sflag:s23], $0x2000  }
0xb4: {  	[sflag:s23] =	ssyncset.done $0x0  }
0xb5: {  	[sflag:s23] =	ssyncadd.s32 $0xFFFFE000  }
0xb6: {  	_ =	swait.ge [sflag:s23], $0x80  }
0xb7: {  	[sflag:s23] =	ssyncset.done $0x0  }
0xb8: {  	[sflag:s23] =	ssyncadd.s32 $0xFFFFFF80  }
0xb9: {  	_ =	swait.ge [sflag:s23], $0x2000  }
0xba: {  	[sflag:s23] =	ssyncset.done $0x0  }
0xbb: {  	[sflag:s23] =	ssyncadd.s32 $0xFFFFE000  }
0xbc: {  	_ =	swait.ge [sflag:s23], $0x80  }
0xbd: {  	[sflag:s23] =	ssyncset.done $0x0  }
0xbe: {  	[sflag:s23] =	ssyncadd.s32 $0xFFFFFF80  }
0xbf: {  	_ =	swait.ge [sflag:s23], $0x2000  }
0xc0: {  	[sflag:s23] =	ssyncset.done $0x0  }
0xc1: {  	[sflag:s23] =	ssyncadd.s32 $0xFFFFE000  }
0xc2: {  	_ =	swait.ge [sflag:s23], $0x80  }
0xc3: {  	s24 =	sadd.s32 $0x0, s10;
	[sflag:s23] =	ssyncset.done $0x0  }
0xc4: {  	s10 =	sadd.s32 $0x2, s24;
	[sflag:s23] =	ssyncadd.s32 $0xFFFFFF80  }
0xc5: {  	s11 =	sshrl.u32 s10, $0x3;
	_ =	swait.ge [sflag:s23], $0x2000  }
0xc6: {  	s14 =	sshll.u32 s11, $0x10;
	[sflag:s23] =	ssyncset.done $0x0;
	s16 =	rddreg [dreg:$0xf]  }
0xc7: {  	s13 =	sshll.u32 s11, $0xC;
	s10 =	sadd.s32 $0x400, s16;
	[sflag:s23] =	ssyncadd.s32 $0xFFFFE000  }
0xc8: {  	s14 =	sadd.s32 s6, s14;
	s11 =	sand.u32 $0xC00, s10;
	_ =	swait.ge [sflag:s23], $0x80  }
0xc9: {  	s13 =	sor.u32 s11, s13;
	s11 =	sshll.u32 s11, $0x4;
	[sflag:s23] =	ssyncset.done $0x0  }
0xca: {  	s31 =	simm.s32 $0x2;
	s11 =	sadd.s32 s11, s14;
	[sflag:s23] =	ssyncadd.s32 $0xFFFFFF80  }
0xcb: {  	[hbm4b:s11+s15] =	stream.strided.scatter [tilespmem:s21], [sflag:$0x5], $0x8000, s20, s15, $0x38;
	[tilespmem:$0x10800] =	vst v63  }
0xcc: {  	s14 =	rddreg [dreg:$0x3];
	s11 =	sshrl.u32 s13, $0x3;
	s13 =	smin.u32 s31, $0x2F  }
0xcd: {  	s13 =	sadd.s32 s13, s14;
	s11 =	sadd.s32 s7, s11  }
0xce: {  	[hbm4b:s11+s3] =	stream.linear.scatter [tilespmem:s22], [sflag:$0x5], $0x200, $0x38;
	[tilespmem:$0x10800] =	vst v63  }
0xcf: {  	s13 =	sshll.u32 s13, $0x6  }
0xd0: {  	s11 =	sadd.s32 s4, s13  }
0xd1: {  	[tilespmem:s3], [sflag:$0x1] =	stream.linear.gather [hbm4b:s11+s3], $0x200, $0x38;
	[tilespmem:$0x10800] =	vst v63  }
0xd2: {  	_ =	swait.ge [sflag:s26], $0x2000  }
0xd3: {  	[sflag:s26] =	ssyncset.done $0x0  }
0xd4: {  	[sflag:s26] =	ssyncadd.s32 $0xFFFFE000  }
0xd5: {  	_ =	swait.ge [sflag:s26], $0x80  }
0xd6: {  	[sflag:s26] =	ssyncset.done $0x0  }
0xd7: {  	[sflag:s26] =	ssyncadd.s32 $0xFFFFFF80  }
0xd8: {  	_ =	swait.ge [sflag:s26], $0x2000  }
0xd9: {  	[sflag:s26] =	ssyncset.done $0x0  }
0xda: {  	[sflag:s26] =	ssyncadd.s32 $0xFFFFE000  }
0xdb: {  	_ =	swait.ge [sflag:s26], $0x80  }
0xdc: {  	[sflag:s26] =	ssyncset.done $0x0  }
0xdd: {  	[sflag:s26] =	ssyncadd.s32 $0xFFFFFF80  }
0xde: {  	_ =	swait.ge [sflag:s26], $0x2000  }
0xdf: {  	[sflag:s26] =	ssyncset.done $0x0  }
0xe0: {  	[sflag:s26] =	ssyncadd.s32 $0xFFFFE000  }
0xe1: {  	_ =	swait.ge [sflag:s26], $0x80  }
0xe2: {  	[sflag:s26] =	ssyncset.done $0x0  }
0xe3: {  	s1 =	simm.s32 $0x180;
	s8 =	simm.s32 $0x8400;
	[sflag:s26] =	ssyncadd.s32 $0xFFFFFF80  }
0xe4: {  	s9 =	simm.s32 $0x10600;
	s14 =	sadd.s32 $0x3, s24;
	_ =	swait.ge [sflag:s26], $0x2000  }
0xe5: {  	s16 =	sadd.s32 $0x600, s16;
	s11 =	sshrl.u32 s14, $0x3;
	[sflag:s26] =	ssyncset.done $0x0  }
0xe6: {  	s13 =	sand.u32 $0xE00, s16;
	s24 =	sshll.u32 s11, $0x10;
	[sflag:s26] =	ssyncadd.s32 $0xFFFFE000  }
0xe7: {  	s11 =	sshll.u32 s11, $0xC;
	s14 =	sadd.s32 s6, s24;
	_ =	swait.ge [sflag:s26], $0x80  }
0xe8: {  	s11 =	sor.u32 s13, s11;
	s13 =	sshll.u32 s13, $0x4;
	[sflag:s26] =	ssyncset.done $0x0  }
0xe9: {  	s13 =	sadd.s32 s13, s14;
	s11 =	sshrl.u32 s11, $0x3;
	[sflag:s26] =	ssyncadd.s32 $0xFFFFFF80  }
0xea: {  	[hbm4b:s13+s15] =	stream.strided.scatter [tilespmem:s8], [sflag:$0x6], $0x8000, s20, s15, $0x38;
	[tilespmem:$0x10800] =	vst v63  }
0xeb: {  	s24 =	smin.u32 s31, $0x2E;
	s11 =	sadd.s32 s7, s11;
	s16 =	rddreg [dreg:$0x4]  }
0xec: {  	[hbm4b:s11+s3] =	stream.linear.scatter [tilespmem:s9], [sflag:$0x6], $0x200, $0x38;
	[tilespmem:$0x10800] =	vst v63  }
0xed: {  	s29 =	simm.s32 $0x100;
	s12 =	simm.s32 $0x280;
	s11 =	sadd.s32 s24, s16  }
.LBB2_2:
0xee: {  	s13 =	sshll.u32 s11, $0x6  }
0xef: {  	s13 =	sadd.s32 s4, s13  }
0xf0: {  	[tilespmem:s18], [sflag:$0x2] =	stream.linear.gather [hbm4b:s13+s3], $0x200, $0x38;
	[tilespmem:$0x10800] =	vst v63  }
0xf1: {  	_ =	swait.ge [sflag:s28], $0x8000  }
0xf2: {  	[sflag:s28] =	ssyncset.done $0x0  }
0xf3: {  	[sflag:s28] =	ssyncadd.s32 $0xFFFF8000  }
0xf4: {  	_ =	swait.ge [sflag:s28], $0x200  }
0xf5: {  	[sflag:s28] =	ssyncset.done $0x0  }
0xf6: {  	[sflag:s28] =	ssyncadd.s32 $0xFFFFFE00  }
0xf7: {  	_ =	swait.ge [sflag:s19], $0x200  }
0xf8: {  	[sflag:s19] =	ssyncset.done $0x0  }
0xf9: {  	[sflag:s19] =	ssyncadd.s32 $0xFFFFFE00  }
0xfa: {  	[tilespmem:s21], [sflag:$0x3] =	stream.indirect.gather [hbm4b:s5+s20], $0x40, s3, s20, $0xb8;
	[tilespmem:$0x10800] =	vst v63  }
0xfb: {  	_ = 	snop  }
0xfc: {  	[tilespmem:s22], [sflag:$0x3] =	stream.indirect.gather [hbm4b:s2+s20], $0x1, s3, s20, $0xb8;
	[tilespmem:$0x10800] =	vst v63  }
0xfd: {  	_ = 	snop  }
0xfe: {  	[tilespmem:s17], [sflag:$0x3] =	stream.indirect.gather [hbm4b:s5+s20], $0x40, s20, s20, $0xb8;
	[tilespmem:$0x10800] =	vst v63  }
0xff: {  	_ = 	snop  }
0x100: {  	[tilespmem:s25], [sflag:$0x3] =	stream.indirect.gather [hbm4b:s2+s20], $0x1, s20, s20, $0xb8;
	[tilespmem:$0x10800] =	vst v63  }
0x101: {  	s16 =	simm.s32 $0x4400  }
0x102: {  	[tilespmem:s16], [sflag:$0x3] =	stream.indirect.gather [hbm4b:s5+s20], $0x40, s29, s20, $0xb8;
	[tilespmem:$0x10800] =	vst v63  }
0x103: {  	s17 =	simm.s32 $0x10500  }
0x104: {  	[tilespmem:s17], [sflag:$0x3] =	stream.indirect.gather [hbm4b:s2+s20], $0x1, s29, s20, $0xb8;
	[tilespmem:$0x10800] =	vst v63  }
0x105: {  	s21 =	simm.s32 $0x6400  }
0x106: {  	[tilespmem:s21], [sflag:$0x3] =	stream.indirect.gather [hbm4b:s5+s20], $0x40, s1, s20, $0xb8;
	[tilespmem:$0x10800] =	vst v63  }
0x107: {  	s22 =	simm.s32 $0x10580  }
0x108: {  	[tilespmem:s22], [sflag:$0x3] =	stream.indirect.gather [hbm4b:s2+s20], $0x1, s1, s20, $0xb8;
	[tilespmem:$0x10800] =	vst v63  }
0x109: {  	_ =	swait.ge [sflag:s30], $0x8000  }
0x10a: {  	[sflag:s30] =	ssyncset.done $0x0  }
0x10b: {  	[sflag:s30] =	ssyncadd.s32 $0xFFFF8000  }
0x10c: {  	_ =	swait.ge [sflag:s30], $0x200  }
0x10d: {  	[sflag:s30] =	ssyncset.done $0x0  }
0x10e: {  	[sflag:s30] =	ssyncadd.s32 $0xFFFFFE00  }
0x10f: {  	s24 =	rddreg [dreg:$0x5];
	_ =	swait.ge [sflag:s0], $0x200  }
0x110: {  	s14 =	smov.u32 s31;
	s22 =	simm.s32 $0x10680;
	[sflag:s0] =	ssyncset.done $0x0  }
0x111: {  	s11 =	sadd.s32 s14, s24;
	s14 =	sadd.s32 $0x600, s10;
	[sflag:s0] =	ssyncadd.s32 $0xFFFFFE00  }
0x112: {  	[tilespmem:s8], [sflag:$0x4] =	stream.indirect.gather [hbm4b:s5+s20], $0x40, s18, s20, $0xb8;
	[tilespmem:$0x10800] =	vst v63  }
0x113: {  	s10 =	sadd.s32 $0x400, s10;
	s24 =	simm.s32 $0x300;
	s16 =	sadd.s32 $0x2, s11  }
0x114: {  	[tilespmem:s9], [sflag:$0x4] =	stream.indirect.gather [hbm4b:s2+s20], $0x1, s18, s20, $0xb8;
	[tilespmem:$0x10800] =	vst v63  }
0x115: {  	s13 =	sadd.s32 $0x3, s11;
	s25 =	sshrl.u32 s16, $0x3;
	s16 =	simm.s32 $0xA400  }
0x116: {  	[tilespmem:s16], [sflag:$0x4] =	stream.indirect.gather [hbm4b:s5+s20], $0x40, s12, s20, $0xb8;
	[tilespmem:$0x10800] =	vst v63  }
0x117: {  	s11 =	sand.u32 $0xE00, s14;
	s17 =	sshrl.u32 s13, $0x3;
	s21 =	sshll.u32 s25, $0x10  }
0x118: {  	[tilespmem:s22], [sflag:$0x4] =	stream.indirect.gather [hbm4b:s2+s20], $0x1, s12, s20, $0xb8;
	[tilespmem:$0x10800] =	vst v63  }
0x119: {  	s13 =	sshll.u32 s25, $0xC;
	s16 =	sand.u32 $0xC00, s10;
	s22 =	simm.s32 $0xC400  }
0x11a: {  	[tilespmem:s22], [sflag:$0x4] =	stream.indirect.gather [hbm4b:s5+s20], $0x40, s24, s20, $0xb8;
	[tilespmem:$0x10800] =	vst v63  }
0x11b: {  	s14 =	sadd.s32 s6, s21;
	s21 =	sshll.u32 s17, $0x10;
	s22 =	sshll.u32 s16, $0x4  }
0x11c: {  	s16 =	sor.u32 s16, s13;
	s13 =	sadd.s32 s6, s21;
	s21 =	simm.s32 $0x10700  }
0x11d: {  	[tilespmem:s21], [sflag:$0x4] =	stream.indirect.gather [hbm4b:s2+s20], $0x1, s24, s20, $0xb8;
	[tilespmem:$0x10800] =	vst v63  }
0x11e: {  	s21 =	sadd.s32 s22, s14  }
0x11f: {  	s14 =	sshll.u32 s17, $0xC;
	s17 =	simm.s32 $0x380;
	s24 =	simm.s32 $0xE400  }
0x120: {  	[tilespmem:s24], [sflag:$0x4] =	stream.indirect.gather [hbm4b:s5+s20], $0x40, s17, s20, $0xb8;
	[tilespmem:$0x10800] =	vst v63  }
0x121: {  	s24 =	simm.s32 $0x10780  }
0x122: {  	[tilespmem:s24], [sflag:$0x4] =	stream.indirect.gather [hbm4b:s2+s20], $0x1, s17, s20, $0xb8;
	[tilespmem:$0x10800] =	vst v63  }
0x123: {  	_ =	swait.ge [sflag:s23], $0x2000  }
0x124: {  	[sflag:s23] =	ssyncset.done $0x0  }
0x125: {  	[sflag:s23] =	ssyncadd.s32 $0xFFFFE000  }
0x126: {  	_ =	swait.ge [sflag:s23], $0x80  }
0x127: {  	[sflag:s23] =	ssyncset.done $0x0  }
0x128: {  	[sflag:s23] =	ssyncadd.s32 $0xFFFFFF80  }
0x129: {  	_ =	swait.ge [sflag:s23], $0x2000  }
0x12a: {  	[sflag:s23] =	ssyncset.done $0x0  }
0x12b: {  	[sflag:s23] =	ssyncadd.s32 $0xFFFFE000  }
0x12c: {  	_ =	swait.ge [sflag:s23], $0x80  }
0x12d: {  	[sflag:s23] =	ssyncset.done $0x0  }
0x12e: {  	[sflag:s23] =	ssyncadd.s32 $0xFFFFFF80  }
0x12f: {  	_ =	swait.ge [sflag:s23], $0x2000  }
0x130: {  	[sflag:s23] =	ssyncset.done $0x0  }
0x131: {  	[sflag:s23] =	ssyncadd.s32 $0xFFFFE000  }
0x132: {  	_ =	swait.ge [sflag:s23], $0x80  }
0x133: {  	[sflag:s23] =	ssyncset.done $0x0  }
0x134: {  	[sflag:s23] =	ssyncadd.s32 $0xFFFFFF80  }
0x135: {  	_ =	swait.ge [sflag:s23], $0x2000  }
0x136: {  	[sflag:s23] =	ssyncset.done $0x0  }
0x137: {  	p0 =	sne.s32 s31, $0x2E;
	[sflag:s23] =	ssyncadd.s32 $0xFFFFE000  }
0x138: {  	s31 =	sadd.s32 $0x2, s31;
	s25 =	simm.s32 $0x400;
	_ =	swait.ge [sflag:s23], $0x80  }
0x139: {  	s24 =	smin.u32 s31, $0x2F;
	[sflag:s23] =	ssyncset.done $0x0;
	s22 =	rddreg [dreg:$0x3]  }
0x13a: {  	s16 =	sshrl.u32 s16, $0x3;
	[sflag:s23] =	ssyncadd.s32 $0xFFFFFF80;
	s17 =	sadd.s32 s24, s22  }
0x13b: {  	[hbm4b:s21+s15] =	stream.strided.scatter [tilespmem:s25], [sflag:$0x5], $0x8000, s20, s15, $0x38;
	[tilespmem:$0x10800] =	vst v63  }
0x13c: {  	s16 =	sadd.s32 s7, s16;
	s22 =	simm.s32 $0x10400;
	s17 =	sshll.u32 s17, $0x6  }
0x13d: {  	[hbm4b:s16+s3] =	stream.linear.scatter [tilespmem:s22], [sflag:$0x5], $0x200, $0x38;
	[tilespmem:$0x10800] =	vst v63  }
0x13e: {  	s16 =	sadd.s32 s4, s17  }
0x13f: {  	[tilespmem:s3], [sflag:$0x1] =	stream.linear.gather [hbm4b:s16+s3], $0x200, $0x38;
	[tilespmem:$0x10800] =	vst v63  }
0x140: {  	_ =	swait.ge [sflag:s26], $0x2000  }
0x141: {  	[sflag:s26] =	ssyncset.done $0x0  }
0x142: {  	[sflag:s26] =	ssyncadd.s32 $0xFFFFE000  }
0x143: {  	_ =	swait.ge [sflag:s26], $0x80  }
0x144: {  	[sflag:s26] =	ssyncset.done $0x0  }
0x145: {  	[sflag:s26] =	ssyncadd.s32 $0xFFFFFF80  }
0x146: {  	_ =	swait.ge [sflag:s26], $0x2000  }
0x147: {  	[sflag:s26] =	ssyncset.done $0x0  }
0x148: {  	[sflag:s26] =	ssyncadd.s32 $0xFFFFE000  }
0x149: {  	_ =	swait.ge [sflag:s26], $0x80  }
0x14a: {  	[sflag:s26] =	ssyncset.done $0x0  }
0x14b: {  	[sflag:s26] =	ssyncadd.s32 $0xFFFFFF80  }
0x14c: {  	_ =	swait.ge [sflag:s26], $0x2000  }
0x14d: {  	[sflag:s26] =	ssyncset.done $0x0  }
0x14e: {  	[sflag:s26] =	ssyncadd.s32 $0xFFFFE000  }
0x14f: {  	_ =	swait.ge [sflag:s26], $0x80  }
0x150: {  	[sflag:s26] =	ssyncset.done $0x0  }
0x151: {  	[sflag:s26] =	ssyncadd.s32 $0xFFFFFF80  }
0x152: {  	_ =	swait.ge [sflag:s26], $0x2000  }
0x153: {  	s14 =	sor.u32 s11, s14;
	[sflag:s26] =	ssyncset.done $0x0  }
0x154: {  	s11 =	sshll.u32 s11, $0x4;
	s14 =	sshrl.u32 s14, $0x3;
	[sflag:s26] =	ssyncadd.s32 $0xFFFFE000  }
0x155: {  	s11 =	sadd.s32 s11, s13;
	s24 =	sadd.s32 s7, s14;
	_ =	swait.ge [sflag:s26], $0x80  }
.Ltmp0:
0x156: {  	s25 =	simm.s32 $0x10480;
	[sflag:s26] =	ssyncset.done $0x0;
	(pc) =	sbr.rel @p0 .LBB2_2-.Ltmp0, $4  }
0x157: {  	s17 =	smin.u32 s31, $0x2E;
	s16 =	rddreg [dreg:$0x4];
	[sflag:s26] =	ssyncadd.s32 $0xFFFFFF80  }
0x158: {  	[hbm4b:s11+s15] =	stream.strided.scatter [tilespmem:s8], [sflag:$0x6], $0x8000, s20, s15, $0x38;
	[tilespmem:$0x10800] =	vst v63  }
0x159: {  	s21 =	simm.s32 $0x400;
	s11 =	sadd.s32 s17, s16;
	s17 =	simm.s32 $0x2400  }
0x15a: {  	[hbm4b:s24+s3] =	stream.linear.scatter [tilespmem:s9], [sflag:$0x6], $0x200, $0x38;
	[tilespmem:$0x10800] =	vst v63  }
0x15b: {  	s10 =	sshll.u32 s11, $0x6  }
0x15c: {  	s10 =	sadd.s32 s4, s10  }
0x15d: {  	[tilespmem:s18], [sflag:$0x2] =	stream.linear.gather [hbm4b:s10+s3], $0x200, $0x38;
	[tilespmem:$0x10800] =	vst v63  }
0x15e: {  	_ =	swait.ge [sflag:s28], $0x8000  }
0x15f: {  	[sflag:s28] =	ssyncset.done $0x0  }
0x160: {  	[sflag:s28] =	ssyncadd.s32 $0xFFFF8000  }
0x161: {  	_ =	swait.ge [sflag:s28], $0x200  }
0x162: {  	[sflag:s28] =	ssyncset.done $0x0  }
0x163: {  	[sflag:s28] =	ssyncadd.s32 $0xFFFFFE00  }
0x164: {  	_ =	swait.ge [sflag:s30], $0x8000  }
0x165: {  	[sflag:s30] =	ssyncset.done $0x0  }
0x166: {  	[sflag:s30] =	ssyncadd.s32 $0xFFFF8000  }
0x167: {  	_ =	swait.ge [sflag:s30], $0x200  }
0x168: {  	[sflag:s30] =	ssyncset.done $0x0  }
0x169: {  	[sflag:s30] =	ssyncadd.s32 $0xFFFFFE00  }
0x16a: {  	_ =	swait.ge [sflag:s19], $0x200  }
0x16b: {  	[sflag:s19] =	ssyncset.done $0x0  }
0x16c: {  	[sflag:s19] =	ssyncadd.s32 $0xFFFFFE00  }
0x16d: {  	_ =	swait.ge [sflag:s0], $0x200  }
0x16e: {  	s1 =	rddreg [dreg:$0x10]  }
0x16f: {  	s24 =	rddreg [dreg:$0xe];
	s1 =	sadd.s32 $0x1, s1  }
0x170: {  	s11 =	simm.s32 $0x100;
	p0 =	sne.s32 s1, s24  }
.Ltmp1:
0x171: {  	s13 =	simm.s32 $0x4400;
	s14 =	simm.s32 $0x10500;
	(pc) =	sbr.rel @p0 .LBB2_1-.Ltmp1, $4  }
0x172: {  	s16 =	simm.s32 $0x6400;
	s29 =	simm.s32 $0x10580;
	s8 =	simm.s32 $0x8400  }
0x173: {  	s9 =	simm.s32 $0x10600;
	s12 =	simm.s32 $0x280;
	[sflag:s0] =	ssyncset.done $0x0  }
0x174: {  	s31 =	simm.s32 $0xA400;
	s15 =	simm.s32 $0x10680;
	[sflag:s0] =	ssyncadd.s32 $0xFFFFFE00  }
0x175: {  	[dreg:$0x10] =	wrdreg s1;
	s1 =	simm.s32 $0x180;
	s24 =	simm.s32 $0x10700  }
0x176: {  	_ =	sfence.sel $0x180000  }
0x177: {  	[bflag:$0x0] =	sbarrier.arrive $0xFFFF  }
0x178: {  	_ =	strace $0x90000047  }
0x179: {  	s0 =	stileid.u32;
	[bflag:$0x2] =	sbarrier.arrive $0xFFFF  }
0x17a: {  	p0 =	sne.s32 s0, $0x0;
	s0 =	rddreg [dreg:$0x2]  }
0x17b: {  	s0 =	sadd.s32 @!p0 $0x100000, s0  }
0x17c: {  	[sflag:s0] =	ssyncadd.tile.s32 @!p0 $0x1;
	_ =	shalt  }
.Lfunc_end2:
_tile_overlayer_lowered:
.L_overlay_start_2:
0x17d: {  	(tag) =	ssettag $0x2  }
0x17e: {  	s0 =	rddreg [dreg:$0x0];
	s2 =	stileid.u32  }
0x17f: {  	s1 =	rddreg [dreg:$0x1];
	p0 =	sne.s32 s2, $0x0  }
0x180: {  	s3 =	rddreg [dreg:$0x2];
	[bflag:$0x3] =	sbarrier.arrive $0xFFFF;
	s2 =	simm.s32 @!p0 $0x1C07  }
0x181: {  	[timem:s3], [sflag:s2] =	dma.local @!p0 [hbm:s0], s1  }
0x182: {  	s0 =	simm.s32 @!p0 $0x7  }
0x183: {  	_ =	swait.ge @!p0 [sflag:s0], s1  }
0x184: {  	s1 =	ssub.s32 @!p0 $0x0, s1;
	[sflag:s0] =	ssyncset.done @!p0 $0x0  }
0x185: {  	[sflag:s0] =	ssyncadd.s32 @!p0 s1  }
0x186: {  	[bflag:$0x3] =	sbarrier.arrive $0xFFFF  }
0x187: {  	_ =	shalt  }

// kernel: sparse-core-data-format-call.cloned.1.call-start
scs
called_computation_lowered:
.L_overlay_start_0:
0x0: {  	s2 =	sld [smem:$0x3FD9]  }
0x1: {  	s3 =	sld [smem:$0x3FFE];
	_ =	sdelay $0x1  }
0x2: {  	s1 =	srdreg.scid  }
0x3: {  	s0 =	sand.u32 $0x1, s1  }
0x4: {  	s15 =	sshll.u32 s0, $0xA;
	s2 =	sadd.s32 s3, s2  }
0x5: {  	s2 =	sadd.s32 s2, s15  }
0x6: {  	[smem:$0x3FC5] =	sst s2  }
0x7: {  	_ = 	snop  }
0x8: {  	s2 =	sld [smem:$0x3FD0];
	_ =	sdelay $0x2  }
0x9: {  	s16 =	simm.s32 $0xA;
	s4 =	simm.s32 $0x10  }
0xa: {  	[smem:s4], [sflag:s16] =	dma.local [hbm:s2], $0x1  }
0xb: {  	_ =	swait.eq [sflag:s16], $0x1  }
0xc: {  	[sflag:s16] =	ssyncset.done $0x0  }
0xd: {  	[sflag:s16] =	ssyncadd.s32 $0xFFFFFFFF  }
0xe: {  	s17 =	sld [smem:$0x10];
	(tm) =	ssettm $0x1  }
0xf: {  	s18 =	sld [smem:$0x3FFB];
	_ =	sdelay $0x3  }
0x10: {  	_ =	strace s18  }
0x11: {  	s3 =	sld [smem:$0x3FFC];
	_ =	sdelay $0x3  }
0x12: {  	_ =	strace s3  }
0x13: {  	s3 =	sld [smem:$0x3FFD];
	_ =	sdelay $0x3  }
0x14: {  	_ =	strace s3  }
0x15: {  	_ =	strace $0x8FFFFFFF  }
0x16: {  	s19 =	sld [smem:$0x3FDB];
	_ =	sdelay $0x1  }
0x17: {  	s20 =	simm.s32 $_scs_section_size  }
0x18: {  	s5 =	simm.s32 $_size__tile_overlayer_lowered;
	s6 =	simm.s32 $_tile_overlayer_lowered  }
0x19: {  	s23 =	simm.s32 $0x1BFF;
	s22 =	sshll.u32 s6, $0x1;
	s3 =	sadd.s32 s20, s19  }
0x1a: {  	s7 =	simm.s32 $0x0;
	s21 =	sshll.u32 s5, $0x1;
	s5 =	sadd.s32 s22, s3  }
0x1b: {  	[timem:s7], [sflag:s23] =	dma.local [hbm:s5], s21  }
0x1c: {  	_ =	swait.ge [sflag:s23], s21  }
0x1d: {  	s4 =	ssub.s32 $0x0, s21;
	[sflag:s23] =	ssyncset.done $0x0  }
0x1e: {  	[sflag:s23] =	ssyncadd.s32 s4;
	_ =	sdelay $0x1  }
0x1f: {  	s24 =	simm.s32 $0x1B8B  }
0x20: {  	_ =	swait.ge [sflag:s24], $0x1  }
0x21: {  	[sflag:s24] =	ssyncset.done $0x0  }
0x22: {  	s26 =	simm.s32 $0x1B8E;
	s25 =	sld [smem:$0x3FFE];
	[sflag:s24] =	ssyncadd.s32 $0xFFFFFFFF  }
0x23: {  	s27 =	simm.s32 $execute0_lowered;
	[smem:$0x3FD2] =	sst s26  }
0x24: {  	s5 =	sshll.u32 s27, $0x1;
	_ =	strace $0x80000049;
	[dreg:$0x1] =	wrdreg $0xFFFFFFFF  }
0x25: {  	s28 =	simm.s32 $_size_execute0_lowered;
	s3 =	sadd.s32 s3, s5;
	[dreg:$0x0] =	wrdreg $0x0  }
0x26: {  	s5 =	sshll.u32 s28, $0x1;
	[dreg:$0x2] =	wrdreg s3  }
0x27: {  	[dreg:$0x3] =	wrdreg s5  }
0x28: {  	[dreg:$0x4] =	wrdreg $0xC0  }
0x29: {  	_ =	task [dreg:s7], $0x5FFFF  }
0x2a: {  	[dreg:$0x1] =	wrdreg $0xFFFFFFFF  }
0x2b: {  	[dreg:$0x0] =	wrdreg $0x60  }
0x2c: {  	[dreg:$0x2] =	wrdreg s25  }
0x2d: {  	[dreg:$0x3] =	wrdreg s17  }
0x2e: {  	[dreg:$0x4] =	wrdreg $0x9  }
0x2f: {  	_ =	task.clear_ibuf [dreg:s7], $0x5FFFF;
	_ =	strace $0x90000049  }
0x30: {  	s29 =	simm.s32 $0x9;
	_ =	strace $0x8000004B  }
0x31: {  	_ =	swait.ge [sflag:s29], $0x1  }
0x32: {  	[sflag:s29] =	ssyncadd.s32 $0xFFFFFFFF  }
0x33: {  	_ =	strace $0x9000004B  }
0x34: {  	_ =	sfence  }
0x35: {  	s30 =	sld [smem:$0x0];
	_ =	sdelay $0x2  }
0x36: {  	s31 =	sshll.u32 s1, $0xD;
	s1 =	sshrl.u32 s1, $0x2  }
0x37: {  	s3 =	sand.u32 $0x4000, s31;
	s1 =	sadd.s32 s1, s30  }
0x38: {  	s0 =	sor.u32 s3, s0;
	s1 =	sshll.u32 s1, $0x11  }
0x39: {  	s0 =	sor.u32 s1, s0  }
0x3a: {  	s0 =	sadd.s32 $0x8F2B, s0  }
0x3b: {  	[sflag:s0] =	ssyncadd.remote.s32 $0x1  }
0x3c: {  	_ =	sfence.sel $0xFFFF  }
0x3d: {  	[dreg:$0x0] =	wrdreg $0xFFFFFFFF;
	(pc) =	sbr.abs _section_cstart, $3  }
0x3e: {  	[dreg:$0x1] =	wrdreg $0xFFFFFFFF  }
0x3f: {  	_ =	task.clear_ibuf [dreg:s7], $0x2FFFF;
	_ =	strace $0x9FFFFFFF  }
0x40: {  	(tm) =	ssettm $0x7FFFFFFF  }
0x41: {  	_ =	shalt  }
tec
execute0_lowered:
.L_overlay_start_1:
0x0: {  	(tag) =	ssettag $0x1  }
0x1: {  	s0 =	srdreg.scid  }
0x2: {  	s1 =	sshll.u32 s0, $0x4  }
0x3: {  	s5 =	rddreg [dreg:$0x0];
	s0 =	stileid.u32;
	s1 =	sand.u32 $0x10, s1  }
0x4: {  	s3 =	rddreg [dreg:$0x1];
	s31 =	simm.s32 $0x2;
	s4 =	sor.u32 s0, s1  }
0x5: {  	s13 =	simm.s32 $0x0;
	s9 =	simm.s32 $0x400;
	s2 =	sshll.u32 s4, $0x7  }
0x6: {  	s10 =	simm.s32 $0x8000;
	s14 =	simm.s32 $0x0;
	s6 =	ssub.s32 $0x1000, s2  }
0x7: {  	s1 =	rddreg [dreg:$0x2];
	_ =	strace $0x8000004A;
	s7 =	sand.u32 $0xF80, s6  }
0x8: {  	s4 =	sshll.u32 s4, $0xB;
	p0 =	sne.s32 s7, $0x0;
	s7 =	simm.s32 $0x1  }
.Ltmp0:
0x9: {  	s6 =	sshrl.u32 s6, $0xC;
	s7 =	simm.s32 @!p0 $0x0;
	(pc) =	sbr.rel .LBB1_1-.Ltmp0, $4  }
0xa: {  	s8 =	sadd.s32 s4, s5;
	s4 =	simm.s32 $0x1;
	s30 =	sadd.s32 s7, s6  }
0xb: {  	s11 =	simm.s32 $0x0;
	[sflag:s4] =	ssyncpa.u1 $0x0;
	s5 =	smul.u32 $0x64, s30  }
0xc: {  	s12 =	simm.s32 $0x0;
	[sflag:s31] =	ssyncpa.u1 $0x0;
	p0 =	por $0x0, $0x0  }
0xd: {  	s6 =	sadd.s32 $0xCB2C00, s8;
	s7 =	sadd.s32 $0xCC2C00, s8;
	s8 =	sor.u32 $0x1, s5  }
.LBB1_7:
0xe: {  	s15 =	sadd.s32 $0x2, s11  }
0xf: {  	p2 =	sgt.s32 s15, $0xC7  }
0x10: {  	s15 =	simm.s32 @p2 $0x0;
	p2 =	sne.s32 s12, s8  }
.Ltmp1:
0x11: {  	p1 =	slt.u32 s12, $0x2;
	(pc) =	sbr.rel @!p2 .LBB1_8-.Ltmp1, $4  }
0x12: {  	s13 =	simm.s32 @!p1 $0x2  }
0x13: {  	s16 =	sadd.s32 $0x1, s12;
	s14 =	smov.u32 s11;
	_ =	swait.ge @!p1 [sflag:s13], $0x4000  }
0x14: {  	p0 =	por !p0, !p0;
	s12 =	smov.u32 s16;
	[sflag:s13] =	ssyncset.done @!p1 $0x0  }
0x15: {  	s11 =	smov.u32 s15;
	[sflag:s13] =	ssyncadd.s32 @!p1 $0xFFFFC000;
	s13 =	smov.u32 s2  }
.LBB1_1:
0x16: {  	p1 =	sge.u32 s12, s5  }
0x17: {  	s15 =	sxor.u32 @!p1 $0xFFFFFFFF, s12  }
0x18: {  	s16 =	sshll.u32 @!p1 s11, $0x10;
	s18 =	simm.s32 @!p1 $0x40;
	s15 =	sshll.u32 @!p1 s15, $0xE  }
0x19: {  	s19 =	simm.s32 @!p1 $0x80;
	s17 =	sadd.s32 @!p1 s16, s6;
	s15 =	sand.u32 @!p1 $0x4000, s15  }
0x1a: {  	[tilespmem:s15], [sflag:$0x1] =	stream.strided.gather @!p1 [hbm4b:s17+s18], $0x2000, s19, s18, $0x38;
	[tilespmem:$0x10100] =	vst v63  }
0x1b: {  	s31 =	sadd.s32 $0xFFFFFFFF, s12;
	s16 =	sadd.s32 @!p1 s16, s7;
	s15 =	sor.u32 @!p1 $0x2000, s15  }
0x1c: {  	[tilespmem:s15], [sflag:$0x1] =	stream.strided.gather @!p1 [hbm4b:s16+s18], $0x2000, s19, s18, $0x38;
	[tilespmem:$0x10100] =	vst v63  }
0x1d: {  	p1 =	sge.u32 s31, s5  }
.Ltmp2:
0x1e: {  	_ = 	snop;
	(pc) =	sbr.rel @p1 .LBB1_7-.Ltmp2, $1  }
0x1f: {  	_ =	sdelay $0x3  }
0x20: {  	s15 =	simm.s32 $0x1;
	s17 =	sand.u32 $0x1, s12  }
0x21: {  	_ =	swait.ge [sflag:s4], $0x4000;
	s15 =	simm.s32 @!p0 $0x0;
	s17 =	smul.u32 $0x10200, s17  }
0x22: {  	p2 =	por $0x1, $0x1;
	[sflag:s4] =	ssyncset.done $0x0;
	s16 =	smul.u32 $0x10200, s15  }
0x23: {  	s18 =	sshll.u32 s15, $0x10;
	[sflag:s4] =	ssyncadd.s32 $0xFFFFC000;
	s30 =	sshrl.u32 s17, $0x2  }
0x24: {  	s31 =	sshrl.u32 s18, $0x2;
	s18 =	simm.s32 $0x0;
	s16 =	sshrl.u32 s16, $0x2  }
0x25: {  	s15 =	sor.u32 $0x8000, s30;
	s17 =	sadd.s32 $0x20, s31;
	s16 =	sor.u32 $0x8000, s16  }
.LBB1_3:
0x26: {  	s19 =	sshll.u32 s18, $0xD  }
0x27: {  	s19 =	sand.u32 $0x3FFFE000, s19  }
0x28: {  	s21 =	sadd.s32 s19, s17  }
0x29: {  	s31 =	smul.u32 $0x8100, s18;
	v3 =	vld [tilespmem:s21+$0x10]  }
0x2a: {  	v1 =	vld [tilespmem:s21+$0xFFFFFFF0]  }
0x2b: {  	s18 =	sshra.s32 s31, $0x2;
	v0 =	vld [tilespmem:s21+$0x0]  }
0x2c: {  	s18 =	sadd.s32 s18, s16;
	v2 =	vld [tilespmem:s21+$0xFFFFFFE0]  }
0x2d: {  	s19 =	sadd.s32 $0x0, s18  }
0x2e: {  	p1 =	por p2, p2;
	s20 =	simm.s32 $0x4;
	s21 =	sadd.s32 $0x40, s21;
	[tilespmem:s19+$0x1830 ss:$0x81] =	vst.msk $0xffff, v3  }
.LBB1_4:
0x2f: {  	v3 =	vld [tilespmem:s21+$0x10];
	p2 =	sne.s32 s20, $0x1FC;
	[tilespmem:s19+$0x810 ss:$0x81] =	vst.msk $0xffff, v1;
	s22 =	smov.u32 s20;
	s20 =	sadd.s32 $0x4, s20  }
.Ltmp3:
0x30: {  	v1 =	vld [tilespmem:s21+$0xFFFFFFF0];
	[tilespmem:s19+$0x1020 ss:$0x81] =	vst.msk $0xffff, v0;
	(pc) =	sbr.rel @p2 .LBB1_4-.Ltmp3, $4  }
0x31: {  	v0 =	vld [tilespmem:s21+$0x0];
	[tilespmem:s19+$0x0 ss:$0x81] =	vst.msk $0xffff, v2  }
0x32: {  	s19 =	sshra.s32 s22, $0x2;
	v2 =	vld [tilespmem:s21+$0xFFFFFFE0]  }
0x33: {  	s19 =	sadd.s32 s19, s18  }
0x34: {  	s21 =	sadd.s32 $0x40, s21;
	[tilespmem:s19+$0x1830 ss:$0x81] =	vst.msk $0xffff, v3  }
.Ltmp4:
0x35: {  	(pc) =	sbr.rel @p1 .LBB1_3-.Ltmp4, $4  }
0x36: {  	_ = 	snop  }
0x37: {  	[tilespmem:s19+$0x810 ss:$0x81] =	vst.msk $0xffff, v1  }
0x38: {  	[tilespmem:s19+$0x1020 ss:$0x81] =	vst.msk $0xffff, v0  }
0x39: {  	s18 =	simm.s32 $0x1;
	p2 =	por $0x0, $0x0;
	[tilespmem:s19+$0x0 ss:$0x81] =	vst.msk $0xffff, v2  }
.Ltmp5:
0x3a: {  	(pc) =	sbr.rel .LBB1_7-.Ltmp5, $4  }
0x3b: {  	s14 =	sshll.u32 s14, $0xF  }
0x3c: {  	s14 =	sadd.s32 s3, s14  }
0x3d: {  	s13 =	sadd.s32 s13, s14  }
0x3e: {  	[hbm4b:s13+s9] =	stream.strided.scatter [tilespmem:s15], [sflag:$0x2], $0x4000, s10, s9, $0x20;
	[tilespmem:$0x10100] =	vst v63  }
.LBB1_8:
0x3f: {  	_ =	sfence.sel $0x180000  }
0x40: {  	s2 =	simm.s32 $0x1;
	[bflag:$0x0] =	sbarrier.arrive $0xFFFF  }
0x41: {  	s31 =	simm.s32 $0x2;
	[sflag:s2] =	ssyncpa.u1 $0x1  }
0x42: {  	[sflag:s31] =	ssyncpa.u1 $0x1  }
0x43: {  	p0 =	sne.s32 s0, $0x0;
	_ =	strace $0x9000004A  }
0x44: {  	s0 =	sadd.s32 @!p0 $0x100000, s1;
	[bflag:$0x2] =	sbarrier.arrive $0xFFFF  }
0x45: {  	[sflag:s0] =	ssyncadd.tile.s32 @!p0 $0x1;
	_ =	shalt  }
.Lfunc_end1:
_tile_overlayer_lowered:
.L_overlay_start_2:
0x46: {  	(tag) =	ssettag $0x2  }
0x47: {  	s0 =	rddreg [dreg:$0x0];
	s2 =	stileid.u32  }
0x48: {  	s1 =	rddreg [dreg:$0x1];
	p0 =	sne.s32 s2, $0x0  }
0x49: {  	s3 =	rddreg [dreg:$0x2];
	[bflag:$0x3] =	sbarrier.arrive $0xFFFF;
	s2 =	simm.s32 @!p0 $0x1C01  }
0x4a: {  	[timem:s3], [sflag:s2] =	dma.local @!p0 [hbm:s0], s1  }
0x4b: {  	s0 =	simm.s32 @!p0 $0x1  }
0x4c: {  	_ =	swait.ge @!p0 [sflag:s0], s1  }
0x4d: {  	s1 =	ssub.s32 @!p0 $0x0, s1;
	[sflag:s0] =	ssyncset.done @!p0 $0x0  }
0x4e: {  	[sflag:s0] =	ssyncadd.s32 @!p0 s1  }
0x4f: {  	[bflag:$0x3] =	sbarrier.arrive $0xFFFF  }
0x50: {  	_ =	shalt  }

</sc_bundles>
